<compile_context>
chip_gen: v7x
topology: tpu7x:2x2x1
jax: 0.10.2.dev20260603
libtpu: 0.0.44.dev20260713+nightly
codegen_flags: <defaults>
</compile_context>

<pallas_src>
import dataclasses
import functools

import jax
import jax.numpy as jnp
from jax import lax
from jax.experimental import pallas as pl
from jax.experimental.pallas import tpu as pltpu
from jax.experimental.pallas import tpu_sc as plsc

N_NODES = 100000
D = 128
E_EDGES = 200000

NC = 2
NS = 16
BIN = 12288
PASS_SPAN = NC * BIN
NPASS = -(-N_NODES // PASS_SPAN)
AGG_ROWS = NPASS * PASS_SPAN
DUMMY = BIN
SPMEM_ROWS = BIN + 128
SLICE = 12800
EP = NS * SLICE
CH = 128
EC = 3200
NEC = SLICE // EC
SELROWS = EC // CH + 1
NSUB = BIN // NS
PAD_DST = 1 << 20

DEG_ROWS = N_NODES + 352
DSUB = DEG_ROWS // NS
DCH = 56
EP_DEG = NC * NS * DCH * CH

_SC_PARAMS = dataclasses.replace(
    pltpu.CompilerParams(), needs_layout_passes=False
)


def _sc_aggregate(feat, src, dst):
    mesh = plsc.VectorSubcoreMesh(core_axis_name="c", subcore_axis_name="s")

    @functools.partial(
        pl.kernel,
        out_type=jax.ShapeDtypeStruct((AGG_ROWS, D), jnp.float32),
        mesh=mesh,
        scratch_types=[
            pltpu.VMEM((EC,), jnp.int32),
            pltpu.VMEM((EC,), jnp.int32),
            pltpu.VMEM((SELROWS, CH), jnp.int32),
            pltpu.VMEM((SELROWS, CH), jnp.int32),
            pltpu.VMEM((CH, D), jnp.float32),
            pltpu.VMEM_SHARED((SPMEM_ROWS, D), jnp.float32),
        ],
        compiler_params=_SC_PARAMS,
    )
    def k(feat_hbm, src_hbm, dst_hbm, agg_hbm,
          src_c, dst_c, sel_src, sel_dst, grows, sp_agg):
        c = lax.axis_index("c")
        s = lax.axis_index("s")
        zero16 = jnp.zeros((16,), jnp.float32)
        lane = lax.iota(jnp.int32, 16)

        @pl.loop(0, NPASS)
        def _(p):
            base = p * PASS_SPAN + c * BIN

            @pl.loop(0, CH)
            def _(r):
                @pl.loop(0, D // 16)
                def _(q):
                    grows[r, pl.ds(q * 16, 16)] = zero16

            @pl.loop(0, NSUB // CH)
            def _(z):
                pltpu.sync_copy(grows, sp_agg.at[pl.ds(s * NSUB + z * CH, CH)])

            plsc.subcore_barrier()

            @pl.loop(0, NEC)
            def _(ec):
                eoff = s * SLICE + ec * EC
                pltpu.sync_copy(src_hbm.at[pl.ds(eoff, EC)], src_c)
                pltpu.sync_copy(dst_hbm.at[pl.ds(eoff, EC)], dst_c)

                def filt(i, cur):
                    dvec = dst_c[pl.ds(i * 16, 16)]
                    local = dvec - base
                    m = jnp.logical_and(local >= 0, local < BIN)
                    mi = m.astype(jnp.int32)
                    pos = cur + jnp.cumsum(mi) - 1
                    pr = lax.shift_right_logical(pos, 7)
                    pc = lax.bitwise_and(pos, 127)
                    plsc.store_scatter(sel_dst, [pr, pc], local, mask=m)
                    svec = src_c[pl.ds(i * 16, 16)]
                    plsc.store_scatter(sel_src, [pr, pc], svec, mask=m)
                    return cur + jnp.sum(mi)

                n = lax.fori_loop(0, EC // 16, filt, jnp.int32(0))

                nch = (n + CH - 1) // CH
                npad = (nch * CH - n + 15) // 16

                @pl.loop(0, npad)
                def _(q):
                    pos = n + q * 16 + lane
                    pr = lax.shift_right_logical(pos, 7)
                    pc = lax.bitwise_and(pos, 127)
                    plsc.store_scatter(
                        sel_dst, [pr, pc], jnp.full((16,), DUMMY, jnp.int32))
                    plsc.store_scatter(
                        sel_src, [pr, pc], jnp.zeros((16,), jnp.int32))

                @pl.loop(0, nch)
                def _(j):
                    pltpu.sync_copy(feat_hbm.at[sel_src.at[j]], grows)
                    pltpu.sync_copy(grows, sp_agg.at[sel_dst.at[j]], add=True)

            plsc.subcore_barrier()

            pltpu.sync_copy(sp_agg.at[pl.ds(s * NSUB, NSUB)],
                            agg_hbm.at[pl.ds(base + s * NSUB, NSUB)])

    return k(feat, src, dst)


def _sc_degrees(dst2d_f, dst2d_r, dst2d_rb, zrows):
    mesh = plsc.VectorSubcoreMesh(core_axis_name="c", subcore_axis_name="s")

    @functools.partial(
        pl.kernel,
        out_type=(
            jax.ShapeDtypeStruct((NC * DEG_ROWS,), jnp.float32),
            jax.ShapeDtypeStruct((NC * DEG_ROWS,), jnp.float32),
            jax.ShapeDtypeStruct((NC * DEG_ROWS,), jnp.float32),
        ),
        mesh=mesh,
        scratch_types=[
            pltpu.VMEM((DCH, CH), jnp.int32),
            pltpu.VMEM((CH,), jnp.float32),
            pltpu.VMEM_SHARED((DEG_ROWS,), jnp.float32),
        ],
        compiler_params=_SC_PARAMS,
    )
    def k(df_hbm, dr_hbm, drb_hbm, z_hbm, of_hbm, or_hbm, orb_hbm,
          dstc, ones_v, sp_deg):
        c = lax.axis_index("c")
        s = lax.axis_index("s")
        one16 = jnp.ones((16,), jnp.float32)

        @pl.loop(0, CH // 16)
        def _(r):
            ones_v[pl.ds(r * 16, 16)] = one16

        def one_round(dst_hbm, deg_hbm):
            pltpu.sync_copy(z_hbm, sp_deg.at[pl.ds(s * DSUB, DSUB)])
            plsc.subcore_barrier()
            pltpu.sync_copy(
                dst_hbm.at[pl.ds((c * NS + s) * DCH, DCH)], dstc)

            @pl.loop(0, DCH)
            def _(r):
                pltpu.sync_copy(ones_v, sp_deg.at[dstc.at[r]], add=True)

            plsc.subcore_barrier()
            pltpu.sync_copy(
                sp_deg.at[pl.ds(s * DSUB, DSUB)],
                deg_hbm.at[pl.ds(c * DEG_ROWS + s * DSUB, DSUB)])

        one_round(df_hbm, of_hbm)
        one_round(dr_hbm, or_hbm)
        one_round(drb_hbm, orb_hbm)

    return k(dst2d_f, dst2d_r, dst2d_rb, zrows)


def _tc_combine(agg_f, deg_f, agg_rb, deg_rb, agg_r, deg_r,
                w_f, b_f, w_rb, b_rb, w_r, b_r):
    nb = 50
    rows = N_NODES // nb

    def body(af, df0, df1, arb, drb0, drb1, ar, dr0, dr1,
             wf, bf, wrb, brb, wr, br, hu, hi):
        df = df0[...][0] + df1[...][0]
        drb = drb0[...][0] + drb1[...][0]
        dr = dr0[...][0] + dr1[...][0]
        t = jnp.dot(af[...], wf[...], preferred_element_type=jnp.float32)
        t += df * bf[...]
        t += jnp.dot(arb[...], wrb[...], preferred_element_type=jnp.float32)
        t += drb * brb[...]
        hu[...] = jnp.maximum(t, 0.0)
        u = jnp.dot(ar[...], wr[...], preferred_element_type=jnp.float32)
        u += dr * br[...]
        hi[...] = jnp.maximum(u, 0.0)

    blk = lambda i: (i, 0)
    rep = lambda i: (0, 0)
    dg0 = lambda i: (0, i, 0)
    dg1 = lambda i: (1, i, 0)
    return pl.pallas_call(
        body,
        grid=(nb,),
        in_specs=[
            pl.BlockSpec((rows, D), blk),
            pl.BlockSpec((1, rows, 1), dg0),
            pl.BlockSpec((1, rows, 1), dg1),
            pl.BlockSpec((rows, D), blk),
            pl.BlockSpec((1, rows, 1), dg0),
            pl.BlockSpec((1, rows, 1), dg1),
            pl.BlockSpec((rows, D), blk),
            pl.BlockSpec((1, rows, 1), dg0),
            pl.BlockSpec((1, rows, 1), dg1),
            pl.BlockSpec((D, D), rep),
            pl.BlockSpec((1, D), rep),
            pl.BlockSpec((D, D), rep),
            pl.BlockSpec((1, D), rep),
            pl.BlockSpec((D, D), rep),
            pl.BlockSpec((1, D), rep),
        ],
        out_specs=[
            pl.BlockSpec((rows, D), blk),
            pl.BlockSpec((rows, D), blk),
        ],
        out_shape=[
            jax.ShapeDtypeStruct((N_NODES, D), jnp.float32),
            jax.ShapeDtypeStruct((N_NODES, D), jnp.float32),
        ],
    )(agg_f, deg_f, deg_f, agg_rb, deg_rb, deg_rb, agg_r, deg_r, deg_r,
      w_f, b_f, w_rb, b_rb, w_r, b_r)


def _pad_edges(edge_index):
    src = jnp.pad(edge_index[0], (0, EP - E_EDGES))
    dst = jnp.pad(edge_index[1], (0, EP - E_EDGES), constant_values=PAD_DST)
    dst2d = jnp.pad(edge_index[1], (0, EP_DEG - E_EDGES),
                    constant_values=N_NODES).reshape(EP_DEG // CH, CH)
    return src, dst, dst2d


def kernel(feat_user, feat_item, edge_index_follows, edge_index_rates,
           edge_index_rated_by, W_follows, b_follows, W_rates, b_rates,
           W_rated_by, b_rated_by):
    src_f, dst_f, d2_f = _pad_edges(edge_index_follows)
    src_r, dst_r, d2_r = _pad_edges(edge_index_rates)
    src_rb, dst_rb, d2_rb = _pad_edges(edge_index_rated_by)
    zrows = jnp.zeros((DSUB,), jnp.float32)

    deg_f, deg_r, deg_rb = _sc_degrees(d2_f, d2_r, d2_rb, zrows)
    deg_f = deg_f.reshape(NC, DEG_ROWS)[:, :N_NODES, None]
    deg_r = deg_r.reshape(NC, DEG_ROWS)[:, :N_NODES, None]
    deg_rb = deg_rb.reshape(NC, DEG_ROWS)[:, :N_NODES, None]
    agg_f = _sc_aggregate(feat_user, src_f, dst_f)
    agg_rb = _sc_aggregate(feat_item, src_rb, dst_rb)
    agg_r = _sc_aggregate(feat_user, src_r, dst_r)

    h_user, h_item = _tc_combine(
        agg_f, deg_f, agg_rb, deg_rb, agg_r, deg_r,
        W_follows, b_follows.reshape(1, D),
        W_rated_by, b_rated_by.reshape(1, D),
        W_rates, b_rates.reshape(1, D),
    )
    return (h_user, h_item)

# --- scband reference (transcript-rebuilt; emitter-appended) ---
"""Pipeline reference for scband-hetero-gcnlayer-14259291423311 (READ-ONLY COPY).

The authoritative reference and input builder live on the scoring server;
editing this copy changes nothing except your own understanding.
"""

import jax, jax.numpy as jnp
import numpy as np

N_USER = 100000
N_ITEM = 100000
D_IN = 128
D_OUT = 128
E = 200000


def setup_inputs(seed: int = 0) -> dict:
    key = jax.random.key(seed)
    ks = jax.random.split(key, 12)
    feat_user = jax.random.normal(ks[0], (N_USER, D_IN), dtype=jnp.float32)
    feat_item = jax.random.normal(ks[1], (N_ITEM, D_IN), dtype=jnp.float32)
    edge_index_follows = jax.random.randint(ks[2], (2, E), 0, N_USER, dtype=jnp.int32)
    edge_index_rates = jax.random.randint(ks[3], (2, E), 0, N_USER, dtype=jnp.int32)  # src<N_USER, dst<N_ITEM (both 100000)
    edge_index_rated_by = jax.random.randint(ks[4], (2, E), 0, N_ITEM, dtype=jnp.int32)
    s = 1.0 / np.sqrt(D_IN)
    W_follows = jax.random.uniform(ks[5], (D_IN, D_OUT), dtype=jnp.float32, minval=-s, maxval=s)
    b_follows = jax.random.uniform(ks[6], (D_OUT,), dtype=jnp.float32, minval=-s, maxval=s)
    W_rates = jax.random.uniform(ks[7], (D_IN, D_OUT), dtype=jnp.float32, minval=-s, maxval=s)
    b_rates = jax.random.uniform(ks[8], (D_OUT,), dtype=jnp.float32, minval=-s, maxval=s)
    W_rated_by = jax.random.uniform(ks[9], (D_IN, D_OUT), dtype=jnp.float32, minval=-s, maxval=s)
    b_rated_by = jax.random.uniform(ks[10], (D_OUT,), dtype=jnp.float32, minval=-s, maxval=s)
    return {
        "feat_user": feat_user,
        "feat_item": feat_item,
        "edge_index_follows": edge_index_follows,
        "edge_index_rates": edge_index_rates,
        "edge_index_rated_by": edge_index_rated_by,
        "W_follows": W_follows, "b_follows": b_follows,
        "W_rates": W_rates, "b_rates": b_rates,
        "W_rated_by": W_rated_by, "b_rated_by": b_rated_by,
    }


def reference(feat_user, feat_item, edge_index_follows, edge_index_rates,
              edge_index_rated_by, W_follows, b_follows, W_rates, b_rates,
              W_rated_by, b_rated_by):
    # Per-etype linear transform of source-node features (fc[etype](feat_dict[srctype]))
    Wh_follows = feat_user @ W_follows + b_follows      # src=user -> dst=user
    Wh_rates = feat_user @ W_rates + b_rates            # src=user -> dst=item
    Wh_rated_by = feat_item @ W_rated_by + b_rated_by   # src=item -> dst=user

    # Message passing: gather Wh at edge src, sum-reduce into dst (mailbox sum),
    # then DGL cross_reducer 'sum' across etypes targeting the same dst ntype.
    h_user = jax.ops.segment_sum(Wh_follows[edge_index_follows[0]],
                                 edge_index_follows[1], num_segments=N_USER)
    h_user = h_user + jax.ops.segment_sum(Wh_rated_by[edge_index_rated_by[0]],
                                          edge_index_rated_by[1], num_segments=N_USER)
    h_item = jax.ops.segment_sum(Wh_rates[edge_index_rates[0]],
                                 edge_index_rates[1], num_segments=N_ITEM)

    # use_relu=True
    h_user = jax.nn.relu(h_user)
    h_item = jax.nn.relu(h_item)
    return (h_user, h_item)

if __name__ == "__main__":
    import jax
    _d = setup_inputs()
    print(jax.jit(kernel)(*tuple(_d.values())))

</pallas_src>

<mosaic_0001>
#map = affine_map<(d0, d1) -> (0, 0)>
#map1 = affine_map<(d0, d1) -> (0)>
module attributes {stable_mosaic.version = 14 : i64} {
  func.func @k(%arg0: i32, %arg1: i32, %arg2: memref<100000x128xf32, #tpu.memory_space<hbm>>, %arg3: memref<204800xi32, #tpu.memory_space<hbm>>, %arg4: memref<204800xi32, #tpu.memory_space<hbm>>, %arg5: memref<122880x128xf32, #tpu.memory_space<hbm>>, %arg6: memref<3200xi32, #tpu.memory_space<vmem>>, %arg7: memref<3200xi32, #tpu.memory_space<vmem>>, %arg8: memref<26x128xi32, #tpu.memory_space<vmem>>, %arg9: memref<26x128xi32, #tpu.memory_space<vmem>>, %arg10: memref<128x128xf32, #tpu.memory_space<vmem>>, %arg11: memref<12416x128xf32, #tpu.memory_space<vmem_shared>>) attributes {dimension_semantics = [#tpu.dimension_semantics<core_parallel>, #tpu.dimension_semantics<subcore_parallel>], iteration_bounds = array<i64: 2, 16>, scalar_prefetch = 0 : i64, scratch_operands = 6 : i64, tpu.core_type = #tpu.core_type<sc_vector_subcore>, window_params = [{transform_indices = #map}, {transform_indices = #map1}, {transform_indices = #map1}, {transform_indices = #map}]} {
    %broadcast_in_dim3A = arith.constant 0.000000e+00 : f32
    %broadcast_in_dim3A_0 = vector.broadcast %broadcast_in_dim3A : f32 to vector<16xf32>
    %iota3A = tpu.iota {dimensions = array<i32: 0>} : vector<16xi32>
    %scan3A = arith.constant 0 : i32
    %scan3A_1 = arith.constant 5 : i32
    %scan3A_2 = arith.addi %scan3A, %scan3A_1 : i32
    %scan3A_3 = arith.constant 1 : i32
    scf.for %scan3A_5 = %scan3A to %scan3A_2 step %scan3A_3  : i32 {
      %mul3A = arith.constant 1 : i32
      %mul3A_6 = arith.muli %scan3A_5, %mul3A : i32
      %add3A = arith.constant 0 : i32
      %add3A_7 = arith.addi %add3A, %mul3A_6 : i32
      %mul3A_8 = arith.constant 24576 : i32
      %mul3A_9 = arith.muli %add3A_7, %mul3A_8 : i32
      %mul3A_10 = arith.constant 12288 : i32
      %mul3A_11 = arith.muli %arg0, %mul3A_10 : i32
      %add3A_12 = arith.addi %mul3A_9, %mul3A_11 : i32
      %scan3A_13 = arith.constant 0 : i32
      %scan3A_14 = arith.constant 128 : i32
      %scan3A_15 = arith.addi %scan3A_13, %scan3A_14 : i32
      %scan3A_16 = arith.constant 1 : i32
      scf.for %scan3A_34 = %scan3A_13 to %scan3A_15 step %scan3A_16  : i32 {
        %mul3A_35 = arith.constant 1 : i32
        %mul3A_36 = arith.muli %scan3A_34, %mul3A_35 : i32
        %add3A_37 = arith.constant 0 : i32
        %add3A_38 = arith.addi %add3A_37, %mul3A_36 : i32
        %scan3A_39 = arith.constant 0 : i32
        %scan3A_40 = arith.constant 8 : i32
        %scan3A_41 = arith.addi %scan3A_39, %scan3A_40 : i32
        %scan3A_42 = arith.constant 1 : i32
        scf.for %scan3A_44 = %scan3A_39 to %scan3A_41 step %scan3A_42  : i32 {
          %mul3A_45 = arith.constant 1 : i32
          %mul3A_46 = arith.muli %scan3A_44, %mul3A_45 : i32
          %add3A_47 = arith.constant 0 : i32
          %add3A_48 = arith.addi %add3A_47, %mul3A_46 : i32
          %mul3A_49 = arith.constant 16 : i32
          %mul3A_50 = arith.muli %add3A_48, %mul3A_49 : i32
          %swap3A = arith.index_cast %add3A_38 : i32 to index
          %swap3A_51 = arith.index_cast %mul3A_50 : i32 to index
          %swap3A_52 = tpu.vector_load %arg10[%swap3A, %swap3A_51] {strides = array<i32>} : memref<128x128xf32, #tpu.memory_space<vmem>>, vector<16xf32>,
          tpu.vector_store %arg10[%swap3A, %swap3A_51], %broadcast_in_dim3A_0 {strides = array<i32>} : memref<128x128xf32, #tpu.memory_space<vmem>>, vector<16xf32>,
        }
        %scan3A_43 = arith.constant 8 : i32
      }
      %scan3A_17 = arith.constant 128 : i32
      %scan3A_18 = arith.constant 0 : i32
      %scan3A_19 = arith.constant 6 : i32
      %scan3A_20 = arith.addi %scan3A_18, %scan3A_19 : i32
      %scan3A_21 = arith.constant 1 : i32
      scf.for %scan3A_34 = %scan3A_18 to %scan3A_20 step %scan3A_21  : i32 {
        %mul3A_35 = arith.constant 1 : i32
        %mul3A_36 = arith.muli %scan3A_34, %mul3A_35 : i32
        %add3A_37 = arith.constant 0 : i32
        %add3A_38 = arith.addi %add3A_37, %mul3A_36 : i32
        %mul3A_39 = arith.constant 768 : i32
        %mul3A_40 = arith.muli %arg1, %mul3A_39 : i32
        %mul3A_41 = arith.constant 128 : i32
        %mul3A_42 = arith.muli %add3A_38, %mul3A_41 : i32
        %add3A_43 = arith.addi %mul3A_40, %mul3A_42 : i32
        "tpu.region"() ({
          %run_scoped3A = tpu.sem_alloc : memref<!tpu.dma_semaphore, #tpu.memory_space<semaphore_mem>>
          %dma_start3A = arith.constant 0 : i32
          %dma_start3A_44 = tpu.memref_slice %arg11[%add3A_43, %dma_start3A] : memref<12416x128xf32, #tpu.memory_space<vmem_shared>> -> memref<128x128xf32, #tpu.memory_space<vmem_shared>>
          %dma_start3A_45 = arith.constant 0 : i32
          %dma_start3A_46 = tpu.memref_slice %arg11[%add3A_43, %dma_start3A_45] : memref<12416x128xf32, #tpu.memory_space<vmem_shared>> -> memref<128x128xf32, #tpu.memory_space<vmem_shared>>
          tpu.enqueue_dma source(%arg10 : memref<128x128xf32, #tpu.memory_space<vmem>>) target(%dma_start3A_46 : memref<128x128xf32, #tpu.memory_space<vmem_shared>>) target_semaphore(%run_scoped3A : memref<!tpu.dma_semaphore, #tpu.memory_space<semaphore_mem>>)
          %dma_wait3A = arith.constant 0 : i32
          %dma_wait3A_47 = tpu.memref_slice %arg11[%add3A_43, %dma_wait3A] : memref<12416x128xf32, #tpu.memory_space<vmem_shared>> -> memref<128x128xf32, #tpu.memory_space<vmem_shared>>
          %dma_wait3A_48 = arith.constant 0 : i32
          %dma_wait3A_49 = tpu.memref_slice %arg11[%add3A_43, %dma_wait3A_48] : memref<12416x128xf32, #tpu.memory_space<vmem_shared>> -> memref<128x128xf32, #tpu.memory_space<vmem_shared>>
          tpu.wait_dma2 semaphore(%run_scoped3A : memref<!tpu.dma_semaphore, #tpu.memory_space<semaphore_mem>>) src(%arg10 : memref<128x128xf32, #tpu.memory_space<vmem>>) dst(%dma_wait3A_49 : memref<128x128xf32, #tpu.memory_space<vmem_shared>>)
          tpu.yield
        }) : () -> ()
      }
      %scan3A_22 = arith.constant 6 : i32
      %barrier3A = arith.constant 0 : index
      tpu.barrier barrier_id(%barrier3A)
      %scan3A_23 = arith.constant 0 : i32
      %scan3A_24 = arith.constant 4 : i32
      %scan3A_25 = arith.addi %scan3A_23, %scan3A_24 : i32
      %scan3A_26 = arith.constant 1 : i32
      scf.for %scan3A_34 = %scan3A_23 to %scan3A_25 step %scan3A_26  : i32 {
        %mul3A_35 = arith.constant 1 : i32
        %mul3A_36 = arith.muli %scan3A_34, %mul3A_35 : i32
        %add3A_37 = arith.constant 0 : i32
        %add3A_38 = arith.addi %add3A_37, %mul3A_36 : i32
        %mul3A_39 = arith.constant 12800 : i32
        %mul3A_40 = arith.muli %arg1, %mul3A_39 : i32
        %mul3A_41 = arith.constant 3200 : i32
        %mul3A_42 = arith.muli %add3A_38, %mul3A_41 : i32
        %add3A_43 = arith.addi %mul3A_40, %mul3A_42 : i32
        "tpu.region"() ({
          %run_scoped3A = tpu.sem_alloc : memref<!tpu.dma_semaphore, #tpu.memory_space<semaphore_mem>>
          %dma_start3A = tpu.memref_slice %arg3[%add3A_43] : memref<204800xi32, #tpu.memory_space<hbm>> -> memref<3200xi32, #tpu.memory_space<hbm>>
          %dma_start3A_137 = tpu.memref_slice %arg3[%add3A_43] : memref<204800xi32, #tpu.memory_space<hbm>> -> memref<3200xi32, #tpu.memory_space<hbm>>
          tpu.enqueue_dma source(%dma_start3A_137 : memref<3200xi32, #tpu.memory_space<hbm>>) target(%arg6 : memref<3200xi32, #tpu.memory_space<vmem>>) target_semaphore(%run_scoped3A : memref<!tpu.dma_semaphore, #tpu.memory_space<semaphore_mem>>)
          %dma_wait3A = tpu.memref_slice %arg3[%add3A_43] : memref<204800xi32, #tpu.memory_space<hbm>> -> memref<3200xi32, #tpu.memory_space<hbm>>
          %dma_wait3A_138 = tpu.memref_slice %arg3[%add3A_43] : memref<204800xi32, #tpu.memory_space<hbm>> -> memref<3200xi32, #tpu.memory_space<hbm>>
          tpu.wait_dma2 semaphore(%run_scoped3A : memref<!tpu.dma_semaphore, #tpu.memory_space<semaphore_mem>>) src(%dma_wait3A_138 : memref<3200xi32, #tpu.memory_space<hbm>>) dst(%arg6 : memref<3200xi32, #tpu.memory_space<vmem>>)
          tpu.yield
        }) : () -> ()
        "tpu.region"() ({
          %run_scoped3A = tpu.sem_alloc : memref<!tpu.dma_semaphore, #tpu.memory_space<semaphore_mem>>
          %dma_start3A = tpu.memref_slice %arg4[%add3A_43] : memref<204800xi32, #tpu.memory_space<hbm>> -> memref<3200xi32, #tpu.memory_space<hbm>>
          %dma_start3A_137 = tpu.memref_slice %arg4[%add3A_43] : memref<204800xi32, #tpu.memory_space<hbm>> -> memref<3200xi32, #tpu.memory_space<hbm>>
          tpu.enqueue_dma source(%dma_start3A_137 : memref<3200xi32, #tpu.memory_space<hbm>>) target(%arg7 : memref<3200xi32, #tpu.memory_space<vmem>>) target_semaphore(%run_scoped3A : memref<!tpu.dma_semaphore, #tpu.memory_space<semaphore_mem>>)
          %dma_wait3A = tpu.memref_slice %arg4[%add3A_43] : memref<204800xi32, #tpu.memory_space<hbm>> -> memref<3200xi32, #tpu.memory_space<hbm>>
          %dma_wait3A_138 = tpu.memref_slice %arg4[%add3A_43] : memref<204800xi32, #tpu.memory_space<hbm>> -> memref<3200xi32, #tpu.memory_space<hbm>>
          tpu.wait_dma2 semaphore(%run_scoped3A : memref<!tpu.dma_semaphore, #tpu.memory_space<semaphore_mem>>) src(%dma_wait3A_138 : memref<3200xi32, #tpu.memory_space<hbm>>) dst(%arg7 : memref<3200xi32, #tpu.memory_space<vmem>>)
          tpu.yield
        }) : () -> ()
        %scan3A_44 = arith.constant 0 : i32
        %scan3A_45 = arith.constant 0 : i32
        %scan3A_46 = arith.constant 200 : i32
        %scan3A_47 = arith.addi %scan3A_45, %scan3A_46 : i32
        %scan3A_48 = arith.constant 1 : i32
        %scan3A_49 = scf.for %scan3A_137 = %scan3A_45 to %scan3A_47 step %scan3A_48 iter_args(%scan3A_138 = %scan3A_44) -> (i32)  : i32 {
          %mul3A_139 = arith.constant 16 : i32
          %mul3A_140 = arith.muli %scan3A_137, %mul3A_139 : i32
          %get3A = arith.index_cast %mul3A_140 : i32 to index
          %get3A_141 = tpu.vector_load %arg7[%get3A] {strides = array<i32>} : memref<3200xi32, #tpu.memory_space<vmem>>, vector<16xi32>,
          %sub3A_142 = vector.broadcast %add3A_12 : i32 to vector<16xi32>
          %sub3A_143 = arith.subi %get3A_141, %sub3A_142 : vector<16xi32>
          %ge3A = arith.constant 0 : i32
          %ge3A_144 = vector.broadcast %ge3A : i32 to vector<16xi32>
          %ge3A_145 = arith.cmpi sge, %sub3A_143, %ge3A_144 : vector<16xi32>
          %lt3A = arith.constant 12288 : i32
          %lt3A_146 = vector.broadcast %lt3A : i32 to vector<16xi32>
          %lt3A_147 = arith.cmpi slt, %sub3A_143, %lt3A_146 : vector<16xi32>
          %and3A_148 = arith.andi %ge3A_145, %lt3A_147 : vector<16xi1>
          %convert_element_type3A = arith.extui %and3A_148 : vector<16xi1> to vector<16xi32>
          %cumsum3A = arith.constant true
          %cumsum3A_149 = vector.broadcast %cumsum3A : i1 to vector<16xi1>
          %cumsum3A_150 = tpu.scan <sum>, %convert_element_type3A masked %cumsum3A_149 : vector<16xi32>, vector<16xi1> -> vector<16xi32>
          %add3A_151 = vector.broadcast %scan3A_138 : i32 to vector<16xi32>
          %add3A_152 = arith.addi %add3A_151, %cumsum3A_150 : vector<16xi32>
          %sub3A_153 = arith.constant 1 : i32
          %sub3A_154 = vector.broadcast %sub3A_153 : i32 to vector<16xi32>
          %sub3A_155 = arith.subi %add3A_152, %sub3A_154 : vector<16xi32>
          %shift_right_logical3A = arith.constant 7 : i32
          %shift_right_logical3A_156 = vector.broadcast %shift_right_logical3A : i32 to vector<16xi32>
          %shift_right_logical3A_157 = arith.shrui %sub3A_155, %shift_right_logical3A_156 : vector<16xi32>
          %and3A_158 = arith.constant 127 : i32
          %and3A_159 = vector.broadcast %and3A_158 : i32 to vector<16xi32>
          %and3A_160 = arith.andi %sub3A_155, %and3A_159 : vector<16xi32>
          tpu.vector_store_idx %arg9[%shift_right_logical3A_157, %and3A_160], %sub3A_143 masked %and3A_148 : memref<26x128xi32, #tpu.memory_space<vmem>>[vector<16xi32>, vector<16xi32>], vector<16xi32>, vector<16xi1>
          %mul3A_161 = arith.constant 16 : i32
          %mul3A_162 = arith.muli %scan3A_137, %mul3A_161 : i32
          %get3A_163 = arith.index_cast %mul3A_162 : i32 to index
          %get3A_164 = tpu.vector_load %arg6[%get3A_163] {strides = array<i32>} : memref<3200xi32, #tpu.memory_space<vmem>>, vector<16xi32>,
          tpu.vector_store_idx %arg8[%shift_right_logical3A_157, %and3A_160], %get3A_164 masked %and3A_148 : memref<26x128xi32, #tpu.memory_space<vmem>>[vector<16xi32>, vector<16xi32>], vector<16xi32>, vector<16xi1>
          %reduce_sum3A = arith.constant true
          %reduce_sum3A_165 = vector.broadcast %reduce_sum3A : i1 to vector<16xi1>
          %reduce_sum3A_166 = tpu.scan <sum>, %convert_element_type3A masked %reduce_sum3A_165 : vector<16xi32>, vector<16xi1> -> vector<16xi32>
          %reduce_sum3A_167 = vector.extract %reduce_sum3A_166[15] : i32 from vector<16xi32>
          %add3A_168 = arith.addi %scan3A_138, %reduce_sum3A_167 : i32
          scf.yield %add3A_168 : i32
        }
        %scan3A_50 = arith.constant 200 : i32
        %add3A_51 = arith.constant 128 : i32
        %add3A_52 = arith.addi %scan3A_49, %add3A_51 : i32
        %sub3A = arith.constant 1 : i32
        %sub3A_53 = arith.subi %add3A_52, %sub3A : i32
        %jit3A = arith.constant 128 : i32
        %div3A = arith.divsi %sub3A_53, %jit3A : i32
        %sign3A = arith.constant 0 : i32
        %sign3A_54 = arith.cmpi sgt, %sub3A_53, %sign3A : i32
        %sign3A_55 = arith.extui %sign3A_54 : i1 to i32
        %sign3A_56 = arith.constant 0 : i32
        %sign3A_57 = arith.cmpi slt, %sub3A_53, %sign3A_56 : i32
        %sign3A_58 = arith.extui %sign3A_57 : i1 to i32
        %sign3A_59 = arith.subi %sign3A_55, %sign3A_58 : i32
        %sign3A_60 = arith.constant 0 : i32
        %sign3A_61 = arith.cmpi sgt, %jit3A, %sign3A_60 : i32
        %sign3A_62 = arith.extui %sign3A_61 : i1 to i32
        %sign3A_63 = arith.constant 0 : i32
        %sign3A_64 = arith.cmpi slt, %jit3A, %sign3A_63 : i32
        %sign3A_65 = arith.extui %sign3A_64 : i1 to i32
        %sign3A_66 = arith.subi %sign3A_62, %sign3A_65 : i32
        %ne3A = arith.cmpi ne, %sign3A_59, %sign3A_66 : i32
        %rem3A = arith.remsi %sub3A_53, %jit3A : i32
        %ne3A_67 = arith.constant 0 : i32
        %ne3A_68 = arith.cmpi ne, %rem3A, %ne3A_67 : i32
        %and3A = arith.andi %ne3A, %ne3A_68 : i1
        %sub3A_69 = arith.constant 1 : i32
        %sub3A_70 = arith.subi %div3A, %sub3A_69 : i32
        %select_n3A = arith.select %and3A, %sub3A_70, %div3A : i32
        %mul3A_71 = arith.constant 128 : i32
        %mul3A_72 = arith.muli %select_n3A, %mul3A_71 : i32
        %sub3A_73 = arith.subi %mul3A_72, %scan3A_49 : i32
        %add3A_74 = arith.constant 15 : i32
        %add3A_75 = arith.addi %sub3A_73, %add3A_74 : i32
        %jit3A_76 = arith.constant 16 : i32
        %div3A_77 = arith.divsi %add3A_75, %jit3A_76 : i32
        %sign3A_78 = arith.constant 0 : i32
        %sign3A_79 = arith.cmpi sgt, %add3A_75, %sign3A_78 : i32
        %sign3A_80 = arith.extui %sign3A_79 : i1 to i32
        %sign3A_81 = arith.constant 0 : i32
        %sign3A_82 = arith.cmpi slt, %add3A_75, %sign3A_81 : i32
        %sign3A_83 = arith.extui %sign3A_82 : i1 to i32
        %sign3A_84 = arith.subi %sign3A_80, %sign3A_83 : i32
        %sign3A_85 = arith.constant 0 : i32
        %sign3A_86 = arith.cmpi sgt, %jit3A_76, %sign3A_85 : i32
        %sign3A_87 = arith.extui %sign3A_86 : i1 to i32
        %sign3A_88 = arith.constant 0 : i32
        %sign3A_89 = arith.cmpi slt, %jit3A_76, %sign3A_88 : i32
        %sign3A_90 = arith.extui %sign3A_89 : i1 to i32
        %sign3A_91 = arith.subi %sign3A_87, %sign3A_90 : i32
        %ne3A_92 = arith.cmpi ne, %sign3A_84, %sign3A_91 : i32
        %rem3A_93 = arith.remsi %add3A_75, %jit3A_76 : i32
        %ne3A_94 = arith.constant 0 : i32
        %ne3A_95 = arith.cmpi ne, %rem3A_93, %ne3A_94 : i32
        %and3A_96 = arith.andi %ne3A_92, %ne3A_95 : i1
        %sub3A_97 = arith.constant 1 : i32
        %sub3A_98 = arith.subi %div3A_77, %sub3A_97 : i32
        %select_n3A_99 = arith.select %and3A_96, %sub3A_98, %div3A_77 : i32
        %sub3A_100 = arith.constant 0 : i32
        %sub3A_101 = arith.subi %select_n3A_99, %sub3A_100 : i32
        %sub3A_102 = arith.constant 1 : i32
        %sub3A_103 = arith.constant 1 : i32
        %sub3A_104 = arith.subi %sub3A_102, %sub3A_103 : i32
        %add3A_105 = arith.addi %sub3A_101, %sub3A_104 : i32
        %div3A_106 = arith.constant 1 : i32
        %div3A_107 = arith.divsi %add3A_105, %div3A_106 : i32
        %while3A = arith.constant 1 : i32
        %while3A_108 = arith.constant 0 : i32
        %while3A_109 = arith.constant 0 : i32
        %while3A_110 = arith.subi %div3A_107, %while3A_109 : i32
        %while3A_111 = arith.addi %while3A_109, %while3A_110 : i32
        %while3A_112 = arith.constant 1 : i32
        %while3A_113 = arith.divsi %while3A_110, %while3A_112 : i32
        %while3A_114 = arith.muli %while3A_113, %while3A_112 : i32
        %while3A_115 = arith.addi %while3A_109, %while3A_114 : i32
        %while3A_116 = arith.constant 1 : i32
        scf.for %while3A_137 = %while3A_109 to %while3A_115 step %while3A_116  : i32 {
          %mul3A_138 = arith.muli %while3A_137, %while3A : i32
          %add3A_139 = arith.addi %while3A_108, %mul3A_138 : i32
          %mul3A_140 = arith.constant 16 : i32
          %mul3A_141 = arith.muli %add3A_139, %mul3A_140 : i32
          %add3A_142 = arith.addi %scan3A_49, %mul3A_141 : i32
          %add3A_143 = vector.broadcast %add3A_142 : i32 to vector<16xi32>
          %add3A_144 = arith.addi %add3A_143, %iota3A : vector<16xi32>
          %shift_right_logical3A = arith.constant 7 : i32
          %shift_right_logical3A_145 = vector.broadcast %shift_right_logical3A : i32 to vector<16xi32>
          %shift_right_logical3A_146 = arith.shrui %add3A_144, %shift_right_logical3A_145 : vector<16xi32>
          %and3A_147 = arith.constant 127 : i32
          %and3A_148 = vector.broadcast %and3A_147 : i32 to vector<16xi32>
          %and3A_149 = arith.andi %add3A_144, %and3A_148 : vector<16xi32>
          %broadcast_in_dim3A_150 = arith.constant 12288 : i32
          %broadcast_in_dim3A_151 = vector.broadcast %broadcast_in_dim3A_150 : i32 to vector<16xi32>
          tpu.vector_store_idx %arg9[%shift_right_logical3A_146, %and3A_149], %broadcast_in_dim3A_151 : memref<26x128xi32, #tpu.memory_space<vmem>>[vector<16xi32>, vector<16xi32>], vector<16xi32>,
          %broadcast_in_dim3A_152 = arith.constant 0 : i32
          %broadcast_in_dim3A_153 = vector.broadcast %broadcast_in_dim3A_152 : i32 to vector<16xi32>
          tpu.vector_store_idx %arg8[%shift_right_logical3A_146, %and3A_149], %broadcast_in_dim3A_153 : memref<26x128xi32, #tpu.memory_space<vmem>>[vector<16xi32>, vector<16xi32>], vector<16xi32>,
        }
        %while3A_117 = arith.constant 1 : i32
        scf.for %while3A_137 = %while3A_115 to %while3A_111 step %while3A_117  : i32 {
          %mul3A_138 = arith.muli %while3A_137, %while3A : i32
          %add3A_139 = arith.addi %while3A_108, %mul3A_138 : i32
          %mul3A_140 = arith.constant 16 : i32
          %mul3A_141 = arith.muli %add3A_139, %mul3A_140 : i32
          %add3A_142 = arith.addi %scan3A_49, %mul3A_141 : i32
          %add3A_143 = vector.broadcast %add3A_142 : i32 to vector<16xi32>
          %add3A_144 = arith.addi %add3A_143, %iota3A : vector<16xi32>
          %shift_right_logical3A = arith.constant 7 : i32
          %shift_right_logical3A_145 = vector.broadcast %shift_right_logical3A : i32 to vector<16xi32>
          %shift_right_logical3A_146 = arith.shrui %add3A_144, %shift_right_logical3A_145 : vector<16xi32>
          %and3A_147 = arith.constant 127 : i32
          %and3A_148 = vector.broadcast %and3A_147 : i32 to vector<16xi32>
          %and3A_149 = arith.andi %add3A_144, %and3A_148 : vector<16xi32>
          %broadcast_in_dim3A_150 = arith.constant 12288 : i32
          %broadcast_in_dim3A_151 = vector.broadcast %broadcast_in_dim3A_150 : i32 to vector<16xi32>
          tpu.vector_store_idx %arg9[%shift_right_logical3A_146, %and3A_149], %broadcast_in_dim3A_151 : memref<26x128xi32, #tpu.memory_space<vmem>>[vector<16xi32>, vector<16xi32>], vector<16xi32>,
          %broadcast_in_dim3A_152 = arith.constant 0 : i32
          %broadcast_in_dim3A_153 = vector.broadcast %broadcast_in_dim3A_152 : i32 to vector<16xi32>
          tpu.vector_store_idx %arg8[%shift_right_logical3A_146, %and3A_149], %broadcast_in_dim3A_153 : memref<26x128xi32, #tpu.memory_space<vmem>>[vector<16xi32>, vector<16xi32>], vector<16xi32>,
        }
        %sub3A_118 = arith.constant 0 : i32
        %sub3A_119 = arith.subi %select_n3A, %sub3A_118 : i32
        %sub3A_120 = arith.constant 1 : i32
        %sub3A_121 = arith.constant 1 : i32
        %sub3A_122 = arith.subi %sub3A_120, %sub3A_121 : i32
        %add3A_123 = arith.addi %sub3A_119, %sub3A_122 : i32
        %div3A_124 = arith.constant 1 : i32
        %div3A_125 = arith.divsi %add3A_123, %div3A_124 : i32
        %while3A_126 = arith.constant 1 : i32
        %while3A_127 = arith.constant 0 : i32
        %while3A_128 = arith.constant 0 : i32
        %while3A_129 = arith.subi %div3A_125, %while3A_128 : i32
        %while3A_130 = arith.addi %while3A_128, %while3A_129 : i32
        %while3A_131 = arith.constant 1 : i32
        %while3A_132 = arith.divsi %while3A_129, %while3A_131 : i32
        %while3A_133 = arith.muli %while3A_132, %while3A_131 : i32
        %while3A_134 = arith.addi %while3A_128, %while3A_133 : i32
        %while3A_135 = arith.constant 1 : i32
        scf.for %while3A_137 = %while3A_128 to %while3A_134 step %while3A_135  : i32 {
          %mul3A_138 = arith.muli %while3A_137, %while3A_126 : i32
          %add3A_139 = arith.addi %while3A_127, %mul3A_138 : i32
          "tpu.region"() ({
            %run_scoped3A = tpu.sem_alloc : memref<!tpu.dma_semaphore, #tpu.memory_space<semaphore_mem>>
            %dma_start3A = arith.constant 0 : i32
            %dma_start3A_140 = tpu.memref_slice %arg8[%add3A_139, %dma_start3A] : memref<26x128xi32, #tpu.memory_space<vmem>> -> memref<1x128xi32, #tpu.memory_space<vmem>>
            %dma_start3A_141 = tpu.memref_squeeze %dma_start3A_140 : memref<1x128xi32, #tpu.memory_space<vmem>> -> memref<128xi32, #tpu.memory_space<vmem>>
            %dma_start3A_142 = arith.constant 0 : i32
            %dma_start3A_143 = arith.constant 0 : i32
            %dma_start3A_144 = tpu.memref_slice %arg2[%dma_start3A_142, %dma_start3A_143] : memref<100000x128xf32, #tpu.memory_space<hbm>> -> memref<100000x128xf32, #tpu.memory_space<hbm>>
            tpu.enqueue_indirect_dma source(%dma_start3A_144 : memref<100000x128xf32, #tpu.memory_space<hbm>>) target(%arg10 : memref<128x128xf32, #tpu.memory_space<vmem>>) offsets(%dma_start3A_141 : memref<128xi32, #tpu.memory_space<vmem>>) semaphore(%run_scoped3A : memref<!tpu.dma_semaphore, #tpu.memory_space<semaphore_mem>>)
            %dma_wait3A = arith.constant 0 : i32
            %dma_wait3A_145 = tpu.memref_slice %arg8[%add3A_139, %dma_wait3A] : memref<26x128xi32, #tpu.memory_space<vmem>> -> memref<1x128xi32, #tpu.memory_space<vmem>>
            %dma_wait3A_146 = tpu.memref_squeeze %dma_wait3A_145 : memref<1x128xi32, #tpu.memory_space<vmem>> -> memref<128xi32, #tpu.memory_space<vmem>>
            %dma_wait3A_147 = arith.constant 0 : i32
            %dma_wait3A_148 = arith.constant 0 : i32
            %dma_wait3A_149 = tpu.memref_slice %arg2[%dma_wait3A_147, %dma_wait3A_148] : memref<100000x128xf32, #tpu.memory_space<hbm>> -> memref<100000x128xf32, #tpu.memory_space<hbm>>
            tpu.wait_indirect_dma semaphore(%run_scoped3A : memref<!tpu.dma_semaphore, #tpu.memory_space<semaphore_mem>>) src(%dma_wait3A_149 : memref<100000x128xf32, #tpu.memory_space<hbm>>) dst(%arg10 : memref<128x128xf32, #tpu.memory_space<vmem>>)
            tpu.yield
          }) : () -> ()
          "tpu.region"() ({
            %run_scoped3A = tpu.sem_alloc : memref<!tpu.dma_semaphore, #tpu.memory_space<semaphore_mem>>
            %dma_start3A = arith.constant 0 : i32
            %dma_start3A_140 = tpu.memref_slice %arg9[%add3A_139, %dma_start3A] : memref<26x128xi32, #tpu.memory_space<vmem>> -> memref<1x128xi32, #tpu.memory_space<vmem>>
            %dma_start3A_141 = tpu.memref_squeeze %dma_start3A_140 : memref<1x128xi32, #tpu.memory_space<vmem>> -> memref<128xi32, #tpu.memory_space<vmem>>
            %dma_start3A_142 = arith.constant 0 : i32
            %dma_start3A_143 = arith.constant 0 : i32
            %dma_start3A_144 = tpu.memref_slice %arg11[%dma_start3A_142, %dma_start3A_143] : memref<12416x128xf32, #tpu.memory_space<vmem_shared>> -> memref<12416x128xf32, #tpu.memory_space<vmem_shared>>
            tpu.enqueue_indirect_dma source(%arg10 : memref<128x128xf32, #tpu.memory_space<vmem>>) target(%dma_start3A_144 : memref<12416x128xf32, #tpu.memory_space<vmem_shared>>) offsets(%dma_start3A_141 : memref<128xi32, #tpu.memory_space<vmem>>) semaphore(%run_scoped3A : memref<!tpu.dma_semaphore, #tpu.memory_space<semaphore_mem>>) {add = true}
            %dma_wait3A = arith.constant 0 : i32
            %dma_wait3A_145 = tpu.memref_slice %arg9[%add3A_139, %dma_wait3A] : memref<26x128xi32, #tpu.memory_space<vmem>> -> memref<1x128xi32, #tpu.memory_space<vmem>>
            %dma_wait3A_146 = tpu.memref_squeeze %dma_wait3A_145 : memref<1x128xi32, #tpu.memory_space<vmem>> -> memref<128xi32, #tpu.memory_space<vmem>>
            %dma_wait3A_147 = arith.constant 0 : i32
            %dma_wait3A_148 = arith.constant 0 : i32
            %dma_wait3A_149 = tpu.memref_slice %arg11[%dma_wait3A_147, %dma_wait3A_148] : memref<12416x128xf32, #tpu.memory_space<vmem_shared>> -> memref<12416x128xf32, #tpu.memory_space<vmem_shared>>
            tpu.wait_indirect_dma semaphore(%run_scoped3A : memref<!tpu.dma_semaphore, #tpu.memory_space<semaphore_mem>>) src(%arg10 : memref<128x128xf32, #tpu.memory_space<vmem>>) dst(%dma_wait3A_149 : memref<12416x128xf32, #tpu.memory_space<vmem_shared>>)
            tpu.yield
          }) : () -> ()
        }
        %while3A_136 = arith.constant 1 : i32
        scf.for %while3A_137 = %while3A_134 to %while3A_130 step %while3A_136  : i32 {
          %mul3A_138 = arith.muli %while3A_137, %while3A_126 : i32
          %add3A_139 = arith.addi %while3A_127, %mul3A_138 : i32
          "tpu.region"() ({
            %run_scoped3A = tpu.sem_alloc : memref<!tpu.dma_semaphore, #tpu.memory_space<semaphore_mem>>
            %dma_start3A = arith.constant 0 : i32
            %dma_start3A_140 = tpu.memref_slice %arg8[%add3A_139, %dma_start3A] : memref<26x128xi32, #tpu.memory_space<vmem>> -> memref<1x128xi32, #tpu.memory_space<vmem>>
            %dma_start3A_141 = tpu.memref_squeeze %dma_start3A_140 : memref<1x128xi32, #tpu.memory_space<vmem>> -> memref<128xi32, #tpu.memory_space<vmem>>
            %dma_start3A_142 = arith.constant 0 : i32
            %dma_start3A_143 = arith.constant 0 : i32
            %dma_start3A_144 = tpu.memref_slice %arg2[%dma_start3A_142, %dma_start3A_143] : memref<100000x128xf32, #tpu.memory_space<hbm>> -> memref<100000x128xf32, #tpu.memory_space<hbm>>
            tpu.enqueue_indirect_dma source(%dma_start3A_144 : memref<100000x128xf32, #tpu.memory_space<hbm>>) target(%arg10 : memref<128x128xf32, #tpu.memory_space<vmem>>) offsets(%dma_start3A_141 : memref<128xi32, #tpu.memory_space<vmem>>) semaphore(%run_scoped3A : memref<!tpu.dma_semaphore, #tpu.memory_space<semaphore_mem>>)
            %dma_wait3A = arith.constant 0 : i32
            %dma_wait3A_145 = tpu.memref_slice %arg8[%add3A_139, %dma_wait3A] : memref<26x128xi32, #tpu.memory_space<vmem>> -> memref<1x128xi32, #tpu.memory_space<vmem>>
            %dma_wait3A_146 = tpu.memref_squeeze %dma_wait3A_145 : memref<1x128xi32, #tpu.memory_space<vmem>> -> memref<128xi32, #tpu.memory_space<vmem>>
            %dma_wait3A_147 = arith.constant 0 : i32
            %dma_wait3A_148 = arith.constant 0 : i32
            %dma_wait3A_149 = tpu.memref_slice %arg2[%dma_wait3A_147, %dma_wait3A_148] : memref<100000x128xf32, #tpu.memory_space<hbm>> -> memref<100000x128xf32, #tpu.memory_space<hbm>>
            tpu.wait_indirect_dma semaphore(%run_scoped3A : memref<!tpu.dma_semaphore, #tpu.memory_space<semaphore_mem>>) src(%dma_wait3A_149 : memref<100000x128xf32, #tpu.memory_space<hbm>>) dst(%arg10 : memref<128x128xf32, #tpu.memory_space<vmem>>)
            tpu.yield
          }) : () -> ()
          "tpu.region"() ({
            %run_scoped3A = tpu.sem_alloc : memref<!tpu.dma_semaphore, #tpu.memory_space<semaphore_mem>>
            %dma_start3A = arith.constant 0 : i32
            %dma_start3A_140 = tpu.memref_slice %arg9[%add3A_139, %dma_start3A] : memref<26x128xi32, #tpu.memory_space<vmem>> -> memref<1x128xi32, #tpu.memory_space<vmem>>
            %dma_start3A_141 = tpu.memref_squeeze %dma_start3A_140 : memref<1x128xi32, #tpu.memory_space<vmem>> -> memref<128xi32, #tpu.memory_space<vmem>>
            %dma_start3A_142 = arith.constant 0 : i32
            %dma_start3A_143 = arith.constant 0 : i32
            %dma_start3A_144 = tpu.memref_slice %arg11[%dma_start3A_142, %dma_start3A_143] : memref<12416x128xf32, #tpu.memory_space<vmem_shared>> -> memref<12416x128xf32, #tpu.memory_space<vmem_shared>>
            tpu.enqueue_indirect_dma source(%arg10 : memref<128x128xf32, #tpu.memory_space<vmem>>) target(%dma_start3A_144 : memref<12416x128xf32, #tpu.memory_space<vmem_shared>>) offsets(%dma_start3A_141 : memref<128xi32, #tpu.memory_space<vmem>>) semaphore(%run_scoped3A : memref<!tpu.dma_semaphore, #tpu.memory_space<semaphore_mem>>) {add = true}
            %dma_wait3A = arith.constant 0 : i32
            %dma_wait3A_145 = tpu.memref_slice %arg9[%add3A_139, %dma_wait3A] : memref<26x128xi32, #tpu.memory_space<vmem>> -> memref<1x128xi32, #tpu.memory_space<vmem>>
            %dma_wait3A_146 = tpu.memref_squeeze %dma_wait3A_145 : memref<1x128xi32, #tpu.memory_space<vmem>> -> memref<128xi32, #tpu.memory_space<vmem>>
            %dma_wait3A_147 = arith.constant 0 : i32
            %dma_wait3A_148 = arith.constant 0 : i32
            %dma_wait3A_149 = tpu.memref_slice %arg11[%dma_wait3A_147, %dma_wait3A_148] : memref<12416x128xf32, #tpu.memory_space<vmem_shared>> -> memref<12416x128xf32, #tpu.memory_space<vmem_shared>>
            tpu.wait_indirect_dma semaphore(%run_scoped3A : memref<!tpu.dma_semaphore, #tpu.memory_space<semaphore_mem>>) src(%arg10 : memref<128x128xf32, #tpu.memory_space<vmem>>) dst(%dma_wait3A_149 : memref<12416x128xf32, #tpu.memory_space<vmem_shared>>)
            tpu.yield
          }) : () -> ()
        }
      }
      %scan3A_27 = arith.constant 4 : i32
      %barrier3A_28 = arith.constant 0 : index
      tpu.barrier barrier_id(%barrier3A_28)
      %mul3A_29 = arith.constant 768 : i32
      %mul3A_30 = arith.muli %arg1, %mul3A_29 : i32
      %mul3A_31 = arith.constant 768 : i32
      %mul3A_32 = arith.muli %arg1, %mul3A_31 : i32
      %add3A_33 = arith.addi %add3A_12, %mul3A_32 : i32
      "tpu.region"() ({
        %run_scoped3A = tpu.sem_alloc : memref<!tpu.dma_semaphore, #tpu.memory_space<semaphore_mem>>
        %dma_start3A = arith.constant 0 : i32
        %dma_start3A_34 = tpu.memref_slice %arg5[%add3A_33, %dma_start3A] : memref<122880x128xf32, #tpu.memory_space<hbm>> -> memref<768x128xf32, #tpu.memory_space<hbm>>
        %dma_start3A_35 = arith.constant 0 : i32
        %dma_start3A_36 = tpu.memref_slice %arg11[%mul3A_30, %dma_start3A_35] : memref<12416x128xf32, #tpu.memory_space<vmem_shared>> -> memref<768x128xf32, #tpu.memory_space<vmem_shared>>
        tpu.enqueue_dma source(%dma_start3A_36 : memref<768x128xf32, #tpu.memory_space<vmem_shared>>) target(%dma_start3A_34 : memref<768x128xf32, #tpu.memory_space<hbm>>) target_semaphore(%run_scoped3A : memref<!tpu.dma_semaphore, #tpu.memory_space<semaphore_mem>>)
        %dma_wait3A = arith.constant 0 : i32
        %dma_wait3A_37 = tpu.memref_slice %arg5[%add3A_33, %dma_wait3A] : memref<122880x128xf32, #tpu.memory_space<hbm>> -> memref<768x128xf32, #tpu.memory_space<hbm>>
        %dma_wait3A_38 = arith.constant 0 : i32
        %dma_wait3A_39 = tpu.memref_slice %arg11[%mul3A_30, %dma_wait3A_38] : memref<12416x128xf32, #tpu.memory_space<vmem_shared>> -> memref<768x128xf32, #tpu.memory_space<vmem_shared>>
        tpu.wait_dma2 semaphore(%run_scoped3A : memref<!tpu.dma_semaphore, #tpu.memory_space<semaphore_mem>>) src(%dma_wait3A_39 : memref<768x128xf32, #tpu.memory_space<vmem_shared>>) dst(%dma_wait3A_37 : memref<768x128xf32, #tpu.memory_space<hbm>>)
        tpu.yield
      }) : () -> ()
    }
    %scan3A_4 = arith.constant 5 : i32
    return
  }
}

#map = affine_map<(d0, d1) -> (0, 0)>
#map1 = affine_map<(d0, d1) -> (0)>
module attributes {stable_mosaic.version = 14 : i64} {
  func.func @k(%arg0: i32, %arg1: i32, %arg2: memref<1792x128xi32, #tpu.memory_space<hbm>>, %arg3: memref<1792x128xi32, #tpu.memory_space<hbm>>, %arg4: memref<1792x128xi32, #tpu.memory_space<hbm>>, %arg5: memref<6272xf32, #tpu.memory_space<hbm>>, %arg6: memref<200704xf32, #tpu.memory_space<hbm>>, %arg7: memref<200704xf32, #tpu.memory_space<hbm>>, %arg8: memref<200704xf32, #tpu.memory_space<hbm>>, %arg9: memref<56x128xi32, #tpu.memory_space<vmem>>, %arg10: memref<128xf32, #tpu.memory_space<vmem>>, %arg11: memref<100352xf32, #tpu.memory_space<vmem_shared>>) attributes {dimension_semantics = [#tpu.dimension_semantics<core_parallel>, #tpu.dimension_semantics<subcore_parallel>], iteration_bounds = array<i64: 2, 16>, scalar_prefetch = 0 : i64, scratch_operands = 3 : i64, tpu.core_type = #tpu.core_type<sc_vector_subcore>, window_params = [{transform_indices = #map}, {transform_indices = #map}, {transform_indices = #map}, {transform_indices = #map1}, {transform_indices = #map1}, {transform_indices = #map1}, {transform_indices = #map1}]} {
    %broadcast_in_dim3A = arith.constant 1.000000e+00 : f32
    %broadcast_in_dim3A_0 = vector.broadcast %broadcast_in_dim3A : f32 to vector<16xf32>
    %scan3A = arith.constant 0 : i32
    %scan3A_1 = arith.constant 8 : i32
    %scan3A_2 = arith.addi %scan3A, %scan3A_1 : i32
    %scan3A_3 = arith.constant 1 : i32
    scf.for %scan3A_65 = %scan3A to %scan3A_2 step %scan3A_3  : i32 {
      %mul3A_66 = arith.constant 1 : i32
      %mul3A_67 = arith.muli %scan3A_65, %mul3A_66 : i32
      %add3A_68 = arith.constant 0 : i32
      %add3A_69 = arith.addi %add3A_68, %mul3A_67 : i32
      %mul3A_70 = arith.constant 16 : i32
      %mul3A_71 = arith.muli %add3A_69, %mul3A_70 : i32
      %swap3A = arith.index_cast %mul3A_71 : i32 to index
      %swap3A_72 = tpu.vector_load %arg10[%swap3A] {strides = array<i32>} : memref<128xf32, #tpu.memory_space<vmem>>, vector<16xf32>,
      tpu.vector_store %arg10[%swap3A], %broadcast_in_dim3A_0 {strides = array<i32>} : memref<128xf32, #tpu.memory_space<vmem>>, vector<16xf32>,
    }
    %scan3A_4 = arith.constant 8 : i32
    %mul3A = arith.constant 6272 : i32
    %mul3A_5 = arith.muli %arg1, %mul3A : i32
    "tpu.region"() ({
      %run_scoped3A = tpu.sem_alloc : memref<!tpu.dma_semaphore, #tpu.memory_space<semaphore_mem>>
      %dma_start3A = tpu.memref_slice %arg11[%mul3A_5] : memref<100352xf32, #tpu.memory_space<vmem_shared>> -> memref<6272xf32, #tpu.memory_space<vmem_shared>>
      tpu.enqueue_dma source(%arg5 : memref<6272xf32, #tpu.memory_space<hbm>>) target(%dma_start3A : memref<6272xf32, #tpu.memory_space<vmem_shared>>) target_semaphore(%run_scoped3A : memref<!tpu.dma_semaphore, #tpu.memory_space<semaphore_mem>>)
      %dma_wait3A = tpu.memref_slice %arg11[%mul3A_5] : memref<100352xf32, #tpu.memory_space<vmem_shared>> -> memref<6272xf32, #tpu.memory_space<vmem_shared>>
      tpu.wait_dma2 semaphore(%run_scoped3A : memref<!tpu.dma_semaphore, #tpu.memory_space<semaphore_mem>>) src(%arg5 : memref<6272xf32, #tpu.memory_space<hbm>>) dst(%dma_wait3A : memref<6272xf32, #tpu.memory_space<vmem_shared>>)
      tpu.yield
    }) : () -> ()
    %barrier3A = arith.constant 0 : index
    tpu.barrier barrier_id(%barrier3A)
    %mul3A_6 = arith.constant 16 : i32
    %mul3A_7 = arith.muli %arg0, %mul3A_6 : i32
    %add3A = arith.addi %mul3A_7, %arg1 : i32
    %mul3A_8 = arith.constant 56 : i32
    %mul3A_9 = arith.muli %add3A, %mul3A_8 : i32
    "tpu.region"() ({
      %run_scoped3A = tpu.sem_alloc : memref<!tpu.dma_semaphore, #tpu.memory_space<semaphore_mem>>
      %dma_start3A = arith.constant 0 : i32
      %dma_start3A_65 = tpu.memref_slice %arg2[%mul3A_9, %dma_start3A] : memref<1792x128xi32, #tpu.memory_space<hbm>> -> memref<56x128xi32, #tpu.memory_space<hbm>>
      %dma_start3A_66 = arith.constant 0 : i32
      %dma_start3A_67 = tpu.memref_slice %arg2[%mul3A_9, %dma_start3A_66] : memref<1792x128xi32, #tpu.memory_space<hbm>> -> memref<56x128xi32, #tpu.memory_space<hbm>>
      tpu.enqueue_dma source(%dma_start3A_67 : memref<56x128xi32, #tpu.memory_space<hbm>>) target(%arg9 : memref<56x128xi32, #tpu.memory_space<vmem>>) target_semaphore(%run_scoped3A : memref<!tpu.dma_semaphore, #tpu.memory_space<semaphore_mem>>)
      %dma_wait3A = arith.constant 0 : i32
      %dma_wait3A_68 = tpu.memref_slice %arg2[%mul3A_9, %dma_wait3A] : memref<1792x128xi32, #tpu.memory_space<hbm>> -> memref<56x128xi32, #tpu.memory_space<hbm>>
      %dma_wait3A_69 = arith.constant 0 : i32
      %dma_wait3A_70 = tpu.memref_slice %arg2[%mul3A_9, %dma_wait3A_69] : memref<1792x128xi32, #tpu.memory_space<hbm>> -> memref<56x128xi32, #tpu.memory_space<hbm>>
      tpu.wait_dma2 semaphore(%run_scoped3A : memref<!tpu.dma_semaphore, #tpu.memory_space<semaphore_mem>>) src(%dma_wait3A_70 : memref<56x128xi32, #tpu.memory_space<hbm>>) dst(%arg9 : memref<56x128xi32, #tpu.memory_space<vmem>>)
      tpu.yield
    }) : () -> ()
    %scan3A_10 = arith.constant 0 : i32
    %scan3A_11 = arith.constant 56 : i32
    %scan3A_12 = arith.addi %scan3A_10, %scan3A_11 : i32
    %scan3A_13 = arith.constant 1 : i32
    scf.for %scan3A_65 = %scan3A_10 to %scan3A_12 step %scan3A_13  : i32 {
      %mul3A_66 = arith.constant 1 : i32
      %mul3A_67 = arith.muli %scan3A_65, %mul3A_66 : i32
      %add3A_68 = arith.constant 0 : i32
      %add3A_69 = arith.addi %add3A_68, %mul3A_67 : i32
      "tpu.region"() ({
        %run_scoped3A = tpu.sem_alloc : memref<!tpu.dma_semaphore, #tpu.memory_space<semaphore_mem>>
        %dma_start3A = arith.constant 0 : i32
        %dma_start3A_70 = tpu.memref_slice %arg9[%add3A_69, %dma_start3A] : memref<56x128xi32, #tpu.memory_space<vmem>> -> memref<1x128xi32, #tpu.memory_space<vmem>>
        %dma_start3A_71 = tpu.memref_squeeze %dma_start3A_70 : memref<1x128xi32, #tpu.memory_space<vmem>> -> memref<128xi32, #tpu.memory_space<vmem>>
        %dma_start3A_72 = arith.constant 0 : i32
        %dma_start3A_73 = tpu.memref_slice %arg11[%dma_start3A_72] : memref<100352xf32, #tpu.memory_space<vmem_shared>> -> memref<100352xf32, #tpu.memory_space<vmem_shared>>
        tpu.enqueue_indirect_dma source(%arg10 : memref<128xf32, #tpu.memory_space<vmem>>) target(%dma_start3A_73 : memref<100352xf32, #tpu.memory_space<vmem_shared>>) offsets(%dma_start3A_71 : memref<128xi32, #tpu.memory_space<vmem>>) semaphore(%run_scoped3A : memref<!tpu.dma_semaphore, #tpu.memory_space<semaphore_mem>>) {add = true}
        %dma_wait3A = arith.constant 0 : i32
        %dma_wait3A_74 = tpu.memref_slice %arg9[%add3A_69, %dma_wait3A] : memref<56x128xi32, #tpu.memory_space<vmem>> -> memref<1x128xi32, #tpu.memory_space<vmem>>
        %dma_wait3A_75 = tpu.memref_squeeze %dma_wait3A_74 : memref<1x128xi32, #tpu.memory_space<vmem>> -> memref<128xi32, #tpu.memory_space<vmem>>
        %dma_wait3A_76 = arith.constant 0 : i32
        %dma_wait3A_77 = tpu.memref_slice %arg11[%dma_wait3A_76] : memref<100352xf32, #tpu.memory_space<vmem_shared>> -> memref<100352xf32, #tpu.memory_space<vmem_shared>>
        tpu.wait_indirect_dma semaphore(%run_scoped3A : memref<!tpu.dma_semaphore, #tpu.memory_space<semaphore_mem>>) src(%arg10 : memref<128xf32, #tpu.memory_space<vmem>>) dst(%dma_wait3A_77 : memref<100352xf32, #tpu.memory_space<vmem_shared>>)
        tpu.yield
      }) : () -> ()
    }
    %scan3A_14 = arith.constant 56 : i32
    %barrier3A_15 = arith.constant 0 : index
    tpu.barrier barrier_id(%barrier3A_15)
    %mul3A_16 = arith.constant 6272 : i32
    %mul3A_17 = arith.muli %arg1, %mul3A_16 : i32
    %mul3A_18 = arith.constant 100352 : i32
    %mul3A_19 = arith.muli %arg0, %mul3A_18 : i32
    %mul3A_20 = arith.constant 6272 : i32
    %mul3A_21 = arith.muli %arg1, %mul3A_20 : i32
    %add3A_22 = arith.addi %mul3A_19, %mul3A_21 : i32
    "tpu.region"() ({
      %run_scoped3A = tpu.sem_alloc : memref<!tpu.dma_semaphore, #tpu.memory_space<semaphore_mem>>
      %dma_start3A = tpu.memref_slice %arg6[%add3A_22] : memref<200704xf32, #tpu.memory_space<hbm>> -> memref<6272xf32, #tpu.memory_space<hbm>>
      %dma_start3A_65 = tpu.memref_slice %arg11[%mul3A_17] : memref<100352xf32, #tpu.memory_space<vmem_shared>> -> memref<6272xf32, #tpu.memory_space<vmem_shared>>
      tpu.enqueue_dma source(%dma_start3A_65 : memref<6272xf32, #tpu.memory_space<vmem_shared>>) target(%dma_start3A : memref<6272xf32, #tpu.memory_space<hbm>>) target_semaphore(%run_scoped3A : memref<!tpu.dma_semaphore, #tpu.memory_space<semaphore_mem>>)
      %dma_wait3A = tpu.memref_slice %arg6[%add3A_22] : memref<200704xf32, #tpu.memory_space<hbm>> -> memref<6272xf32, #tpu.memory_space<hbm>>
      %dma_wait3A_66 = tpu.memref_slice %arg11[%mul3A_17] : memref<100352xf32, #tpu.memory_space<vmem_shared>> -> memref<6272xf32, #tpu.memory_space<vmem_shared>>
      tpu.wait_dma2 semaphore(%run_scoped3A : memref<!tpu.dma_semaphore, #tpu.memory_space<semaphore_mem>>) src(%dma_wait3A_66 : memref<6272xf32, #tpu.memory_space<vmem_shared>>) dst(%dma_wait3A : memref<6272xf32, #tpu.memory_space<hbm>>)
      tpu.yield
    }) : () -> ()
    %mul3A_23 = arith.constant 6272 : i32
    %mul3A_24 = arith.muli %arg1, %mul3A_23 : i32
    "tpu.region"() ({
      %run_scoped3A = tpu.sem_alloc : memref<!tpu.dma_semaphore, #tpu.memory_space<semaphore_mem>>
      %dma_start3A = tpu.memref_slice %arg11[%mul3A_24] : memref<100352xf32, #tpu.memory_space<vmem_shared>> -> memref<6272xf32, #tpu.memory_space<vmem_shared>>
      tpu.enqueue_dma source(%arg5 : memref<6272xf32, #tpu.memory_space<hbm>>) target(%dma_start3A : memref<6272xf32, #tpu.memory_space<vmem_shared>>) target_semaphore(%run_scoped3A : memref<!tpu.dma_semaphore, #tpu.memory_space<semaphore_mem>>)
      %dma_wait3A = tpu.memref_slice %arg11[%mul3A_24] : memref<100352xf32, #tpu.memory_space<vmem_shared>> -> memref<6272xf32, #tpu.memory_space<vmem_shared>>
      tpu.wait_dma2 semaphore(%run_scoped3A : memref<!tpu.dma_semaphore, #tpu.memory_space<semaphore_mem>>) src(%arg5 : memref<6272xf32, #tpu.memory_space<hbm>>) dst(%dma_wait3A : memref<6272xf32, #tpu.memory_space<vmem_shared>>)
      tpu.yield
    }) : () -> ()
    %barrier3A_25 = arith.constant 0 : index
    tpu.barrier barrier_id(%barrier3A_25)
    %mul3A_26 = arith.constant 16 : i32
    %mul3A_27 = arith.muli %arg0, %mul3A_26 : i32
    %add3A_28 = arith.addi %mul3A_27, %arg1 : i32
    %mul3A_29 = arith.constant 56 : i32
    %mul3A_30 = arith.muli %add3A_28, %mul3A_29 : i32
    "tpu.region"() ({
      %run_scoped3A = tpu.sem_alloc : memref<!tpu.dma_semaphore, #tpu.memory_space<semaphore_mem>>
      %dma_start3A = arith.constant 0 : i32
      %dma_start3A_65 = tpu.memref_slice %arg3[%mul3A_30, %dma_start3A] : memref<1792x128xi32, #tpu.memory_space<hbm>> -> memref<56x128xi32, #tpu.memory_space<hbm>>
      %dma_start3A_66 = arith.constant 0 : i32
      %dma_start3A_67 = tpu.memref_slice %arg3[%mul3A_30, %dma_start3A_66] : memref<1792x128xi32, #tpu.memory_space<hbm>> -> memref<56x128xi32, #tpu.memory_space<hbm>>
      tpu.enqueue_dma source(%dma_start3A_67 : memref<56x128xi32, #tpu.memory_space<hbm>>) target(%arg9 : memref<56x128xi32, #tpu.memory_space<vmem>>) target_semaphore(%run_scoped3A : memref<!tpu.dma_semaphore, #tpu.memory_space<semaphore_mem>>)
      %dma_wait3A = arith.constant 0 : i32
      %dma_wait3A_68 = tpu.memref_slice %arg3[%mul3A_30, %dma_wait3A] : memref<1792x128xi32, #tpu.memory_space<hbm>> -> memref<56x128xi32, #tpu.memory_space<hbm>>
      %dma_wait3A_69 = arith.constant 0 : i32
      %dma_wait3A_70 = tpu.memref_slice %arg3[%mul3A_30, %dma_wait3A_69] : memref<1792x128xi32, #tpu.memory_space<hbm>> -> memref<56x128xi32, #tpu.memory_space<hbm>>
      tpu.wait_dma2 semaphore(%run_scoped3A : memref<!tpu.dma_semaphore, #tpu.memory_space<semaphore_mem>>) src(%dma_wait3A_70 : memref<56x128xi32, #tpu.memory_space<hbm>>) dst(%arg9 : memref<56x128xi32, #tpu.memory_space<vmem>>)
      tpu.yield
    }) : () -> ()
    %scan3A_31 = arith.constant 0 : i32
    %scan3A_32 = arith.constant 56 : i32
    %scan3A_33 = arith.addi %scan3A_31, %scan3A_32 : i32
    %scan3A_34 = arith.constant 1 : i32
    scf.for %scan3A_65 = %scan3A_31 to %scan3A_33 step %scan3A_34  : i32 {
      %mul3A_66 = arith.constant 1 : i32
      %mul3A_67 = arith.muli %scan3A_65, %mul3A_66 : i32
      %add3A_68 = arith.constant 0 : i32
      %add3A_69 = arith.addi %add3A_68, %mul3A_67 : i32
      "tpu.region"() ({
        %run_scoped3A = tpu.sem_alloc : memref<!tpu.dma_semaphore, #tpu.memory_space<semaphore_mem>>
        %dma_start3A = arith.constant 0 : i32
        %dma_start3A_70 = tpu.memref_slice %arg9[%add3A_69, %dma_start3A] : memref<56x128xi32, #tpu.memory_space<vmem>> -> memref<1x128xi32, #tpu.memory_space<vmem>>
        %dma_start3A_71 = tpu.memref_squeeze %dma_start3A_70 : memref<1x128xi32, #tpu.memory_space<vmem>> -> memref<128xi32, #tpu.memory_space<vmem>>
        %dma_start3A_72 = arith.constant 0 : i32
        %dma_start3A_73 = tpu.memref_slice %arg11[%dma_start3A_72] : memref<100352xf32, #tpu.memory_space<vmem_shared>> -> memref<100352xf32, #tpu.memory_space<vmem_shared>>
        tpu.enqueue_indirect_dma source(%arg10 : memref<128xf32, #tpu.memory_space<vmem>>) target(%dma_start3A_73 : memref<100352xf32, #tpu.memory_space<vmem_shared>>) offsets(%dma_start3A_71 : memref<128xi32, #tpu.memory_space<vmem>>) semaphore(%run_scoped3A : memref<!tpu.dma_semaphore, #tpu.memory_space<semaphore_mem>>) {add = true}
        %dma_wait3A = arith.constant 0 : i32
        %dma_wait3A_74 = tpu.memref_slice %arg9[%add3A_69, %dma_wait3A] : memref<56x128xi32, #tpu.memory_space<vmem>> -> memref<1x128xi32, #tpu.memory_space<vmem>>
        %dma_wait3A_75 = tpu.memref_squeeze %dma_wait3A_74 : memref<1x128xi32, #tpu.memory_space<vmem>> -> memref<128xi32, #tpu.memory_space<vmem>>
        %dma_wait3A_76 = arith.constant 0 : i32
        %dma_wait3A_77 = tpu.memref_slice %arg11[%dma_wait3A_76] : memref<100352xf32, #tpu.memory_space<vmem_shared>> -> memref<100352xf32, #tpu.memory_space<vmem_shared>>
        tpu.wait_indirect_dma semaphore(%run_scoped3A : memref<!tpu.dma_semaphore, #tpu.memory_space<semaphore_mem>>) src(%arg10 : memref<128xf32, #tpu.memory_space<vmem>>) dst(%dma_wait3A_77 : memref<100352xf32, #tpu.memory_space<vmem_shared>>)
        tpu.yield
      }) : () -> ()
    }
    %scan3A_35 = arith.constant 56 : i32
    %barrier3A_36 = arith.constant 0 : index
    tpu.barrier barrier_id(%barrier3A_36)
    %mul3A_37 = arith.constant 6272 : i32
    %mul3A_38 = arith.muli %arg1, %mul3A_37 : i32
    %mul3A_39 = arith.constant 100352 : i32
    %mul3A_40 = arith.muli %arg0, %mul3A_39 : i32
    %mul3A_41 = arith.constant 6272 : i32
    %mul3A_42 = arith.muli %arg1, %mul3A_41 : i32
    %add3A_43 = arith.addi %mul3A_40, %mul3A_42 : i32
    "tpu.region"() ({
      %run_scoped3A = tpu.sem_alloc : memref<!tpu.dma_semaphore, #tpu.memory_space<semaphore_mem>>
      %dma_start3A = tpu.memref_slice %arg7[%add3A_43] : memref<200704xf32, #tpu.memory_space<hbm>> -> memref<6272xf32, #tpu.memory_space<hbm>>
      %dma_start3A_65 = tpu.memref_slice %arg11[%mul3A_38] : memref<100352xf32, #tpu.memory_space<vmem_shared>> -> memref<6272xf32, #tpu.memory_space<vmem_shared>>
      tpu.enqueue_dma source(%dma_start3A_65 : memref<6272xf32, #tpu.memory_space<vmem_shared>>) target(%dma_start3A : memref<6272xf32, #tpu.memory_space<hbm>>) target_semaphore(%run_scoped3A : memref<!tpu.dma_semaphore, #tpu.memory_space<semaphore_mem>>)
      %dma_wait3A = tpu.memref_slice %arg7[%add3A_43] : memref<200704xf32, #tpu.memory_space<hbm>> -> memref<6272xf32, #tpu.memory_space<hbm>>
      %dma_wait3A_66 = tpu.memref_slice %arg11[%mul3A_38] : memref<100352xf32, #tpu.memory_space<vmem_shared>> -> memref<6272xf32, #tpu.memory_space<vmem_shared>>
      tpu.wait_dma2 semaphore(%run_scoped3A : memref<!tpu.dma_semaphore, #tpu.memory_space<semaphore_mem>>) src(%dma_wait3A_66 : memref<6272xf32, #tpu.memory_space<vmem_shared>>) dst(%dma_wait3A : memref<6272xf32, #tpu.memory_space<hbm>>)
      tpu.yield
    }) : () -> ()
    %mul3A_44 = arith.constant 6272 : i32
    %mul3A_45 = arith.muli %arg1, %mul3A_44 : i32
    "tpu.region"() ({
      %run_scoped3A = tpu.sem_alloc : memref<!tpu.dma_semaphore, #tpu.memory_space<semaphore_mem>>
      %dma_start3A = tpu.memref_slice %arg11[%mul3A_45] : memref<100352xf32, #tpu.memory_space<vmem_shared>> -> memref<6272xf32, #tpu.memory_space<vmem_shared>>
      tpu.enqueue_dma source(%arg5 : memref<6272xf32, #tpu.memory_space<hbm>>) target(%dma_start3A : memref<6272xf32, #tpu.memory_space<vmem_shared>>) target_semaphore(%run_scoped3A : memref<!tpu.dma_semaphore, #tpu.memory_space<semaphore_mem>>)
      %dma_wait3A = tpu.memref_slice %arg11[%mul3A_45] : memref<100352xf32, #tpu.memory_space<vmem_shared>> -> memref<6272xf32, #tpu.memory_space<vmem_shared>>
      tpu.wait_dma2 semaphore(%run_scoped3A : memref<!tpu.dma_semaphore, #tpu.memory_space<semaphore_mem>>) src(%arg5 : memref<6272xf32, #tpu.memory_space<hbm>>) dst(%dma_wait3A : memref<6272xf32, #tpu.memory_space<vmem_shared>>)
      tpu.yield
    }) : () -> ()
    %barrier3A_46 = arith.constant 0 : index
    tpu.barrier barrier_id(%barrier3A_46)
    %mul3A_47 = arith.constant 16 : i32
    %mul3A_48 = arith.muli %arg0, %mul3A_47 : i32
    %add3A_49 = arith.addi %mul3A_48, %arg1 : i32
    %mul3A_50 = arith.constant 56 : i32
    %mul3A_51 = arith.muli %add3A_49, %mul3A_50 : i32
    "tpu.region"() ({
      %run_scoped3A = tpu.sem_alloc : memref<!tpu.dma_semaphore, #tpu.memory_space<semaphore_mem>>
      %dma_start3A = arith.constant 0 : i32
      %dma_start3A_65 = tpu.memref_slice %arg4[%mul3A_51, %dma_start3A] : memref<1792x128xi32, #tpu.memory_space<hbm>> -> memref<56x128xi32, #tpu.memory_space<hbm>>
      %dma_start3A_66 = arith.constant 0 : i32
      %dma_start3A_67 = tpu.memref_slice %arg4[%mul3A_51, %dma_start3A_66] : memref<1792x128xi32, #tpu.memory_space<hbm>> -> memref<56x128xi32, #tpu.memory_space<hbm>>
      tpu.enqueue_dma source(%dma_start3A_67 : memref<56x128xi32, #tpu.memory_space<hbm>>) target(%arg9 : memref<56x128xi32, #tpu.memory_space<vmem>>) target_semaphore(%run_scoped3A : memref<!tpu.dma_semaphore, #tpu.memory_space<semaphore_mem>>)
      %dma_wait3A = arith.constant 0 : i32
      %dma_wait3A_68 = tpu.memref_slice %arg4[%mul3A_51, %dma_wait3A] : memref<1792x128xi32, #tpu.memory_space<hbm>> -> memref<56x128xi32, #tpu.memory_space<hbm>>
      %dma_wait3A_69 = arith.constant 0 : i32
      %dma_wait3A_70 = tpu.memref_slice %arg4[%mul3A_51, %dma_wait3A_69] : memref<1792x128xi32, #tpu.memory_space<hbm>> -> memref<56x128xi32, #tpu.memory_space<hbm>>
      tpu.wait_dma2 semaphore(%run_scoped3A : memref<!tpu.dma_semaphore, #tpu.memory_space<semaphore_mem>>) src(%dma_wait3A_70 : memref<56x128xi32, #tpu.memory_space<hbm>>) dst(%arg9 : memref<56x128xi32, #tpu.memory_space<vmem>>)
      tpu.yield
    }) : () -> ()
    %scan3A_52 = arith.constant 0 : i32
    %scan3A_53 = arith.constant 56 : i32
    %scan3A_54 = arith.addi %scan3A_52, %scan3A_53 : i32
    %scan3A_55 = arith.constant 1 : i32
    scf.for %scan3A_65 = %scan3A_52 to %scan3A_54 step %scan3A_55  : i32 {
      %mul3A_66 = arith.constant 1 : i32
      %mul3A_67 = arith.muli %scan3A_65, %mul3A_66 : i32
      %add3A_68 = arith.constant 0 : i32
      %add3A_69 = arith.addi %add3A_68, %mul3A_67 : i32
      "tpu.region"() ({
        %run_scoped3A = tpu.sem_alloc : memref<!tpu.dma_semaphore, #tpu.memory_space<semaphore_mem>>
        %dma_start3A = arith.constant 0 : i32
        %dma_start3A_70 = tpu.memref_slice %arg9[%add3A_69, %dma_start3A] : memref<56x128xi32, #tpu.memory_space<vmem>> -> memref<1x128xi32, #tpu.memory_space<vmem>>
        %dma_start3A_71 = tpu.memref_squeeze %dma_start3A_70 : memref<1x128xi32, #tpu.memory_space<vmem>> -> memref<128xi32, #tpu.memory_space<vmem>>
        %dma_start3A_72 = arith.constant 0 : i32
        %dma_start3A_73 = tpu.memref_slice %arg11[%dma_start3A_72] : memref<100352xf32, #tpu.memory_space<vmem_shared>> -> memref<100352xf32, #tpu.memory_space<vmem_shared>>
        tpu.enqueue_indirect_dma source(%arg10 : memref<128xf32, #tpu.memory_space<vmem>>) target(%dma_start3A_73 : memref<100352xf32, #tpu.memory_space<vmem_shared>>) offsets(%dma_start3A_71 : memref<128xi32, #tpu.memory_space<vmem>>) semaphore(%run_scoped3A : memref<!tpu.dma_semaphore, #tpu.memory_space<semaphore_mem>>) {add = true}
        %dma_wait3A = arith.constant 0 : i32
        %dma_wait3A_74 = tpu.memref_slice %arg9[%add3A_69, %dma_wait3A] : memref<56x128xi32, #tpu.memory_space<vmem>> -> memref<1x128xi32, #tpu.memory_space<vmem>>
        %dma_wait3A_75 = tpu.memref_squeeze %dma_wait3A_74 : memref<1x128xi32, #tpu.memory_space<vmem>> -> memref<128xi32, #tpu.memory_space<vmem>>
        %dma_wait3A_76 = arith.constant 0 : i32
        %dma_wait3A_77 = tpu.memref_slice %arg11[%dma_wait3A_76] : memref<100352xf32, #tpu.memory_space<vmem_shared>> -> memref<100352xf32, #tpu.memory_space<vmem_shared>>
        tpu.wait_indirect_dma semaphore(%run_scoped3A : memref<!tpu.dma_semaphore, #tpu.memory_space<semaphore_mem>>) src(%arg10 : memref<128xf32, #tpu.memory_space<vmem>>) dst(%dma_wait3A_77 : memref<100352xf32, #tpu.memory_space<vmem_shared>>)
        tpu.yield
      }) : () -> ()
    }
    %scan3A_56 = arith.constant 56 : i32
    %barrier3A_57 = arith.constant 0 : index
    tpu.barrier barrier_id(%barrier3A_57)
    %mul3A_58 = arith.constant 6272 : i32
    %mul3A_59 = arith.muli %arg1, %mul3A_58 : i32
    %mul3A_60 = arith.constant 100352 : i32
    %mul3A_61 = arith.muli %arg0, %mul3A_60 : i32
    %mul3A_62 = arith.constant 6272 : i32
    %mul3A_63 = arith.muli %arg1, %mul3A_62 : i32
    %add3A_64 = arith.addi %mul3A_61, %mul3A_63 : i32
    "tpu.region"() ({
      %run_scoped3A = tpu.sem_alloc : memref<!tpu.dma_semaphore, #tpu.memory_space<semaphore_mem>>
      %dma_start3A = tpu.memref_slice %arg8[%add3A_64] : memref<200704xf32, #tpu.memory_space<hbm>> -> memref<6272xf32, #tpu.memory_space<hbm>>
      %dma_start3A_65 = tpu.memref_slice %arg11[%mul3A_59] : memref<100352xf32, #tpu.memory_space<vmem_shared>> -> memref<6272xf32, #tpu.memory_space<vmem_shared>>
      tpu.enqueue_dma source(%dma_start3A_65 : memref<6272xf32, #tpu.memory_space<vmem_shared>>) target(%dma_start3A : memref<6272xf32, #tpu.memory_space<hbm>>) target_semaphore(%run_scoped3A : memref<!tpu.dma_semaphore, #tpu.memory_space<semaphore_mem>>)
      %dma_wait3A = tpu.memref_slice %arg8[%add3A_64] : memref<200704xf32, #tpu.memory_space<hbm>> -> memref<6272xf32, #tpu.memory_space<hbm>>
      %dma_wait3A_66 = tpu.memref_slice %arg11[%mul3A_59] : memref<100352xf32, #tpu.memory_space<vmem_shared>> -> memref<6272xf32, #tpu.memory_space<vmem_shared>>
      tpu.wait_dma2 semaphore(%run_scoped3A : memref<!tpu.dma_semaphore, #tpu.memory_space<semaphore_mem>>) src(%dma_wait3A_66 : memref<6272xf32, #tpu.memory_space<vmem_shared>>) dst(%dma_wait3A : memref<6272xf32, #tpu.memory_space<hbm>>)
      tpu.yield
    }) : () -> ()
    return
  }
}

#map = affine_map<(d0, d1) -> (0, 0)>
#map1 = affine_map<(d0, d1) -> (0)>
module attributes {stable_mosaic.version = 14 : i64} {
  func.func @k(%arg0: i32, %arg1: i32, %arg2: memref<100000x128xf32, #tpu.memory_space<hbm>>, %arg3: memref<204800xi32, #tpu.memory_space<hbm>>, %arg4: memref<204800xi32, #tpu.memory_space<hbm>>, %arg5: memref<122880x128xf32, #tpu.memory_space<hbm>>, %arg6: memref<3200xi32, #tpu.memory_space<vmem>>, %arg7: memref<3200xi32, #tpu.memory_space<vmem>>, %arg8: memref<26x128xi32, #tpu.memory_space<vmem>>, %arg9: memref<26x128xi32, #tpu.memory_space<vmem>>, %arg10: memref<128x128xf32, #tpu.memory_space<vmem>>, %arg11: memref<12416x128xf32, #tpu.memory_space<vmem_shared>>) attributes {dimension_semantics = [#tpu.dimension_semantics<core_parallel>, #tpu.dimension_semantics<subcore_parallel>], iteration_bounds = array<i64: 2, 16>, scalar_prefetch = 0 : i64, scratch_operands = 6 : i64, tpu.core_type = #tpu.core_type<sc_vector_subcore>, window_params = [{transform_indices = #map}, {transform_indices = #map1}, {transform_indices = #map1}, {transform_indices = #map}]} {
    %broadcast_in_dim3A = arith.constant 0.000000e+00 : f32
    %broadcast_in_dim3A_0 = vector.broadcast %broadcast_in_dim3A : f32 to vector<16xf32>
    %iota3A = tpu.iota {dimensions = array<i32: 0>} : vector<16xi32>
    %scan3A = arith.constant 0 : i32
    %scan3A_1 = arith.constant 5 : i32
    %scan3A_2 = arith.addi %scan3A, %scan3A_1 : i32
    %scan3A_3 = arith.constant 1 : i32
    scf.for %scan3A_5 = %scan3A to %scan3A_2 step %scan3A_3  : i32 {
      %mul3A = arith.constant 1 : i32
      %mul3A_6 = arith.muli %scan3A_5, %mul3A : i32
      %add3A = arith.constant 0 : i32
      %add3A_7 = arith.addi %add3A, %mul3A_6 : i32
      %mul3A_8 = arith.constant 24576 : i32
      %mul3A_9 = arith.muli %add3A_7, %mul3A_8 : i32
      %mul3A_10 = arith.constant 12288 : i32
      %mul3A_11 = arith.muli %arg0, %mul3A_10 : i32
      %add3A_12 = arith.addi %mul3A_9, %mul3A_11 : i32
      %scan3A_13 = arith.constant 0 : i32
      %scan3A_14 = arith.constant 128 : i32
      %scan3A_15 = arith.addi %scan3A_13, %scan3A_14 : i32
      %scan3A_16 = arith.constant 1 : i32
      scf.for %scan3A_34 = %scan3A_13 to %scan3A_15 step %scan3A_16  : i32 {
        %mul3A_35 = arith.constant 1 : i32
        %mul3A_36 = arith.muli %scan3A_34, %mul3A_35 : i32
        %add3A_37 = arith.constant 0 : i32
        %add3A_38 = arith.addi %add3A_37, %mul3A_36 : i32
        %scan3A_39 = arith.constant 0 : i32
        %scan3A_40 = arith.constant 8 : i32
        %scan3A_41 = arith.addi %scan3A_39, %scan3A_40 : i32
        %scan3A_42 = arith.constant 1 : i32
        scf.for %scan3A_44 = %scan3A_39 to %scan3A_41 step %scan3A_42  : i32 {
          %mul3A_45 = arith.constant 1 : i32
          %mul3A_46 = arith.muli %scan3A_44, %mul3A_45 : i32
          %add3A_47 = arith.constant 0 : i32
          %add3A_48 = arith.addi %add3A_47, %mul3A_46 : i32
          %mul3A_49 = arith.constant 16 : i32
          %mul3A_50 = arith.muli %add3A_48, %mul3A_49 : i32
          %swap3A = arith.index_cast %add3A_38 : i32 to index
          %swap3A_51 = arith.index_cast %mul3A_50 : i32 to index
          %swap3A_52 = tpu.vector_load %arg10[%swap3A, %swap3A_51] {strides = array<i32>} : memref<128x128xf32, #tpu.memory_space<vmem>>, vector<16xf32>,
          tpu.vector_store %arg10[%swap3A, %swap3A_51], %broadcast_in_dim3A_0 {strides = array<i32>} : memref<128x128xf32, #tpu.memory_space<vmem>>, vector<16xf32>,
        }
        %scan3A_43 = arith.constant 8 : i32
      }
      %scan3A_17 = arith.constant 128 : i32
      %scan3A_18 = arith.constant 0 : i32
      %scan3A_19 = arith.constant 6 : i32
      %scan3A_20 = arith.addi %scan3A_18, %scan3A_19 : i32
      %scan3A_21 = arith.constant 1 : i32
      scf.for %scan3A_34 = %scan3A_18 to %scan3A_20 step %scan3A_21  : i32 {
        %mul3A_35 = arith.constant 1 : i32
        %mul3A_36 = arith.muli %scan3A_34, %mul3A_35 : i32
        %add3A_37 = arith.constant 0 : i32
        %add3A_38 = arith.addi %add3A_37, %mul3A_36 : i32
        %mul3A_39 = arith.constant 768 : i32
        %mul3A_40 = arith.muli %arg1, %mul3A_39 : i32
        %mul3A_41 = arith.constant 128 : i32
        %mul3A_42 = arith.muli %add3A_38, %mul3A_41 : i32
        %add3A_43 = arith.addi %mul3A_40, %mul3A_42 : i32
        "tpu.region"() ({
          %run_scoped3A = tpu.sem_alloc : memref<!tpu.dma_semaphore, #tpu.memory_space<semaphore_mem>>
          %dma_start3A = arith.constant 0 : i32
          %dma_start3A_44 = tpu.memref_slice %arg11[%add3A_43, %dma_start3A] : memref<12416x128xf32, #tpu.memory_space<vmem_shared>> -> memref<128x128xf32, #tpu.memory_space<vmem_shared>>
          %dma_start3A_45 = arith.constant 0 : i32
          %dma_start3A_46 = tpu.memref_slice %arg11[%add3A_43, %dma_start3A_45] : memref<12416x128xf32, #tpu.memory_space<vmem_shared>> -> memref<128x128xf32, #tpu.memory_space<vmem_shared>>
          tpu.enqueue_dma source(%arg10 : memref<128x128xf32, #tpu.memory_space<vmem>>) target(%dma_start3A_46 : memref<128x128xf32, #tpu.memory_space<vmem_shared>>) target_semaphore(%run_scoped3A : memref<!tpu.dma_semaphore, #tpu.memory_space<semaphore_mem>>)
          %dma_wait3A = arith.constant 0 : i32
          %dma_wait3A_47 = tpu.memref_slice %arg11[%add3A_43, %dma_wait3A] : memref<12416x128xf32, #tpu.memory_space<vmem_shared>> -> memref<128x128xf32, #tpu.memory_space<vmem_shared>>
          %dma_wait3A_48 = arith.constant 0 : i32
          %dma_wait3A_49 = tpu.memref_slice %arg11[%add3A_43, %dma_wait3A_48] : memref<12416x128xf32, #tpu.memory_space<vmem_shared>> -> memref<128x128xf32, #tpu.memory_space<vmem_shared>>
          tpu.wait_dma2 semaphore(%run_scoped3A : memref<!tpu.dma_semaphore, #tpu.memory_space<semaphore_mem>>) src(%arg10 : memref<128x128xf32, #tpu.memory_space<vmem>>) dst(%dma_wait3A_49 : memref<128x128xf32, #tpu.memory_space<vmem_shared>>)
          tpu.yield
        }) : () -> ()
      }
      %scan3A_22 = arith.constant 6 : i32
      %barrier3A = arith.constant 0 : index
      tpu.barrier barrier_id(%barrier3A)
      %scan3A_23 = arith.constant 0 : i32
      %scan3A_24 = arith.constant 4 : i32
      %scan3A_25 = arith.addi %scan3A_23, %scan3A_24 : i32
      %scan3A_26 = arith.constant 1 : i32
      scf.for %scan3A_34 = %scan3A_23 to %scan3A_25 step %scan3A_26  : i32 {
        %mul3A_35 = arith.constant 1 : i32
        %mul3A_36 = arith.muli %scan3A_34, %mul3A_35 : i32
        %add3A_37 = arith.constant 0 : i32
        %add3A_38 = arith.addi %add3A_37, %mul3A_36 : i32
        %mul3A_39 = arith.constant 12800 : i32
        %mul3A_40 = arith.muli %arg1, %mul3A_39 : i32
        %mul3A_41 = arith.constant 3200 : i32
        %mul3A_42 = arith.muli %add3A_38, %mul3A_41 : i32
        %add3A_43 = arith.addi %mul3A_40, %mul3A_42 : i32
        "tpu.region"() ({
          %run_scoped3A = tpu.sem_alloc : memref<!tpu.dma_semaphore, #tpu.memory_space<semaphore_mem>>
          %dma_start3A = tpu.memref_slice %arg3[%add3A_43] : memref<204800xi32, #tpu.memory_space<hbm>> -> memref<3200xi32, #tpu.memory_space<hbm>>
          %dma_start3A_137 = tpu.memref_slice %arg3[%add3A_43] : memref<204800xi32, #tpu.memory_space<hbm>> -> memref<3200xi32, #tpu.memory_space<hbm>>
          tpu.enqueue_dma source(%dma_start3A_137 : memref<3200xi32, #tpu.memory_space<hbm>>) target(%arg6 : memref<3200xi32, #tpu.memory_space<vmem>>) target_semaphore(%run_scoped3A : memref<!tpu.dma_semaphore, #tpu.memory_space<semaphore_mem>>)
          %dma_wait3A = tpu.memref_slice %arg3[%add3A_43] : memref<204800xi32, #tpu.memory_space<hbm>> -> memref<3200xi32, #tpu.memory_space<hbm>>
          %dma_wait3A_138 = tpu.memref_slice %arg3[%add3A_43] : memref<204800xi32, #tpu.memory_space<hbm>> -> memref<3200xi32, #tpu.memory_space<hbm>>
          tpu.wait_dma2 semaphore(%run_scoped3A : memref<!tpu.dma_semaphore, #tpu.memory_space<semaphore_mem>>) src(%dma_wait3A_138 : memref<3200xi32, #tpu.memory_space<hbm>>) dst(%arg6 : memref<3200xi32, #tpu.memory_space<vmem>>)
          tpu.yield
        }) : () -> ()
        "tpu.region"() ({
          %run_scoped3A = tpu.sem_alloc : memref<!tpu.dma_semaphore, #tpu.memory_space<semaphore_mem>>
          %dma_start3A = tpu.memref_slice %arg4[%add3A_43] : memref<204800xi32, #tpu.memory_space<hbm>> -> memref<3200xi32, #tpu.memory_space<hbm>>
          %dma_start3A_137 = tpu.memref_slice %arg4[%add3A_43] : memref<204800xi32, #tpu.memory_space<hbm>> -> memref<3200xi32, #tpu.memory_space<hbm>>
          tpu.enqueue_dma source(%dma_start3A_137 : memref<3200xi32, #tpu.memory_space<hbm>>) target(%arg7 : memref<3200xi32, #tpu.memory_space<vmem>>) target_semaphore(%run_scoped3A : memref<!tpu.dma_semaphore, #tpu.memory_space<semaphore_mem>>)
          %dma_wait3A = tpu.memref_slice %arg4[%add3A_43] : memref<204800xi32, #tpu.memory_space<hbm>> -> memref<3200xi32, #tpu.memory_space<hbm>>
          %dma_wait3A_138 = tpu.memref_slice %arg4[%add3A_43] : memref<204800xi32, #tpu.memory_space<hbm>> -> memref<3200xi32, #tpu.memory_space<hbm>>
          tpu.wait_dma2 semaphore(%run_scoped3A : memref<!tpu.dma_semaphore, #tpu.memory_space<semaphore_mem>>) src(%dma_wait3A_138 : memref<3200xi32, #tpu.memory_space<hbm>>) dst(%arg7 : memref<3200xi32, #tpu.memory_space<vmem>>)
          tpu.yield
        }) : () -> ()
        %scan3A_44 = arith.constant 0 : i32
        %scan3A_45 = arith.constant 0 : i32
        %scan3A_46 = arith.constant 200 : i32
        %scan3A_47 = arith.addi %scan3A_45, %scan3A_46 : i32
        %scan3A_48 = arith.constant 1 : i32
        %scan3A_49 = scf.for %scan3A_137 = %scan3A_45 to %scan3A_47 step %scan3A_48 iter_args(%scan3A_138 = %scan3A_44) -> (i32)  : i32 {
          %mul3A_139 = arith.constant 16 : i32
          %mul3A_140 = arith.muli %scan3A_137, %mul3A_139 : i32
          %get3A = arith.index_cast %mul3A_140 : i32 to index
          %get3A_141 = tpu.vector_load %arg7[%get3A] {strides = array<i32>} : memref<3200xi32, #tpu.memory_space<vmem>>, vector<16xi32>,
          %sub3A_142 = vector.broadcast %add3A_12 : i32 to vector<16xi32>
          %sub3A_143 = arith.subi %get3A_141, %sub3A_142 : vector<16xi32>
          %ge3A = arith.constant 0 : i32
          %ge3A_144 = vector.broadcast %ge3A : i32 to vector<16xi32>
          %ge3A_145 = arith.cmpi sge, %sub3A_143, %ge3A_144 : vector<16xi32>
          %lt3A = arith.constant 12288 : i32
          %lt3A_146 = vector.broadcast %lt3A : i32 to vector<16xi32>
          %lt3A_147 = arith.cmpi slt, %sub3A_143, %lt3A_146 : vector<16xi32>
          %and3A_148 = arith.andi %ge3A_145, %lt3A_147 : vector<16xi1>
          %convert_element_type3A = arith.extui %and3A_148 : vector<16xi1> to vector<16xi32>
          %cumsum3A = arith.constant true
          %cumsum3A_149 = vector.broadcast %cumsum3A : i1 to vector<16xi1>
          %cumsum3A_150 = tpu.scan <sum>, %convert_element_type3A masked %cumsum3A_149 : vector<16xi32>, vector<16xi1> -> vector<16xi32>
          %add3A_151 = vector.broadcast %scan3A_138 : i32 to vector<16xi32>
          %add3A_152 = arith.addi %add3A_151, %cumsum3A_150 : vector<16xi32>
          %sub3A_153 = arith.constant 1 : i32
          %sub3A_154 = vector.broadcast %sub3A_153 : i32 to vector<16xi32>
          %sub3A_155 = arith.subi %add3A_152, %sub3A_154 : vector<16xi32>
          %shift_right_logical3A = arith.constant 7 : i32
          %shift_right_logical3A_156 = vector.broadcast %shift_right_logical3A : i32 to vector<16xi32>
          %shift_right_logical3A_157 = arith.shrui %sub3A_155, %shift_right_logical3A_156 : vector<16xi32>
          %and3A_158 = arith.constant 127 : i32
          %and3A_159 = vector.broadcast %and3A_158 : i32 to vector<16xi32>
          %and3A_160 = arith.andi %sub3A_155, %and3A_159 : vector<16xi32>
          tpu.vector_store_idx %arg9[%shift_right_logical3A_157, %and3A_160], %sub3A_143 masked %and3A_148 : memref<26x128xi32, #tpu.memory_space<vmem>>[vector<16xi32>, vector<16xi32>], vector<16xi32>, vector<16xi1>
          %mul3A_161 = arith.constant 16 : i32
          %mul3A_162 = arith.muli %scan3A_137, %mul3A_161 : i32
          %get3A_163 = arith.index_cast %mul3A_162 : i32 to index
          %get3A_164 = tpu.vector_load %arg6[%get3A_163] {strides = array<i32>} : memref<3200xi32, #tpu.memory_space<vmem>>, vector<16xi32>,
          tpu.vector_store_idx %arg8[%shift_right_logical3A_157, %and3A_160], %get3A_164 masked %and3A_148 : memref<26x128xi32, #tpu.memory_space<vmem>>[vector<16xi32>, vector<16xi32>], vector<16xi32>, vector<16xi1>
          %reduce_sum3A = arith.constant true
          %reduce_sum3A_165 = vector.broadcast %reduce_sum3A : i1 to vector<16xi1>
          %reduce_sum3A_166 = tpu.scan <sum>, %convert_element_type3A masked %reduce_sum3A_165 : vector<16xi32>, vector<16xi1> -> vector<16xi32>
          %reduce_sum3A_167 = vector.extract %reduce_sum3A_166[15] : i32 from vector<16xi32>
          %add3A_168 = arith.addi %scan3A_138, %reduce_sum3A_167 : i32
          scf.yield %add3A_168 : i32
        }
        %scan3A_50 = arith.constant 200 : i32
        %add3A_51 = arith.constant 128 : i32
        %add3A_52 = arith.addi %scan3A_49, %add3A_51 : i32
        %sub3A = arith.constant 1 : i32
        %sub3A_53 = arith.subi %add3A_52, %sub3A : i32
        %jit3A = arith.constant 128 : i32
        %div3A = arith.divsi %sub3A_53, %jit3A : i32
        %sign3A = arith.constant 0 : i32
        %sign3A_54 = arith.cmpi sgt, %sub3A_53, %sign3A : i32
        %sign3A_55 = arith.extui %sign3A_54 : i1 to i32
        %sign3A_56 = arith.constant 0 : i32
        %sign3A_57 = arith.cmpi slt, %sub3A_53, %sign3A_56 : i32
        %sign3A_58 = arith.extui %sign3A_57 : i1 to i32
        %sign3A_59 = arith.subi %sign3A_55, %sign3A_58 : i32
        %sign3A_60 = arith.constant 0 : i32
        %sign3A_61 = arith.cmpi sgt, %jit3A, %sign3A_60 : i32
        %sign3A_62 = arith.extui %sign3A_61 : i1 to i32
        %sign3A_63 = arith.constant 0 : i32
        %sign3A_64 = arith.cmpi slt, %jit3A, %sign3A_63 : i32
        %sign3A_65 = arith.extui %sign3A_64 : i1 to i32
        %sign3A_66 = arith.subi %sign3A_62, %sign3A_65 : i32
        %ne3A = arith.cmpi ne, %sign3A_59, %sign3A_66 : i32
        %rem3A = arith.remsi %sub3A_53, %jit3A : i32
        %ne3A_67 = arith.constant 0 : i32
        %ne3A_68 = arith.cmpi ne, %rem3A, %ne3A_67 : i32
        %and3A = arith.andi %ne3A, %ne3A_68 : i1
        %sub3A_69 = arith.constant 1 : i32
        %sub3A_70 = arith.subi %div3A, %sub3A_69 : i32
        %select_n3A = arith.select %and3A, %sub3A_70, %div3A : i32
        %mul3A_71 = arith.constant 128 : i32
        %mul3A_72 = arith.muli %select_n3A, %mul3A_71 : i32
        %sub3A_73 = arith.subi %mul3A_72, %scan3A_49 : i32
        %add3A_74 = arith.constant 15 : i32
        %add3A_75 = arith.addi %sub3A_73, %add3A_74 : i32
        %jit3A_76 = arith.constant 16 : i32
        %div3A_77 = arith.divsi %add3A_75, %jit3A_76 : i32
        %sign3A_78 = arith.constant 0 : i32
        %sign3A_79 = arith.cmpi sgt, %add3A_75, %sign3A_78 : i32
        %sign3A_80 = arith.extui %sign3A_79 : i1 to i32
        %sign3A_81 = arith.constant 0 : i32
        %sign3A_82 = arith.cmpi slt, %add3A_75, %sign3A_81 : i32
        %sign3A_83 = arith.extui %sign3A_82 : i1 to i32
        %sign3A_84 = arith.subi %sign3A_80, %sign3A_83 : i32
        %sign3A_85 = arith.constant 0 : i32
        %sign3A_86 = arith.cmpi sgt, %jit3A_76, %sign3A_85 : i32
        %sign3A_87 = arith.extui %sign3A_86 : i1 to i32
        %sign3A_88 = arith.constant 0 : i32
        %sign3A_89 = arith.cmpi slt, %jit3A_76, %sign3A_88 : i32
        %sign3A_90 = arith.extui %sign3A_89 : i1 to i32
        %sign3A_91 = arith.subi %sign3A_87, %sign3A_90 : i32
        %ne3A_92 = arith.cmpi ne, %sign3A_84, %sign3A_91 : i32
        %rem3A_93 = arith.remsi %add3A_75, %jit3A_76 : i32
        %ne3A_94 = arith.constant 0 : i32
        %ne3A_95 = arith.cmpi ne, %rem3A_93, %ne3A_94 : i32
        %and3A_96 = arith.andi %ne3A_92, %ne3A_95 : i1
        %sub3A_97 = arith.constant 1 : i32
        %sub3A_98 = arith.subi %div3A_77, %sub3A_97 : i32
        %select_n3A_99 = arith.select %and3A_96, %sub3A_98, %div3A_77 : i32
        %sub3A_100 = arith.constant 0 : i32
        %sub3A_101 = arith.subi %select_n3A_99, %sub3A_100 : i32
        %sub3A_102 = arith.constant 1 : i32
        %sub3A_103 = arith.constant 1 : i32
        %sub3A_104 = arith.subi %sub3A_102, %sub3A_103 : i32
        %add3A_105 = arith.addi %sub3A_101, %sub3A_104 : i32
        %div3A_106 = arith.constant 1 : i32
        %div3A_107 = arith.divsi %add3A_105, %div3A_106 : i32
        %while3A = arith.constant 1 : i32
        %while3A_108 = arith.constant 0 : i32
        %while3A_109 = arith.constant 0 : i32
        %while3A_110 = arith.subi %div3A_107, %while3A_109 : i32
        %while3A_111 = arith.addi %while3A_109, %while3A_110 : i32
        %while3A_112 = arith.constant 1 : i32
        %while3A_113 = arith.divsi %while3A_110, %while3A_112 : i32
        %while3A_114 = arith.muli %while3A_113, %while3A_112 : i32
        %while3A_115 = arith.addi %while3A_109, %while3A_114 : i32
        %while3A_116 = arith.constant 1 : i32
        scf.for %while3A_137 = %while3A_109 to %while3A_115 step %while3A_116  : i32 {
          %mul3A_138 = arith.muli %while3A_137, %while3A : i32
          %add3A_139 = arith.addi %while3A_108, %mul3A_138 : i32
          %mul3A_140 = arith.constant 16 : i32
          %mul3A_141 = arith.muli %add3A_139, %mul3A_140 : i32
          %add3A_142 = arith.addi %scan3A_49, %mul3A_141 : i32
          %add3A_143 = vector.broadcast %add3A_142 : i32 to vector<16xi32>
          %add3A_144 = arith.addi %add3A_143, %iota3A : vector<16xi32>
          %shift_right_logical3A = arith.constant 7 : i32
          %shift_right_logical3A_145 = vector.broadcast %shift_right_logical3A : i32 to vector<16xi32>
          %shift_right_logical3A_146 = arith.shrui %add3A_144, %shift_right_logical3A_145 : vector<16xi32>
          %and3A_147 = arith.constant 127 : i32
          %and3A_148 = vector.broadcast %and3A_147 : i32 to vector<16xi32>
          %and3A_149 = arith.andi %add3A_144, %and3A_148 : vector<16xi32>
          %broadcast_in_dim3A_150 = arith.constant 12288 : i32
          %broadcast_in_dim3A_151 = vector.broadcast %broadcast_in_dim3A_150 : i32 to vector<16xi32>
          tpu.vector_store_idx %arg9[%shift_right_logical3A_146, %and3A_149], %broadcast_in_dim3A_151 : memref<26x128xi32, #tpu.memory_space<vmem>>[vector<16xi32>, vector<16xi32>], vector<16xi32>,
          %broadcast_in_dim3A_152 = arith.constant 0 : i32
          %broadcast_in_dim3A_153 = vector.broadcast %broadcast_in_dim3A_152 : i32 to vector<16xi32>
          tpu.vector_store_idx %arg8[%shift_right_logical3A_146, %and3A_149], %broadcast_in_dim3A_153 : memref<26x128xi32, #tpu.memory_space<vmem>>[vector<16xi32>, vector<16xi32>], vector<16xi32>,
        }
        %while3A_117 = arith.constant 1 : i32
        scf.for %while3A_137 = %while3A_115 to %while3A_111 step %while3A_117  : i32 {
          %mul3A_138 = arith.muli %while3A_137, %while3A : i32
          %add3A_139 = arith.addi %while3A_108, %mul3A_138 : i32
          %mul3A_140 = arith.constant 16 : i32
          %mul3A_141 = arith.muli %add3A_139, %mul3A_140 : i32
          %add3A_142 = arith.addi %scan3A_49, %mul3A_141 : i32
          %add3A_143 = vector.broadcast %add3A_142 : i32 to vector<16xi32>
          %add3A_144 = arith.addi %add3A_143, %iota3A : vector<16xi32>
          %shift_right_logical3A = arith.constant 7 : i32
          %shift_right_logical3A_145 = vector.broadcast %shift_right_logical3A : i32 to vector<16xi32>
          %shift_right_logical3A_146 = arith.shrui %add3A_144, %shift_right_logical3A_145 : vector<16xi32>
          %and3A_147 = arith.constant 127 : i32
          %and3A_148 = vector.broadcast %and3A_147 : i32 to vector<16xi32>
          %and3A_149 = arith.andi %add3A_144, %and3A_148 : vector<16xi32>
          %broadcast_in_dim3A_150 = arith.constant 12288 : i32
          %broadcast_in_dim3A_151 = vector.broadcast %broadcast_in_dim3A_150 : i32 to vector<16xi32>
          tpu.vector_store_idx %arg9[%shift_right_logical3A_146, %and3A_149], %broadcast_in_dim3A_151 : memref<26x128xi32, #tpu.memory_space<vmem>>[vector<16xi32>, vector<16xi32>], vector<16xi32>,
          %broadcast_in_dim3A_152 = arith.constant 0 : i32
          %broadcast_in_dim3A_153 = vector.broadcast %broadcast_in_dim3A_152 : i32 to vector<16xi32>
          tpu.vector_store_idx %arg8[%shift_right_logical3A_146, %and3A_149], %broadcast_in_dim3A_153 : memref<26x128xi32, #tpu.memory_space<vmem>>[vector<16xi32>, vector<16xi32>], vector<16xi32>,
        }
        %sub3A_118 = arith.constant 0 : i32
        %sub3A_119 = arith.subi %select_n3A, %sub3A_118 : i32
        %sub3A_120 = arith.constant 1 : i32
        %sub3A_121 = arith.constant 1 : i32
        %sub3A_122 = arith.subi %sub3A_120, %sub3A_121 : i32
        %add3A_123 = arith.addi %sub3A_119, %sub3A_122 : i32
        %div3A_124 = arith.constant 1 : i32
        %div3A_125 = arith.divsi %add3A_123, %div3A_124 : i32
        %while3A_126 = arith.constant 1 : i32
        %while3A_127 = arith.constant 0 : i32
        %while3A_128 = arith.constant 0 : i32
        %while3A_129 = arith.subi %div3A_125, %while3A_128 : i32
        %while3A_130 = arith.addi %while3A_128, %while3A_129 : i32
        %while3A_131 = arith.constant 1 : i32
        %while3A_132 = arith.divsi %while3A_129, %while3A_131 : i32
        %while3A_133 = arith.muli %while3A_132, %while3A_131 : i32
        %while3A_134 = arith.addi %while3A_128, %while3A_133 : i32
        %while3A_135 = arith.constant 1 : i32
        scf.for %while3A_137 = %while3A_128 to %while3A_134 step %while3A_135  : i32 {
          %mul3A_138 = arith.muli %while3A_137, %while3A_126 : i32
          %add3A_139 = arith.addi %while3A_127, %mul3A_138 : i32
          "tpu.region"() ({
            %run_scoped3A = tpu.sem_alloc : memref<!tpu.dma_semaphore, #tpu.memory_space<semaphore_mem>>
            %dma_start3A = arith.constant 0 : i32
            %dma_start3A_140 = tpu.memref_slice %arg8[%add3A_139, %dma_start3A] : memref<26x128xi32, #tpu.memory_space<vmem>> -> memref<1x128xi32, #tpu.memory_space<vmem>>
            %dma_start3A_141 = tpu.memref_squeeze %dma_start3A_140 : memref<1x128xi32, #tpu.memory_space<vmem>> -> memref<128xi32, #tpu.memory_space<vmem>>
            %dma_start3A_142 = arith.constant 0 : i32
            %dma_start3A_143 = arith.constant 0 : i32
            %dma_start3A_144 = tpu.memref_slice %arg2[%dma_start3A_142, %dma_start3A_143] : memref<100000x128xf32, #tpu.memory_space<hbm>> -> memref<100000x128xf32, #tpu.memory_space<hbm>>
            tpu.enqueue_indirect_dma source(%dma_start3A_144 : memref<100000x128xf32, #tpu.memory_space<hbm>>) target(%arg10 : memref<128x128xf32, #tpu.memory_space<vmem>>) offsets(%dma_start3A_141 : memref<128xi32, #tpu.memory_space<vmem>>) semaphore(%run_scoped3A : memref<!tpu.dma_semaphore, #tpu.memory_space<semaphore_mem>>)
            %dma_wait3A = arith.constant 0 : i32
            %dma_wait3A_145 = tpu.memref_slice %arg8[%add3A_139, %dma_wait3A] : memref<26x128xi32, #tpu.memory_space<vmem>> -> memref<1x128xi32, #tpu.memory_space<vmem>>
            %dma_wait3A_146 = tpu.memref_squeeze %dma_wait3A_145 : memref<1x128xi32, #tpu.memory_space<vmem>> -> memref<128xi32, #tpu.memory_space<vmem>>
            %dma_wait3A_147 = arith.constant 0 : i32
            %dma_wait3A_148 = arith.constant 0 : i32
            %dma_wait3A_149 = tpu.memref_slice %arg2[%dma_wait3A_147, %dma_wait3A_148] : memref<100000x128xf32, #tpu.memory_space<hbm>> -> memref<100000x128xf32, #tpu.memory_space<hbm>>
            tpu.wait_indirect_dma semaphore(%run_scoped3A : memref<!tpu.dma_semaphore, #tpu.memory_space<semaphore_mem>>) src(%dma_wait3A_149 : memref<100000x128xf32, #tpu.memory_space<hbm>>) dst(%arg10 : memref<128x128xf32, #tpu.memory_space<vmem>>)
            tpu.yield
          }) : () -> ()
          "tpu.region"() ({
            %run_scoped3A = tpu.sem_alloc : memref<!tpu.dma_semaphore, #tpu.memory_space<semaphore_mem>>
            %dma_start3A = arith.constant 0 : i32
            %dma_start3A_140 = tpu.memref_slice %arg9[%add3A_139, %dma_start3A] : memref<26x128xi32, #tpu.memory_space<vmem>> -> memref<1x128xi32, #tpu.memory_space<vmem>>
            %dma_start3A_141 = tpu.memref_squeeze %dma_start3A_140 : memref<1x128xi32, #tpu.memory_space<vmem>> -> memref<128xi32, #tpu.memory_space<vmem>>
            %dma_start3A_142 = arith.constant 0 : i32
            %dma_start3A_143 = arith.constant 0 : i32
            %dma_start3A_144 = tpu.memref_slice %arg11[%dma_start3A_142, %dma_start3A_143] : memref<12416x128xf32, #tpu.memory_space<vmem_shared>> -> memref<12416x128xf32, #tpu.memory_space<vmem_shared>>
            tpu.enqueue_indirect_dma source(%arg10 : memref<128x128xf32, #tpu.memory_space<vmem>>) target(%dma_start3A_144 : memref<12416x128xf32, #tpu.memory_space<vmem_shared>>) offsets(%dma_start3A_141 : memref<128xi32, #tpu.memory_space<vmem>>) semaphore(%run_scoped3A : memref<!tpu.dma_semaphore, #tpu.memory_space<semaphore_mem>>) {add = true}
            %dma_wait3A = arith.constant 0 : i32
            %dma_wait3A_145 = tpu.memref_slice %arg9[%add3A_139, %dma_wait3A] : memref<26x128xi32, #tpu.memory_space<vmem>> -> memref<1x128xi32, #tpu.memory_space<vmem>>
            %dma_wait3A_146 = tpu.memref_squeeze %dma_wait3A_145 : memref<1x128xi32, #tpu.memory_space<vmem>> -> memref<128xi32, #tpu.memory_space<vmem>>
            %dma_wait3A_147 = arith.constant 0 : i32
            %dma_wait3A_148 = arith.constant 0 : i32
            %dma_wait3A_149 = tpu.memref_slice %arg11[%dma_wait3A_147, %dma_wait3A_148] : memref<12416x128xf32, #tpu.memory_space<vmem_shared>> -> memref<12416x128xf32, #tpu.memory_space<vmem_shared>>
            tpu.wait_indirect_dma semaphore(%run_scoped3A : memref<!tpu.dma_semaphore, #tpu.memory_space<semaphore_mem>>) src(%arg10 : memref<128x128xf32, #tpu.memory_space<vmem>>) dst(%dma_wait3A_149 : memref<12416x128xf32, #tpu.memory_space<vmem_shared>>)
            tpu.yield
          }) : () -> ()
        }
        %while3A_136 = arith.constant 1 : i32
        scf.for %while3A_137 = %while3A_134 to %while3A_130 step %while3A_136  : i32 {
          %mul3A_138 = arith.muli %while3A_137, %while3A_126 : i32
          %add3A_139 = arith.addi %while3A_127, %mul3A_138 : i32
          "tpu.region"() ({
            %run_scoped3A = tpu.sem_alloc : memref<!tpu.dma_semaphore, #tpu.memory_space<semaphore_mem>>
            %dma_start3A = arith.constant 0 : i32
            %dma_start3A_140 = tpu.memref_slice %arg8[%add3A_139, %dma_start3A] : memref<26x128xi32, #tpu.memory_space<vmem>> -> memref<1x128xi32, #tpu.memory_space<vmem>>
            %dma_start3A_141 = tpu.memref_squeeze %dma_start3A_140 : memref<1x128xi32, #tpu.memory_space<vmem>> -> memref<128xi32, #tpu.memory_space<vmem>>
            %dma_start3A_142 = arith.constant 0 : i32
            %dma_start3A_143 = arith.constant 0 : i32
            %dma_start3A_144 = tpu.memref_slice %arg2[%dma_start3A_142, %dma_start3A_143] : memref<100000x128xf32, #tpu.memory_space<hbm>> -> memref<100000x128xf32, #tpu.memory_space<hbm>>
            tpu.enqueue_indirect_dma source(%dma_start3A_144 : memref<100000x128xf32, #tpu.memory_space<hbm>>) target(%arg10 : memref<128x128xf32, #tpu.memory_space<vmem>>) offsets(%dma_start3A_141 : memref<128xi32, #tpu.memory_space<vmem>>) semaphore(%run_scoped3A : memref<!tpu.dma_semaphore, #tpu.memory_space<semaphore_mem>>)
            %dma_wait3A = arith.constant 0 : i32
            %dma_wait3A_145 = tpu.memref_slice %arg8[%add3A_139, %dma_wait3A] : memref<26x128xi32, #tpu.memory_space<vmem>> -> memref<1x128xi32, #tpu.memory_space<vmem>>
            %dma_wait3A_146 = tpu.memref_squeeze %dma_wait3A_145 : memref<1x128xi32, #tpu.memory_space<vmem>> -> memref<128xi32, #tpu.memory_space<vmem>>
            %dma_wait3A_147 = arith.constant 0 : i32
            %dma_wait3A_148 = arith.constant 0 : i32
            %dma_wait3A_149 = tpu.memref_slice %arg2[%dma_wait3A_147, %dma_wait3A_148] : memref<100000x128xf32, #tpu.memory_space<hbm>> -> memref<100000x128xf32, #tpu.memory_space<hbm>>
            tpu.wait_indirect_dma semaphore(%run_scoped3A : memref<!tpu.dma_semaphore, #tpu.memory_space<semaphore_mem>>) src(%dma_wait3A_149 : memref<100000x128xf32, #tpu.memory_space<hbm>>) dst(%arg10 : memref<128x128xf32, #tpu.memory_space<vmem>>)
            tpu.yield
          }) : () -> ()
          "tpu.region"() ({
            %run_scoped3A = tpu.sem_alloc : memref<!tpu.dma_semaphore, #tpu.memory_space<semaphore_mem>>
            %dma_start3A = arith.constant 0 : i32
            %dma_start3A_140 = tpu.memref_slice %arg9[%add3A_139, %dma_start3A] : memref<26x128xi32, #tpu.memory_space<vmem>> -> memref<1x128xi32, #tpu.memory_space<vmem>>
            %dma_start3A_141 = tpu.memref_squeeze %dma_start3A_140 : memref<1x128xi32, #tpu.memory_space<vmem>> -> memref<128xi32, #tpu.memory_space<vmem>>
            %dma_start3A_142 = arith.constant 0 : i32
            %dma_start3A_143 = arith.constant 0 : i32
            %dma_start3A_144 = tpu.memref_slice %arg11[%dma_start3A_142, %dma_start3A_143] : memref<12416x128xf32, #tpu.memory_space<vmem_shared>> -> memref<12416x128xf32, #tpu.memory_space<vmem_shared>>
            tpu.enqueue_indirect_dma source(%arg10 : memref<128x128xf32, #tpu.memory_space<vmem>>) target(%dma_start3A_144 : memref<12416x128xf32, #tpu.memory_space<vmem_shared>>) offsets(%dma_start3A_141 : memref<128xi32, #tpu.memory_space<vmem>>) semaphore(%run_scoped3A : memref<!tpu.dma_semaphore, #tpu.memory_space<semaphore_mem>>) {add = true}
            %dma_wait3A = arith.constant 0 : i32
            %dma_wait3A_145 = tpu.memref_slice %arg9[%add3A_139, %dma_wait3A] : memref<26x128xi32, #tpu.memory_space<vmem>> -> memref<1x128xi32, #tpu.memory_space<vmem>>
            %dma_wait3A_146 = tpu.memref_squeeze %dma_wait3A_145 : memref<1x128xi32, #tpu.memory_space<vmem>> -> memref<128xi32, #tpu.memory_space<vmem>>
            %dma_wait3A_147 = arith.constant 0 : i32
            %dma_wait3A_148 = arith.constant 0 : i32
            %dma_wait3A_149 = tpu.memref_slice %arg11[%dma_wait3A_147, %dma_wait3A_148] : memref<12416x128xf32, #tpu.memory_space<vmem_shared>> -> memref<12416x128xf32, #tpu.memory_space<vmem_shared>>
            tpu.wait_indirect_dma semaphore(%run_scoped3A : memref<!tpu.dma_semaphore, #tpu.memory_space<semaphore_mem>>) src(%arg10 : memref<128x128xf32, #tpu.memory_space<vmem>>) dst(%dma_wait3A_149 : memref<12416x128xf32, #tpu.memory_space<vmem_shared>>)
            tpu.yield
          }) : () -> ()
        }
      }
      %scan3A_27 = arith.constant 4 : i32
      %barrier3A_28 = arith.constant 0 : index
      tpu.barrier barrier_id(%barrier3A_28)
      %mul3A_29 = arith.constant 768 : i32
      %mul3A_30 = arith.muli %arg1, %mul3A_29 : i32
      %mul3A_31 = arith.constant 768 : i32
      %mul3A_32 = arith.muli %arg1, %mul3A_31 : i32
      %add3A_33 = arith.addi %add3A_12, %mul3A_32 : i32
      "tpu.region"() ({
        %run_scoped3A = tpu.sem_alloc : memref<!tpu.dma_semaphore, #tpu.memory_space<semaphore_mem>>
        %dma_start3A = arith.constant 0 : i32
        %dma_start3A_34 = tpu.memref_slice %arg5[%add3A_33, %dma_start3A] : memref<122880x128xf32, #tpu.memory_space<hbm>> -> memref<768x128xf32, #tpu.memory_space<hbm>>
        %dma_start3A_35 = arith.constant 0 : i32
        %dma_start3A_36 = tpu.memref_slice %arg11[%mul3A_30, %dma_start3A_35] : memref<12416x128xf32, #tpu.memory_space<vmem_shared>> -> memref<768x128xf32, #tpu.memory_space<vmem_shared>>
        tpu.enqueue_dma source(%dma_start3A_36 : memref<768x128xf32, #tpu.memory_space<vmem_shared>>) target(%dma_start3A_34 : memref<768x128xf32, #tpu.memory_space<hbm>>) target_semaphore(%run_scoped3A : memref<!tpu.dma_semaphore, #tpu.memory_space<semaphore_mem>>)
        %dma_wait3A = arith.constant 0 : i32
        %dma_wait3A_37 = tpu.memref_slice %arg5[%add3A_33, %dma_wait3A] : memref<122880x128xf32, #tpu.memory_space<hbm>> -> memref<768x128xf32, #tpu.memory_space<hbm>>
        %dma_wait3A_38 = arith.constant 0 : i32
        %dma_wait3A_39 = tpu.memref_slice %arg11[%mul3A_30, %dma_wait3A_38] : memref<12416x128xf32, #tpu.memory_space<vmem_shared>> -> memref<768x128xf32, #tpu.memory_space<vmem_shared>>
        tpu.wait_dma2 semaphore(%run_scoped3A : memref<!tpu.dma_semaphore, #tpu.memory_space<semaphore_mem>>) src(%dma_wait3A_39 : memref<768x128xf32, #tpu.memory_space<vmem_shared>>) dst(%dma_wait3A_37 : memref<768x128xf32, #tpu.memory_space<hbm>>)
        tpu.yield
      }) : () -> ()
    }
    %scan3A_4 = arith.constant 5 : i32
    return
  }
}

#map = affine_map<(d0, d1) -> (0, 0)>
#map1 = affine_map<(d0, d1) -> (0)>
module attributes {stable_mosaic.version = 14 : i64} {
  func.func @k(%arg0: i32, %arg1: i32, %arg2: memref<100000x128xf32, #tpu.memory_space<hbm>>, %arg3: memref<204800xi32, #tpu.memory_space<hbm>>, %arg4: memref<204800xi32, #tpu.memory_space<hbm>>, %arg5: memref<122880x128xf32, #tpu.memory_space<hbm>>, %arg6: memref<3200xi32, #tpu.memory_space<vmem>>, %arg7: memref<3200xi32, #tpu.memory_space<vmem>>, %arg8: memref<26x128xi32, #tpu.memory_space<vmem>>, %arg9: memref<26x128xi32, #tpu.memory_space<vmem>>, %arg10: memref<128x128xf32, #tpu.memory_space<vmem>>, %arg11: memref<12416x128xf32, #tpu.memory_space<vmem_shared>>) attributes {dimension_semantics = [#tpu.dimension_semantics<core_parallel>, #tpu.dimension_semantics<subcore_parallel>], iteration_bounds = array<i64: 2, 16>, scalar_prefetch = 0 : i64, scratch_operands = 6 : i64, tpu.core_type = #tpu.core_type<sc_vector_subcore>, window_params = [{transform_indices = #map}, {transform_indices = #map1}, {transform_indices = #map1}, {transform_indices = #map}]} {
    %broadcast_in_dim3A = arith.constant 0.000000e+00 : f32
    %broadcast_in_dim3A_0 = vector.broadcast %broadcast_in_dim3A : f32 to vector<16xf32>
    %iota3A = tpu.iota {dimensions = array<i32: 0>} : vector<16xi32>
    %scan3A = arith.constant 0 : i32
    %scan3A_1 = arith.constant 5 : i32
    %scan3A_2 = arith.addi %scan3A, %scan3A_1 : i32
    %scan3A_3 = arith.constant 1 : i32
    scf.for %scan3A_5 = %scan3A to %scan3A_2 step %scan3A_3  : i32 {
      %mul3A = arith.constant 1 : i32
      %mul3A_6 = arith.muli %scan3A_5, %mul3A : i32
      %add3A = arith.constant 0 : i32
      %add3A_7 = arith.addi %add3A, %mul3A_6 : i32
      %mul3A_8 = arith.constant 24576 : i32
      %mul3A_9 = arith.muli %add3A_7, %mul3A_8 : i32
      %mul3A_10 = arith.constant 12288 : i32
      %mul3A_11 = arith.muli %arg0, %mul3A_10 : i32
      %add3A_12 = arith.addi %mul3A_9, %mul3A_11 : i32
      %scan3A_13 = arith.constant 0 : i32
      %scan3A_14 = arith.constant 128 : i32
      %scan3A_15 = arith.addi %scan3A_13, %scan3A_14 : i32
      %scan3A_16 = arith.constant 1 : i32
      scf.for %scan3A_34 = %scan3A_13 to %scan3A_15 step %scan3A_16  : i32 {
        %mul3A_35 = arith.constant 1 : i32
        %mul3A_36 = arith.muli %scan3A_34, %mul3A_35 : i32
        %add3A_37 = arith.constant 0 : i32
        %add3A_38 = arith.addi %add3A_37, %mul3A_36 : i32
        %scan3A_39 = arith.constant 0 : i32
        %scan3A_40 = arith.constant 8 : i32
        %scan3A_41 = arith.addi %scan3A_39, %scan3A_40 : i32
        %scan3A_42 = arith.constant 1 : i32
        scf.for %scan3A_44 = %scan3A_39 to %scan3A_41 step %scan3A_42  : i32 {
          %mul3A_45 = arith.constant 1 : i32
          %mul3A_46 = arith.muli %scan3A_44, %mul3A_45 : i32
          %add3A_47 = arith.constant 0 : i32
          %add3A_48 = arith.addi %add3A_47, %mul3A_46 : i32
          %mul3A_49 = arith.constant 16 : i32
          %mul3A_50 = arith.muli %add3A_48, %mul3A_49 : i32
          %swap3A = arith.index_cast %add3A_38 : i32 to index
          %swap3A_51 = arith.index_cast %mul3A_50 : i32 to index
          %swap3A_52 = tpu.vector_load %arg10[%swap3A, %swap3A_51] {strides = array<i32>} : memref<128x128xf32, #tpu.memory_space<vmem>>, vector<16xf32>,
          tpu.vector_store %arg10[%swap3A, %swap3A_51], %broadcast_in_dim3A_0 {strides = array<i32>} : memref<128x128xf32, #tpu.memory_space<vmem>>, vector<16xf32>,
        }
        %scan3A_43 = arith.constant 8 : i32
      }
      %scan3A_17 = arith.constant 128 : i32
      %scan3A_18 = arith.constant 0 : i32
      %scan3A_19 = arith.constant 6 : i32
      %scan3A_20 = arith.addi %scan3A_18, %scan3A_19 : i32
      %scan3A_21 = arith.constant 1 : i32
      scf.for %scan3A_34 = %scan3A_18 to %scan3A_20 step %scan3A_21  : i32 {
        %mul3A_35 = arith.constant 1 : i32
        %mul3A_36 = arith.muli %scan3A_34, %mul3A_35 : i32
        %add3A_37 = arith.constant 0 : i32
        %add3A_38 = arith.addi %add3A_37, %mul3A_36 : i32
        %mul3A_39 = arith.constant 768 : i32
        %mul3A_40 = arith.muli %arg1, %mul3A_39 : i32
        %mul3A_41 = arith.constant 128 : i32
        %mul3A_42 = arith.muli %add3A_38, %mul3A_41 : i32
        %add3A_43 = arith.addi %mul3A_40, %mul3A_42 : i32
        "tpu.region"() ({
          %run_scoped3A = tpu.sem_alloc : memref<!tpu.dma_semaphore, #tpu.memory_space<semaphore_mem>>
          %dma_start3A = arith.constant 0 : i32
          %dma_start3A_44 = tpu.memref_slice %arg11[%add3A_43, %dma_start3A] : memref<12416x128xf32, #tpu.memory_space<vmem_shared>> -> memref<128x128xf32, #tpu.memory_space<vmem_shared>>
          %dma_start3A_45 = arith.constant 0 : i32
          %dma_start3A_46 = tpu.memref_slice %arg11[%add3A_43, %dma_start3A_45] : memref<12416x128xf32, #tpu.memory_space<vmem_shared>> -> memref<128x128xf32, #tpu.memory_space<vmem_shared>>
          tpu.enqueue_dma source(%arg10 : memref<128x128xf32, #tpu.memory_space<vmem>>) target(%dma_start3A_46 : memref<128x128xf32, #tpu.memory_space<vmem_shared>>) target_semaphore(%run_scoped3A : memref<!tpu.dma_semaphore, #tpu.memory_space<semaphore_mem>>)
          %dma_wait3A = arith.constant 0 : i32
          %dma_wait3A_47 = tpu.memref_slice %arg11[%add3A_43, %dma_wait3A] : memref<12416x128xf32, #tpu.memory_space<vmem_shared>> -> memref<128x128xf32, #tpu.memory_space<vmem_shared>>
          %dma_wait3A_48 = arith.constant 0 : i32
          %dma_wait3A_49 = tpu.memref_slice %arg11[%add3A_43, %dma_wait3A_48] : memref<12416x128xf32, #tpu.memory_space<vmem_shared>> -> memref<128x128xf32, #tpu.memory_space<vmem_shared>>
          tpu.wait_dma2 semaphore(%run_scoped3A : memref<!tpu.dma_semaphore, #tpu.memory_space<semaphore_mem>>) src(%arg10 : memref<128x128xf32, #tpu.memory_space<vmem>>) dst(%dma_wait3A_49 : memref<128x128xf32, #tpu.memory_space<vmem_shared>>)
          tpu.yield
        }) : () -> ()
      }
      %scan3A_22 = arith.constant 6 : i32
      %barrier3A = arith.constant 0 : index
      tpu.barrier barrier_id(%barrier3A)
      %scan3A_23 = arith.constant 0 : i32
      %scan3A_24 = arith.constant 4 : i32
      %scan3A_25 = arith.addi %scan3A_23, %scan3A_24 : i32
      %scan3A_26 = arith.constant 1 : i32
      scf.for %scan3A_34 = %scan3A_23 to %scan3A_25 step %scan3A_26  : i32 {
        %mul3A_35 = arith.constant 1 : i32
        %mul3A_36 = arith.muli %scan3A_34, %mul3A_35 : i32
        %add3A_37 = arith.constant 0 : i32
        %add3A_38 = arith.addi %add3A_37, %mul3A_36 : i32
        %mul3A_39 = arith.constant 12800 : i32
        %mul3A_40 = arith.muli %arg1, %mul3A_39 : i32
        %mul3A_41 = arith.constant 3200 : i32
        %mul3A_42 = arith.muli %add3A_38, %mul3A_41 : i32
        %add3A_43 = arith.addi %mul3A_40, %mul3A_42 : i32
        "tpu.region"() ({
          %run_scoped3A = tpu.sem_alloc : memref<!tpu.dma_semaphore, #tpu.memory_space<semaphore_mem>>
          %dma_start3A = tpu.memref_slice %arg3[%add3A_43] : memref<204800xi32, #tpu.memory_space<hbm>> -> memref<3200xi32, #tpu.memory_space<hbm>>
          %dma_start3A_137 = tpu.memref_slice %arg3[%add3A_43] : memref<204800xi32, #tpu.memory_space<hbm>> -> memref<3200xi32, #tpu.memory_space<hbm>>
          tpu.enqueue_dma source(%dma_start3A_137 : memref<3200xi32, #tpu.memory_space<hbm>>) target(%arg6 : memref<3200xi32, #tpu.memory_space<vmem>>) target_semaphore(%run_scoped3A : memref<!tpu.dma_semaphore, #tpu.memory_space<semaphore_mem>>)
          %dma_wait3A = tpu.memref_slice %arg3[%add3A_43] : memref<204800xi32, #tpu.memory_space<hbm>> -> memref<3200xi32, #tpu.memory_space<hbm>>
          %dma_wait3A_138 = tpu.memref_slice %arg3[%add3A_43] : memref<204800xi32, #tpu.memory_space<hbm>> -> memref<3200xi32, #tpu.memory_space<hbm>>
          tpu.wait_dma2 semaphore(%run_scoped3A : memref<!tpu.dma_semaphore, #tpu.memory_space<semaphore_mem>>) src(%dma_wait3A_138 : memref<3200xi32, #tpu.memory_space<hbm>>) dst(%arg6 : memref<3200xi32, #tpu.memory_space<vmem>>)
          tpu.yield
        }) : () -> ()
        "tpu.region"() ({
          %run_scoped3A = tpu.sem_alloc : memref<!tpu.dma_semaphore, #tpu.memory_space<semaphore_mem>>
          %dma_start3A = tpu.memref_slice %arg4[%add3A_43] : memref<204800xi32, #tpu.memory_space<hbm>> -> memref<3200xi32, #tpu.memory_space<hbm>>
          %dma_start3A_137 = tpu.memref_slice %arg4[%add3A_43] : memref<204800xi32, #tpu.memory_space<hbm>> -> memref<3200xi32, #tpu.memory_space<hbm>>
          tpu.enqueue_dma source(%dma_start3A_137 : memref<3200xi32, #tpu.memory_space<hbm>>) target(%arg7 : memref<3200xi32, #tpu.memory_space<vmem>>) target_semaphore(%run_scoped3A : memref<!tpu.dma_semaphore, #tpu.memory_space<semaphore_mem>>)
          %dma_wait3A = tpu.memref_slice %arg4[%add3A_43] : memref<204800xi32, #tpu.memory_space<hbm>> -> memref<3200xi32, #tpu.memory_space<hbm>>
          %dma_wait3A_138 = tpu.memref_slice %arg4[%add3A_43] : memref<204800xi32, #tpu.memory_space<hbm>> -> memref<3200xi32, #tpu.memory_space<hbm>>
          tpu.wait_dma2 semaphore(%run_scoped3A : memref<!tpu.dma_semaphore, #tpu.memory_space<semaphore_mem>>) src(%dma_wait3A_138 : memref<3200xi32, #tpu.memory_space<hbm>>) dst(%arg7 : memref<3200xi32, #tpu.memory_space<vmem>>)
          tpu.yield
        }) : () -> ()
        %scan3A_44 = arith.constant 0 : i32
        %scan3A_45 = arith.constant 0 : i32
        %scan3A_46 = arith.constant 200 : i32
        %scan3A_47 = arith.addi %scan3A_45, %scan3A_46 : i32
        %scan3A_48 = arith.constant 1 : i32
        %scan3A_49 = scf.for %scan3A_137 = %scan3A_45 to %scan3A_47 step %scan3A_48 iter_args(%scan3A_138 = %scan3A_44) -> (i32)  : i32 {
          %mul3A_139 = arith.constant 16 : i32
          %mul3A_140 = arith.muli %scan3A_137, %mul3A_139 : i32
          %get3A = arith.index_cast %mul3A_140 : i32 to index
          %get3A_141 = tpu.vector_load %arg7[%get3A] {strides = array<i32>} : memref<3200xi32, #tpu.memory_space<vmem>>, vector<16xi32>,
          %sub3A_142 = vector.broadcast %add3A_12 : i32 to vector<16xi32>
          %sub3A_143 = arith.subi %get3A_141, %sub3A_142 : vector<16xi32>
          %ge3A = arith.constant 0 : i32
          %ge3A_144 = vector.broadcast %ge3A : i32 to vector<16xi32>
          %ge3A_145 = arith.cmpi sge, %sub3A_143, %ge3A_144 : vector<16xi32>
          %lt3A = arith.constant 12288 : i32
          %lt3A_146 = vector.broadcast %lt3A : i32 to vector<16xi32>
          %lt3A_147 = arith.cmpi slt, %sub3A_143, %lt3A_146 : vector<16xi32>
          %and3A_148 = arith.andi %ge3A_145, %lt3A_147 : vector<16xi1>
          %convert_element_type3A = arith.extui %and3A_148 : vector<16xi1> to vector<16xi32>
          %cumsum3A = arith.constant true
          %cumsum3A_149 = vector.broadcast %cumsum3A : i1 to vector<16xi1>
          %cumsum3A_150 = tpu.scan <sum>, %convert_element_type3A masked %cumsum3A_149 : vector<16xi32>, vector<16xi1> -> vector<16xi32>
          %add3A_151 = vector.broadcast %scan3A_138 : i32 to vector<16xi32>
          %add3A_152 = arith.addi %add3A_151, %cumsum3A_150 : vector<16xi32>
          %sub3A_153 = arith.constant 1 : i32
          %sub3A_154 = vector.broadcast %sub3A_153 : i32 to vector<16xi32>
          %sub3A_155 = arith.subi %add3A_152, %sub3A_154 : vector<16xi32>
          %shift_right_logical3A = arith.constant 7 : i32
          %shift_right_logical3A_156 = vector.broadcast %shift_right_logical3A : i32 to vector<16xi32>
          %shift_right_logical3A_157 = arith.shrui %sub3A_155, %shift_right_logical3A_156 : vector<16xi32>
          %and3A_158 = arith.constant 127 : i32
          %and3A_159 = vector.broadcast %and3A_158 : i32 to vector<16xi32>
          %and3A_160 = arith.andi %sub3A_155, %and3A_159 : vector<16xi32>
          tpu.vector_store_idx %arg9[%shift_right_logical3A_157, %and3A_160], %sub3A_143 masked %and3A_148 : memref<26x128xi32, #tpu.memory_space<vmem>>[vector<16xi32>, vector<16xi32>], vector<16xi32>, vector<16xi1>
          %mul3A_161 = arith.constant 16 : i32
          %mul3A_162 = arith.muli %scan3A_137, %mul3A_161 : i32
          %get3A_163 = arith.index_cast %mul3A_162 : i32 to index
          %get3A_164 = tpu.vector_load %arg6[%get3A_163] {strides = array<i32>} : memref<3200xi32, #tpu.memory_space<vmem>>, vector<16xi32>,
          tpu.vector_store_idx %arg8[%shift_right_logical3A_157, %and3A_160], %get3A_164 masked %and3A_148 : memref<26x128xi32, #tpu.memory_space<vmem>>[vector<16xi32>, vector<16xi32>], vector<16xi32>, vector<16xi1>
          %reduce_sum3A = arith.constant true
          %reduce_sum3A_165 = vector.broadcast %reduce_sum3A : i1 to vector<16xi1>
          %reduce_sum3A_166 = tpu.scan <sum>, %convert_element_type3A masked %reduce_sum3A_165 : vector<16xi32>, vector<16xi1> -> vector<16xi32>
          %reduce_sum3A_167 = vector.extract %reduce_sum3A_166[15] : i32 from vector<16xi32>
          %add3A_168 = arith.addi %scan3A_138, %reduce_sum3A_167 : i32
          scf.yield %add3A_168 : i32
        }
        %scan3A_50 = arith.constant 200 : i32
        %add3A_51 = arith.constant 128 : i32
        %add3A_52 = arith.addi %scan3A_49, %add3A_51 : i32
        %sub3A = arith.constant 1 : i32
        %sub3A_53 = arith.subi %add3A_52, %sub3A : i32
        %jit3A = arith.constant 128 : i32
        %div3A = arith.divsi %sub3A_53, %jit3A : i32
        %sign3A = arith.constant 0 : i32
        %sign3A_54 = arith.cmpi sgt, %sub3A_53, %sign3A : i32
        %sign3A_55 = arith.extui %sign3A_54 : i1 to i32
        %sign3A_56 = arith.constant 0 : i32
        %sign3A_57 = arith.cmpi slt, %sub3A_53, %sign3A_56 : i32
        %sign3A_58 = arith.extui %sign3A_57 : i1 to i32
        %sign3A_59 = arith.subi %sign3A_55, %sign3A_58 : i32
        %sign3A_60 = arith.constant 0 : i32
        %sign3A_61 = arith.cmpi sgt, %jit3A, %sign3A_60 : i32
        %sign3A_62 = arith.extui %sign3A_61 : i1 to i32
        %sign3A_63 = arith.constant 0 : i32
        %sign3A_64 = arith.cmpi slt, %jit3A, %sign3A_63 : i32
        %sign3A_65 = arith.extui %sign3A_64 : i1 to i32
        %sign3A_66 = arith.subi %sign3A_62, %sign3A_65 : i32
        %ne3A = arith.cmpi ne, %sign3A_59, %sign3A_66 : i32
        %rem3A = arith.remsi %sub3A_53, %jit3A : i32
        %ne3A_67 = arith.constant 0 : i32
        %ne3A_68 = arith.cmpi ne, %rem3A, %ne3A_67 : i32
        %and3A = arith.andi %ne3A, %ne3A_68 : i1
        %sub3A_69 = arith.constant 1 : i32
        %sub3A_70 = arith.subi %div3A, %sub3A_69 : i32
        %select_n3A = arith.select %and3A, %sub3A_70, %div3A : i32
        %mul3A_71 = arith.constant 128 : i32
        %mul3A_72 = arith.muli %select_n3A, %mul3A_71 : i32
        %sub3A_73 = arith.subi %mul3A_72, %scan3A_49 : i32
        %add3A_74 = arith.constant 15 : i32
        %add3A_75 = arith.addi %sub3A_73, %add3A_74 : i32
        %jit3A_76 = arith.constant 16 : i32
        %div3A_77 = arith.divsi %add3A_75, %jit3A_76 : i32
        %sign3A_78 = arith.constant 0 : i32
        %sign3A_79 = arith.cmpi sgt, %add3A_75, %sign3A_78 : i32
        %sign3A_80 = arith.extui %sign3A_79 : i1 to i32
        %sign3A_81 = arith.constant 0 : i32
        %sign3A_82 = arith.cmpi slt, %add3A_75, %sign3A_81 : i32
        %sign3A_83 = arith.extui %sign3A_82 : i1 to i32
        %sign3A_84 = arith.subi %sign3A_80, %sign3A_83 : i32
        %sign3A_85 = arith.constant 0 : i32
        %sign3A_86 = arith.cmpi sgt, %jit3A_76, %sign3A_85 : i32
        %sign3A_87 = arith.extui %sign3A_86 : i1 to i32
        %sign3A_88 = arith.constant 0 : i32
        %sign3A_89 = arith.cmpi slt, %jit3A_76, %sign3A_88 : i32
        %sign3A_90 = arith.extui %sign3A_89 : i1 to i32
        %sign3A_91 = arith.subi %sign3A_87, %sign3A_90 : i32
        %ne3A_92 = arith.cmpi ne, %sign3A_84, %sign3A_91 : i32
        %rem3A_93 = arith.remsi %add3A_75, %jit3A_76 : i32
        %ne3A_94 = arith.constant 0 : i32
        %ne3A_95 = arith.cmpi ne, %rem3A_93, %ne3A_94 : i32
        %and3A_96 = arith.andi %ne3A_92, %ne3A_95 : i1
        %sub3A_97 = arith.constant 1 : i32
        %sub3A_98 = arith.subi %div3A_77, %sub3A_97 : i32
        %select_n3A_99 = arith.select %and3A_96, %sub3A_98, %div3A_77 : i32
        %sub3A_100 = arith.constant 0 : i32
        %sub3A_101 = arith.subi %select_n3A_99, %sub3A_100 : i32
        %sub3A_102 = arith.constant 1 : i32
        %sub3A_103 = arith.constant 1 : i32
        %sub3A_104 = arith.subi %sub3A_102, %sub3A_103 : i32
        %add3A_105 = arith.addi %sub3A_101, %sub3A_104 : i32
        %div3A_106 = arith.constant 1 : i32
        %div3A_107 = arith.divsi %add3A_105, %div3A_106 : i32
        %while3A = arith.constant 1 : i32
        %while3A_108 = arith.constant 0 : i32
        %while3A_109 = arith.constant 0 : i32
        %while3A_110 = arith.subi %div3A_107, %while3A_109 : i32
        %while3A_111 = arith.addi %while3A_109, %while3A_110 : i32
        %while3A_112 = arith.constant 1 : i32
        %while3A_113 = arith.divsi %while3A_110, %while3A_112 : i32
        %while3A_114 = arith.muli %while3A_113, %while3A_112 : i32
        %while3A_115 = arith.addi %while3A_109, %while3A_114 : i32
        %while3A_116 = arith.constant 1 : i32
        scf.for %while3A_137 = %while3A_109 to %while3A_115 step %while3A_116  : i32 {
          %mul3A_138 = arith.muli %while3A_137, %while3A : i32
          %add3A_139 = arith.addi %while3A_108, %mul3A_138 : i32
          %mul3A_140 = arith.constant 16 : i32
          %mul3A_141 = arith.muli %add3A_139, %mul3A_140 : i32
          %add3A_142 = arith.addi %scan3A_49, %mul3A_141 : i32
          %add3A_143 = vector.broadcast %add3A_142 : i32 to vector<16xi32>
          %add3A_144 = arith.addi %add3A_143, %iota3A : vector<16xi32>
          %shift_right_logical3A = arith.constant 7 : i32
          %shift_right_logical3A_145 = vector.broadcast %shift_right_logical3A : i32 to vector<16xi32>
          %shift_right_logical3A_146 = arith.shrui %add3A_144, %shift_right_logical3A_145 : vector<16xi32>
          %and3A_147 = arith.constant 127 : i32
          %and3A_148 = vector.broadcast %and3A_147 : i32 to vector<16xi32>
          %and3A_149 = arith.andi %add3A_144, %and3A_148 : vector<16xi32>
          %broadcast_in_dim3A_150 = arith.constant 12288 : i32
          %broadcast_in_dim3A_151 = vector.broadcast %broadcast_in_dim3A_150 : i32 to vector<16xi32>
          tpu.vector_store_idx %arg9[%shift_right_logical3A_146, %and3A_149], %broadcast_in_dim3A_151 : memref<26x128xi32, #tpu.memory_space<vmem>>[vector<16xi32>, vector<16xi32>], vector<16xi32>,
          %broadcast_in_dim3A_152 = arith.constant 0 : i32
          %broadcast_in_dim3A_153 = vector.broadcast %broadcast_in_dim3A_152 : i32 to vector<16xi32>
          tpu.vector_store_idx %arg8[%shift_right_logical3A_146, %and3A_149], %broadcast_in_dim3A_153 : memref<26x128xi32, #tpu.memory_space<vmem>>[vector<16xi32>, vector<16xi32>], vector<16xi32>,
        }
        %while3A_117 = arith.constant 1 : i32
        scf.for %while3A_137 = %while3A_115 to %while3A_111 step %while3A_117  : i32 {
          %mul3A_138 = arith.muli %while3A_137, %while3A : i32
          %add3A_139 = arith.addi %while3A_108, %mul3A_138 : i32
          %mul3A_140 = arith.constant 16 : i32
          %mul3A_141 = arith.muli %add3A_139, %mul3A_140 : i32
          %add3A_142 = arith.addi %scan3A_49, %mul3A_141 : i32
          %add3A_143 = vector.broadcast %add3A_142 : i32 to vector<16xi32>
          %add3A_144 = arith.addi %add3A_143, %iota3A : vector<16xi32>
          %shift_right_logical3A = arith.constant 7 : i32
          %shift_right_logical3A_145 = vector.broadcast %shift_right_logical3A : i32 to vector<16xi32>
          %shift_right_logical3A_146 = arith.shrui %add3A_144, %shift_right_logical3A_145 : vector<16xi32>
          %and3A_147 = arith.constant 127 : i32
          %and3A_148 = vector.broadcast %and3A_147 : i32 to vector<16xi32>
          %and3A_149 = arith.andi %add3A_144, %and3A_148 : vector<16xi32>
          %broadcast_in_dim3A_150 = arith.constant 12288 : i32
          %broadcast_in_dim3A_151 = vector.broadcast %broadcast_in_dim3A_150 : i32 to vector<16xi32>
          tpu.vector_store_idx %arg9[%shift_right_logical3A_146, %and3A_149], %broadcast_in_dim3A_151 : memref<26x128xi32, #tpu.memory_space<vmem>>[vector<16xi32>, vector<16xi32>], vector<16xi32>,
          %broadcast_in_dim3A_152 = arith.constant 0 : i32
          %broadcast_in_dim3A_153 = vector.broadcast %broadcast_in_dim3A_152 : i32 to vector<16xi32>
          tpu.vector_store_idx %arg8[%shift_right_logical3A_146, %and3A_149], %broadcast_in_dim3A_153 : memref<26x128xi32, #tpu.memory_space<vmem>>[vector<16xi32>, vector<16xi32>], vector<16xi32>,
        }
        %sub3A_118 = arith.constant 0 : i32
        %sub3A_119 = arith.subi %select_n3A, %sub3A_118 : i32
        %sub3A_120 = arith.constant 1 : i32
        %sub3A_121 = arith.constant 1 : i32
        %sub3A_122 = arith.subi %sub3A_120, %sub3A_121 : i32
        %add3A_123 = arith.addi %sub3A_119, %sub3A_122 : i32
        %div3A_124 = arith.constant 1 : i32
        %div3A_125 = arith.divsi %add3A_123, %div3A_124 : i32
        %while3A_126 = arith.constant 1 : i32
        %while3A_127 = arith.constant 0 : i32
        %while3A_128 = arith.constant 0 : i32
        %while3A_129 = arith.subi %div3A_125, %while3A_128 : i32
        %while3A_130 = arith.addi %while3A_128, %while3A_129 : i32
        %while3A_131 = arith.constant 1 : i32
        %while3A_132 = arith.divsi %while3A_129, %while3A_131 : i32
        %while3A_133 = arith.muli %while3A_132, %while3A_131 : i32
        %while3A_134 = arith.addi %while3A_128, %while3A_133 : i32
        %while3A_135 = arith.constant 1 : i32
        scf.for %while3A_137 = %while3A_128 to %while3A_134 step %while3A_135  : i32 {
          %mul3A_138 = arith.muli %while3A_137, %while3A_126 : i32
          %add3A_139 = arith.addi %while3A_127, %mul3A_138 : i32
          "tpu.region"() ({
            %run_scoped3A = tpu.sem_alloc : memref<!tpu.dma_semaphore, #tpu.memory_space<semaphore_mem>>
            %dma_start3A = arith.constant 0 : i32
            %dma_start3A_140 = tpu.memref_slice %arg8[%add3A_139, %dma_start3A] : memref<26x128xi32, #tpu.memory_space<vmem>> -> memref<1x128xi32, #tpu.memory_space<vmem>>
            %dma_start3A_141 = tpu.memref_squeeze %dma_start3A_140 : memref<1x128xi32, #tpu.memory_space<vmem>> -> memref<128xi32, #tpu.memory_space<vmem>>
            %dma_start3A_142 = arith.constant 0 : i32
            %dma_start3A_143 = arith.constant 0 : i32
            %dma_start3A_144 = tpu.memref_slice %arg2[%dma_start3A_142, %dma_start3A_143] : memref<100000x128xf32, #tpu.memory_space<hbm>> -> memref<100000x128xf32, #tpu.memory_space<hbm>>
            tpu.enqueue_indirect_dma source(%dma_start3A_144 : memref<100000x128xf32, #tpu.memory_space<hbm>>) target(%arg10 : memref<128x128xf32, #tpu.memory_space<vmem>>) offsets(%dma_start3A_141 : memref<128xi32, #tpu.memory_space<vmem>>) semaphore(%run_scoped3A : memref<!tpu.dma_semaphore, #tpu.memory_space<semaphore_mem>>)
            %dma_wait3A = arith.constant 0 : i32
            %dma_wait3A_145 = tpu.memref_slice %arg8[%add3A_139, %dma_wait3A] : memref<26x128xi32, #tpu.memory_space<vmem>> -> memref<1x128xi32, #tpu.memory_space<vmem>>
            %dma_wait3A_146 = tpu.memref_squeeze %dma_wait3A_145 : memref<1x128xi32, #tpu.memory_space<vmem>> -> memref<128xi32, #tpu.memory_space<vmem>>
            %dma_wait3A_147 = arith.constant 0 : i32
            %dma_wait3A_148 = arith.constant 0 : i32
            %dma_wait3A_149 = tpu.memref_slice %arg2[%dma_wait3A_147, %dma_wait3A_148] : memref<100000x128xf32, #tpu.memory_space<hbm>> -> memref<100000x128xf32, #tpu.memory_space<hbm>>
            tpu.wait_indirect_dma semaphore(%run_scoped3A : memref<!tpu.dma_semaphore, #tpu.memory_space<semaphore_mem>>) src(%dma_wait3A_149 : memref<100000x128xf32, #tpu.memory_space<hbm>>) dst(%arg10 : memref<128x128xf32, #tpu.memory_space<vmem>>)
            tpu.yield
          }) : () -> ()
          "tpu.region"() ({
            %run_scoped3A = tpu.sem_alloc : memref<!tpu.dma_semaphore, #tpu.memory_space<semaphore_mem>>
            %dma_start3A = arith.constant 0 : i32
            %dma_start3A_140 = tpu.memref_slice %arg9[%add3A_139, %dma_start3A] : memref<26x128xi32, #tpu.memory_space<vmem>> -> memref<1x128xi32, #tpu.memory_space<vmem>>
            %dma_start3A_141 = tpu.memref_squeeze %dma_start3A_140 : memref<1x128xi32, #tpu.memory_space<vmem>> -> memref<128xi32, #tpu.memory_space<vmem>>
            %dma_start3A_142 = arith.constant 0 : i32
            %dma_start3A_143 = arith.constant 0 : i32
            %dma_start3A_144 = tpu.memref_slice %arg11[%dma_start3A_142, %dma_start3A_143] : memref<12416x128xf32, #tpu.memory_space<vmem_shared>> -> memref<12416x128xf32, #tpu.memory_space<vmem_shared>>
            tpu.enqueue_indirect_dma source(%arg10 : memref<128x128xf32, #tpu.memory_space<vmem>>) target(%dma_start3A_144 : memref<12416x128xf32, #tpu.memory_space<vmem_shared>>) offsets(%dma_start3A_141 : memref<128xi32, #tpu.memory_space<vmem>>) semaphore(%run_scoped3A : memref<!tpu.dma_semaphore, #tpu.memory_space<semaphore_mem>>) {add = true}
            %dma_wait3A = arith.constant 0 : i32
            %dma_wait3A_145 = tpu.memref_slice %arg9[%add3A_139, %dma_wait3A] : memref<26x128xi32, #tpu.memory_space<vmem>> -> memref<1x128xi32, #tpu.memory_space<vmem>>
            %dma_wait3A_146 = tpu.memref_squeeze %dma_wait3A_145 : memref<1x128xi32, #tpu.memory_space<vmem>> -> memref<128xi32, #tpu.memory_space<vmem>>
            %dma_wait3A_147 = arith.constant 0 : i32
            %dma_wait3A_148 = arith.constant 0 : i32
            %dma_wait3A_149 = tpu.memref_slice %arg11[%dma_wait3A_147, %dma_wait3A_148] : memref<12416x128xf32, #tpu.memory_space<vmem_shared>> -> memref<12416x128xf32, #tpu.memory_space<vmem_shared>>
            tpu.wait_indirect_dma semaphore(%run_scoped3A : memref<!tpu.dma_semaphore, #tpu.memory_space<semaphore_mem>>) src(%arg10 : memref<128x128xf32, #tpu.memory_space<vmem>>) dst(%dma_wait3A_149 : memref<12416x128xf32, #tpu.memory_space<vmem_shared>>)
            tpu.yield
          }) : () -> ()
        }
        %while3A_136 = arith.constant 1 : i32
        scf.for %while3A_137 = %while3A_134 to %while3A_130 step %while3A_136  : i32 {
          %mul3A_138 = arith.muli %while3A_137, %while3A_126 : i32
          %add3A_139 = arith.addi %while3A_127, %mul3A_138 : i32
          "tpu.region"() ({
            %run_scoped3A = tpu.sem_alloc : memref<!tpu.dma_semaphore, #tpu.memory_space<semaphore_mem>>
            %dma_start3A = arith.constant 0 : i32
            %dma_start3A_140 = tpu.memref_slice %arg8[%add3A_139, %dma_start3A] : memref<26x128xi32, #tpu.memory_space<vmem>> -> memref<1x128xi32, #tpu.memory_space<vmem>>
            %dma_start3A_141 = tpu.memref_squeeze %dma_start3A_140 : memref<1x128xi32, #tpu.memory_space<vmem>> -> memref<128xi32, #tpu.memory_space<vmem>>
            %dma_start3A_142 = arith.constant 0 : i32
            %dma_start3A_143 = arith.constant 0 : i32
            %dma_start3A_144 = tpu.memref_slice %arg2[%dma_start3A_142, %dma_start3A_143] : memref<100000x128xf32, #tpu.memory_space<hbm>> -> memref<100000x128xf32, #tpu.memory_space<hbm>>
            tpu.enqueue_indirect_dma source(%dma_start3A_144 : memref<100000x128xf32, #tpu.memory_space<hbm>>) target(%arg10 : memref<128x128xf32, #tpu.memory_space<vmem>>) offsets(%dma_start3A_141 : memref<128xi32, #tpu.memory_space<vmem>>) semaphore(%run_scoped3A : memref<!tpu.dma_semaphore, #tpu.memory_space<semaphore_mem>>)
            %dma_wait3A = arith.constant 0 : i32
            %dma_wait3A_145 = tpu.memref_slice %arg8[%add3A_139, %dma_wait3A] : memref<26x128xi32, #tpu.memory_space<vmem>> -> memref<1x128xi32, #tpu.memory_space<vmem>>
            %dma_wait3A_146 = tpu.memref_squeeze %dma_wait3A_145 : memref<1x128xi32, #tpu.memory_space<vmem>> -> memref<128xi32, #tpu.memory_space<vmem>>
            %dma_wait3A_147 = arith.constant 0 : i32
            %dma_wait3A_148 = arith.constant 0 : i32
            %dma_wait3A_149 = tpu.memref_slice %arg2[%dma_wait3A_147, %dma_wait3A_148] : memref<100000x128xf32, #tpu.memory_space<hbm>> -> memref<100000x128xf32, #tpu.memory_space<hbm>>
            tpu.wait_indirect_dma semaphore(%run_scoped3A : memref<!tpu.dma_semaphore, #tpu.memory_space<semaphore_mem>>) src(%dma_wait3A_149 : memref<100000x128xf32, #tpu.memory_space<hbm>>) dst(%arg10 : memref<128x128xf32, #tpu.memory_space<vmem>>)
            tpu.yield
          }) : () -> ()
          "tpu.region"() ({
            %run_scoped3A = tpu.sem_alloc : memref<!tpu.dma_semaphore, #tpu.memory_space<semaphore_mem>>
            %dma_start3A = arith.constant 0 : i32
            %dma_start3A_140 = tpu.memref_slice %arg9[%add3A_139, %dma_start3A] : memref<26x128xi32, #tpu.memory_space<vmem>> -> memref<1x128xi32, #tpu.memory_space<vmem>>
            %dma_start3A_141 = tpu.memref_squeeze %dma_start3A_140 : memref<1x128xi32, #tpu.memory_space<vmem>> -> memref<128xi32, #tpu.memory_space<vmem>>
            %dma_start3A_142 = arith.constant 0 : i32
            %dma_start3A_143 = arith.constant 0 : i32
            %dma_start3A_144 = tpu.memref_slice %arg11[%dma_start3A_142, %dma_start3A_143] : memref<12416x128xf32, #tpu.memory_space<vmem_shared>> -> memref<12416x128xf32, #tpu.memory_space<vmem_shared>>
            tpu.enqueue_indirect_dma source(%arg10 : memref<128x128xf32, #tpu.memory_space<vmem>>) target(%dma_start3A_144 : memref<12416x128xf32, #tpu.memory_space<vmem_shared>>) offsets(%dma_start3A_141 : memref<128xi32, #tpu.memory_space<vmem>>) semaphore(%run_scoped3A : memref<!tpu.dma_semaphore, #tpu.memory_space<semaphore_mem>>) {add = true}
            %dma_wait3A = arith.constant 0 : i32
            %dma_wait3A_145 = tpu.memref_slice %arg9[%add3A_139, %dma_wait3A] : memref<26x128xi32, #tpu.memory_space<vmem>> -> memref<1x128xi32, #tpu.memory_space<vmem>>
            %dma_wait3A_146 = tpu.memref_squeeze %dma_wait3A_145 : memref<1x128xi32, #tpu.memory_space<vmem>> -> memref<128xi32, #tpu.memory_space<vmem>>
            %dma_wait3A_147 = arith.constant 0 : i32
            %dma_wait3A_148 = arith.constant 0 : i32
            %dma_wait3A_149 = tpu.memref_slice %arg11[%dma_wait3A_147, %dma_wait3A_148] : memref<12416x128xf32, #tpu.memory_space<vmem_shared>> -> memref<12416x128xf32, #tpu.memory_space<vmem_shared>>
            tpu.wait_indirect_dma semaphore(%run_scoped3A : memref<!tpu.dma_semaphore, #tpu.memory_space<semaphore_mem>>) src(%arg10 : memref<128x128xf32, #tpu.memory_space<vmem>>) dst(%dma_wait3A_149 : memref<12416x128xf32, #tpu.memory_space<vmem_shared>>)
            tpu.yield
          }) : () -> ()
        }
      }
      %scan3A_27 = arith.constant 4 : i32
      %barrier3A_28 = arith.constant 0 : index
      tpu.barrier barrier_id(%barrier3A_28)
      %mul3A_29 = arith.constant 768 : i32
      %mul3A_30 = arith.muli %arg1, %mul3A_29 : i32
      %mul3A_31 = arith.constant 768 : i32
      %mul3A_32 = arith.muli %arg1, %mul3A_31 : i32
      %add3A_33 = arith.addi %add3A_12, %mul3A_32 : i32
      "tpu.region"() ({
        %run_scoped3A = tpu.sem_alloc : memref<!tpu.dma_semaphore, #tpu.memory_space<semaphore_mem>>
        %dma_start3A = arith.constant 0 : i32
        %dma_start3A_34 = tpu.memref_slice %arg5[%add3A_33, %dma_start3A] : memref<122880x128xf32, #tpu.memory_space<hbm>> -> memref<768x128xf32, #tpu.memory_space<hbm>>
        %dma_start3A_35 = arith.constant 0 : i32
        %dma_start3A_36 = tpu.memref_slice %arg11[%mul3A_30, %dma_start3A_35] : memref<12416x128xf32, #tpu.memory_space<vmem_shared>> -> memref<768x128xf32, #tpu.memory_space<vmem_shared>>
        tpu.enqueue_dma source(%dma_start3A_36 : memref<768x128xf32, #tpu.memory_space<vmem_shared>>) target(%dma_start3A_34 : memref<768x128xf32, #tpu.memory_space<hbm>>) target_semaphore(%run_scoped3A : memref<!tpu.dma_semaphore, #tpu.memory_space<semaphore_mem>>)
        %dma_wait3A = arith.constant 0 : i32
        %dma_wait3A_37 = tpu.memref_slice %arg5[%add3A_33, %dma_wait3A] : memref<122880x128xf32, #tpu.memory_space<hbm>> -> memref<768x128xf32, #tpu.memory_space<hbm>>
        %dma_wait3A_38 = arith.constant 0 : i32
        %dma_wait3A_39 = tpu.memref_slice %arg11[%mul3A_30, %dma_wait3A_38] : memref<12416x128xf32, #tpu.memory_space<vmem_shared>> -> memref<768x128xf32, #tpu.memory_space<vmem_shared>>
        tpu.wait_dma2 semaphore(%run_scoped3A : memref<!tpu.dma_semaphore, #tpu.memory_space<semaphore_mem>>) src(%dma_wait3A_39 : memref<768x128xf32, #tpu.memory_space<vmem_shared>>) dst(%dma_wait3A_37 : memref<768x128xf32, #tpu.memory_space<hbm>>)
        tpu.yield
      }) : () -> ()
    }
    %scan3A_4 = arith.constant 5 : i32
    return
  }
}

module attributes {stable_mosaic.version = 14 : i64} {
  func.func @body(%arg0: i32, %arg1: memref<2000x128xf32, #tpu.memory_space<vmem>>, %arg2: memref<1x2000x1xf32, #tpu.memory_space<vmem>>, %arg3: memref<1x2000x1xf32, #tpu.memory_space<vmem>>, %arg4: memref<2000x128xf32, #tpu.memory_space<vmem>>, %arg5: memref<1x2000x1xf32, #tpu.memory_space<vmem>>, %arg6: memref<1x2000x1xf32, #tpu.memory_space<vmem>>, %arg7: memref<2000x128xf32, #tpu.memory_space<vmem>>, %arg8: memref<1x2000x1xf32, #tpu.memory_space<vmem>>, %arg9: memref<1x2000x1xf32, #tpu.memory_space<vmem>>, %arg10: memref<128x128xf32, #tpu.memory_space<vmem>>, %arg11: memref<1x128xf32, #tpu.memory_space<vmem>>, %arg12: memref<128x128xf32, #tpu.memory_space<vmem>>, %arg13: memref<1x128xf32, #tpu.memory_space<vmem>>, %arg14: memref<128x128xf32, #tpu.memory_space<vmem>>, %arg15: memref<1x128xf32, #tpu.memory_space<vmem>>, %arg16: memref<2000x128xf32, #tpu.memory_space<vmem>>, %arg17: memref<2000x128xf32, #tpu.memory_space<vmem>>) attributes {dimension_semantics = [#tpu.dimension_semantics<arbitrary>], iteration_bounds = array<i64: 50>, scalar_prefetch = 0 : i64, scratch_operands = 0 : i64, tpu.core_type = #tpu.core_type<tc>, window_params = [{transform_indices = @transform_0, window_bounds = array<i64: 2000, 128>}, {transform_indices = @transform_1, window_bounds = array<i64: 1, 2000, 1>}, {transform_indices = @transform_2, window_bounds = array<i64: 1, 2000, 1>}, {transform_indices = @transform_3, window_bounds = array<i64: 2000, 128>}, {transform_indices = @transform_4, window_bounds = array<i64: 1, 2000, 1>}, {transform_indices = @transform_5, window_bounds = array<i64: 1, 2000, 1>}, {transform_indices = @transform_6, window_bounds = array<i64: 2000, 128>}, {transform_indices = @transform_7, window_bounds = array<i64: 1, 2000, 1>}, {transform_indices = @transform_8, window_bounds = array<i64: 1, 2000, 1>}, {pipeline_mode = #tpu.pipeline_mode<synchronous>, transform_indices = @transform_9, window_bounds = array<i64: 128, 128>}, {pipeline_mode = #tpu.pipeline_mode<synchronous>, transform_indices = @transform_10, window_bounds = array<i64: 1, 128>}, {pipeline_mode = #tpu.pipeline_mode<synchronous>, transform_indices = @transform_11, window_bounds = array<i64: 128, 128>}, {pipeline_mode = #tpu.pipeline_mode<synchronous>, transform_indices = @transform_12, window_bounds = array<i64: 1, 128>}, {pipeline_mode = #tpu.pipeline_mode<synchronous>, transform_indices = @transform_13, window_bounds = array<i64: 128, 128>}, {pipeline_mode = #tpu.pipeline_mode<synchronous>, transform_indices = @transform_14, window_bounds = array<i64: 1, 128>}, {transform_indices = @transform_15, window_bounds = array<i64: 2000, 128>}, {transform_indices = @transform_16, window_bounds = array<i64: 2000, 128>}]} {
    %get3A = arith.constant 0 : index
    %get3A_0 = arith.constant 0 : index
    %get3A_1 = arith.constant 0 : index
    %get3A_2 = vector.load %arg2[%get3A, %get3A_0, %get3A_1] : memref<1x2000x1xf32, #tpu.memory_space<vmem>>, vector<1x2000x1xf32>
    %squeeze3A = vector.shape_cast %get3A_2 : vector<1x2000x1xf32> to vector<2000x1xf32>
    %get3A_3 = arith.constant 0 : index
    %get3A_4 = arith.constant 0 : index
    %get3A_5 = arith.constant 0 : index
    %get3A_6 = vector.load %arg3[%get3A_3, %get3A_4, %get3A_5] : memref<1x2000x1xf32, #tpu.memory_space<vmem>>, vector<1x2000x1xf32>
    %squeeze3A_7 = vector.shape_cast %get3A_6 : vector<1x2000x1xf32> to vector<2000x1xf32>
    %add3A = arith.addf %squeeze3A, %squeeze3A_7 : vector<2000x1xf32>
    %get3A_8 = arith.constant 0 : index
    %get3A_9 = arith.constant 0 : index
    %get3A_10 = arith.constant 0 : index
    %get3A_11 = vector.load %arg5[%get3A_8, %get3A_9, %get3A_10] : memref<1x2000x1xf32, #tpu.memory_space<vmem>>, vector<1x2000x1xf32>
    %squeeze3A_12 = vector.shape_cast %get3A_11 : vector<1x2000x1xf32> to vector<2000x1xf32>
    %get3A_13 = arith.constant 0 : index
    %get3A_14 = arith.constant 0 : index
    %get3A_15 = arith.constant 0 : index
    %get3A_16 = vector.load %arg6[%get3A_13, %get3A_14, %get3A_15] : memref<1x2000x1xf32, #tpu.memory_space<vmem>>, vector<1x2000x1xf32>
    %squeeze3A_17 = vector.shape_cast %get3A_16 : vector<1x2000x1xf32> to vector<2000x1xf32>
    %add3A_18 = arith.addf %squeeze3A_12, %squeeze3A_17 : vector<2000x1xf32>
    %get3A_19 = arith.constant 0 : index
    %get3A_20 = arith.constant 0 : index
    %get3A_21 = arith.constant 0 : index
    %get3A_22 = vector.load %arg8[%get3A_19, %get3A_20, %get3A_21] : memref<1x2000x1xf32, #tpu.memory_space<vmem>>, vector<1x2000x1xf32>
    %squeeze3A_23 = vector.shape_cast %get3A_22 : vector<1x2000x1xf32> to vector<2000x1xf32>
    %get3A_24 = arith.constant 0 : index
    %get3A_25 = arith.constant 0 : index
    %get3A_26 = arith.constant 0 : index
    %get3A_27 = vector.load %arg9[%get3A_24, %get3A_25, %get3A_26] : memref<1x2000x1xf32, #tpu.memory_space<vmem>>, vector<1x2000x1xf32>
    %squeeze3A_28 = vector.shape_cast %get3A_27 : vector<1x2000x1xf32> to vector<2000x1xf32>
    %add3A_29 = arith.addf %squeeze3A_23, %squeeze3A_28 : vector<2000x1xf32>
    %get3A_30 = arith.constant 0 : index
    %get3A_31 = arith.constant 0 : index
    %get3A_32 = vector.load %arg1[%get3A_30, %get3A_31] : memref<2000x128xf32, #tpu.memory_space<vmem>>, vector<2000x128xf32>
    %get3A_33 = arith.constant 0 : index
    %get3A_34 = arith.constant 0 : index
    %get3A_35 = vector.load %arg10[%get3A_33, %get3A_34] : memref<128x128xf32, #tpu.memory_space<vmem>>, vector<128x128xf32>
    %dot_general3A = arith.constant dense<0.000000e+00> : vector<2000x128xf32>
    %dot_general3A_36 = tpu.matmul %get3A_32, %get3A_35, %dot_general3A {dimension_numbers = #tpu.dot_dimension_numbers<[1], [0], [0], [1], [0, 0, 1, 1], [], []>, transpose_lhs_hint = false} : vector<2000x128xf32>, vector<128x128xf32>, vector<2000x128xf32> -> vector<2000x128xf32>
    %get3A_37 = arith.constant 0 : index
    %get3A_38 = arith.constant 0 : index
    %get3A_39 = vector.load %arg11[%get3A_37, %get3A_38] : memref<1x128xf32, #tpu.memory_space<vmem>>, vector<1x128xf32>
    %mul3A = vector.broadcast %add3A : vector<2000x1xf32> to vector<2000x128xf32>
    %mul3A_40 = vector.broadcast %get3A_39 : vector<1x128xf32> to vector<2000x128xf32>
    %mul3A_41 = arith.mulf %mul3A, %mul3A_40 : vector<2000x128xf32>
    %add3A_42 = arith.addf %dot_general3A_36, %mul3A_41 : vector<2000x128xf32>
    %get3A_43 = arith.constant 0 : index
    %get3A_44 = arith.constant 0 : index
    %get3A_45 = vector.load %arg4[%get3A_43, %get3A_44] : memref<2000x128xf32, #tpu.memory_space<vmem>>, vector<2000x128xf32>
    %get3A_46 = arith.constant 0 : index
    %get3A_47 = arith.constant 0 : index
    %get3A_48 = vector.load %arg12[%get3A_46, %get3A_47] : memref<128x128xf32, #tpu.memory_space<vmem>>, vector<128x128xf32>
    %dot_general3A_49 = arith.constant dense<0.000000e+00> : vector<2000x128xf32>
    %dot_general3A_50 = tpu.matmul %get3A_45, %get3A_48, %dot_general3A_49 {dimension_numbers = #tpu.dot_dimension_numbers<[1], [0], [0], [1], [0, 0, 1, 1], [], []>, transpose_lhs_hint = false} : vector<2000x128xf32>, vector<128x128xf32>, vector<2000x128xf32> -> vector<2000x128xf32>
    %add3A_51 = arith.addf %add3A_42, %dot_general3A_50 : vector<2000x128xf32>
    %get3A_52 = arith.constant 0 : index
    %get3A_53 = arith.constant 0 : index
    %get3A_54 = vector.load %arg13[%get3A_52, %get3A_53] : memref<1x128xf32, #tpu.memory_space<vmem>>, vector<1x128xf32>
    %mul3A_55 = vector.broadcast %add3A_18 : vector<2000x1xf32> to vector<2000x128xf32>
    %mul3A_56 = vector.broadcast %get3A_54 : vector<1x128xf32> to vector<2000x128xf32>
    %mul3A_57 = arith.mulf %mul3A_55, %mul3A_56 : vector<2000x128xf32>
    %add3A_58 = arith.addf %add3A_51, %mul3A_57 : vector<2000x128xf32>
    %max3A = arith.constant 0.000000e+00 : f32
    %max3A_59 = vector.broadcast %max3A : f32 to vector<2000x128xf32>
    %max3A_60 = arith.maximumf %add3A_58, %max3A_59 : vector<2000x128xf32>
    %swap3A = arith.constant 0 : index
    %swap3A_61 = arith.constant 0 : index
    %swap3A_62 = vector.load %arg16[%swap3A, %swap3A_61] : memref<2000x128xf32, #tpu.memory_space<vmem>>, vector<2000x128xf32>
    tpu.vector_store %arg16[%swap3A, %swap3A_61], %max3A_60 {strides = array<i32>} : memref<2000x128xf32, #tpu.memory_space<vmem>>, vector<2000x128xf32>,
    %get3A_63 = arith.constant 0 : index
    %get3A_64 = arith.constant 0 : index
    %get3A_65 = vector.load %arg7[%get3A_63, %get3A_64] : memref<2000x128xf32, #tpu.memory_space<vmem>>, vector<2000x128xf32>
    %get3A_66 = arith.constant 0 : index
    %get3A_67 = arith.constant 0 : index
    %get3A_68 = vector.load %arg14[%get3A_66, %get3A_67] : memref<128x128xf32, #tpu.memory_space<vmem>>, vector<128x128xf32>
    %dot_general3A_69 = arith.constant dense<0.000000e+00> : vector<2000x128xf32>
    %dot_general3A_70 = tpu.matmul %get3A_65, %get3A_68, %dot_general3A_69 {dimension_numbers = #tpu.dot_dimension_numbers<[1], [0], [0], [1], [0, 0, 1, 1], [], []>, transpose_lhs_hint = false} : vector<2000x128xf32>, vector<128x128xf32>, vector<2000x128xf32> -> vector<2000x128xf32>
    %get3A_71 = arith.constant 0 : index
    %get3A_72 = arith.constant 0 : index
    %get3A_73 = vector.load %arg15[%get3A_71, %get3A_72] : memref<1x128xf32, #tpu.memory_space<vmem>>, vector<1x128xf32>
    %mul3A_74 = vector.broadcast %add3A_29 : vector<2000x1xf32> to vector<2000x128xf32>
    %mul3A_75 = vector.broadcast %get3A_73 : vector<1x128xf32> to vector<2000x128xf32>
    %mul3A_76 = arith.mulf %mul3A_74, %mul3A_75 : vector<2000x128xf32>
    %add3A_77 = arith.addf %dot_general3A_70, %mul3A_76 : vector<2000x128xf32>
    %max3A_78 = arith.constant 0.000000e+00 : f32
    %max3A_79 = vector.broadcast %max3A_78 : f32 to vector<2000x128xf32>
    %max3A_80 = arith.maximumf %add3A_77, %max3A_79 : vector<2000x128xf32>
    %swap3A_81 = arith.constant 0 : index
    %swap3A_82 = arith.constant 0 : index
    %swap3A_83 = vector.load %arg17[%swap3A_81, %swap3A_82] : memref<2000x128xf32, #tpu.memory_space<vmem>>, vector<2000x128xf32>
    tpu.vector_store %arg17[%swap3A_81, %swap3A_82], %max3A_80 {strides = array<i32>} : memref<2000x128xf32, #tpu.memory_space<vmem>>, vector<2000x128xf32>,
    return
  }
  func.func @transform_0(%arg0: i32) -> (i32, i32) {
    %c0_i32 = arith.constant 0 : i32
    %c0_i32_0 = arith.constant 0 : i32
    return %arg0, %c0_i32 : i32, i32
  }
  func.func @transform_1(%arg0: i32) -> (i32, i32, i32) {
    %c0_i32 = arith.constant 0 : i32
    %c0_i32_0 = arith.constant 0 : i32
    %c0_i32_1 = arith.constant 0 : i32
    return %c0_i32, %arg0, %c0_i32_0 : i32, i32, i32
  }
  func.func @transform_2(%arg0: i32) -> (i32, i32, i32) {
    %c1_i32 = arith.constant 1 : i32
    %c0_i32 = arith.constant 0 : i32
    %c0_i32_0 = arith.constant 0 : i32
    return %c1_i32, %arg0, %c0_i32 : i32, i32, i32
  }
  func.func @transform_3(%arg0: i32) -> (i32, i32) {
    %c0_i32 = arith.constant 0 : i32
    %c0_i32_0 = arith.constant 0 : i32
    return %arg0, %c0_i32 : i32, i32
  }
  func.func @transform_4(%arg0: i32) -> (i32, i32, i32) {
    %c0_i32 = arith.constant 0 : i32
    %c0_i32_0 = arith.constant 0 : i32
    %c0_i32_1 = arith.constant 0 : i32
    return %c0_i32, %arg0, %c0_i32_0 : i32, i32, i32
  }
  func.func @transform_5(%arg0: i32) -> (i32, i32, i32) {
    %c1_i32 = arith.constant 1 : i32
    %c0_i32 = arith.constant 0 : i32
    %c0_i32_0 = arith.constant 0 : i32
    return %c1_i32, %arg0, %c0_i32 : i32, i32, i32
  }
  func.func @transform_6(%arg0: i32) -> (i32, i32) {
    %c0_i32 = arith.constant 0 : i32
    %c0_i32_0 = arith.constant 0 : i32
    return %arg0, %c0_i32 : i32, i32
  }
  func.func @transform_7(%arg0: i32) -> (i32, i32, i32) {
    %c0_i32 = arith.constant 0 : i32
    %c0_i32_0 = arith.constant 0 : i32
    %c0_i32_1 = arith.constant 0 : i32
    return %c0_i32, %arg0, %c0_i32_0 : i32, i32, i32
  }
  func.func @transform_8(%arg0: i32) -> (i32, i32, i32) {
    %c1_i32 = arith.constant 1 : i32
    %c0_i32 = arith.constant 0 : i32
    %c0_i32_0 = arith.constant 0 : i32
    return %c1_i32, %arg0, %c0_i32 : i32, i32, i32
  }
  func.func @transform_9(%arg0: i32) -> (i32, i32) {
    %c0_i32 = arith.constant 0 : i32
    %c0_i32_0 = arith.constant 0 : i32
    %c0_i32_1 = arith.constant 0 : i32
    return %c0_i32, %c0_i32_0 : i32, i32
  }
  func.func @transform_10(%arg0: i32) -> (i32, i32) {
    %c0_i32 = arith.constant 0 : i32
    %c0_i32_0 = arith.constant 0 : i32
    %c0_i32_1 = arith.constant 0 : i32
    return %c0_i32, %c0_i32_0 : i32, i32
  }
  func.func @transform_11(%arg0: i32) -> (i32, i32) {
    %c0_i32 = arith.constant 0 : i32
    %c0_i32_0 = arith.constant 0 : i32
    %c0_i32_1 = arith.constant 0 : i32
    return %c0_i32, %c0_i32_0 : i32, i32
  }
  func.func @transform_12(%arg0: i32) -> (i32, i32) {
    %c0_i32 = arith.constant 0 : i32
    %c0_i32_0 = arith.constant 0 : i32
    %c0_i32_1 = arith.constant 0 : i32
    return %c0_i32, %c0_i32_0 : i32, i32
  }
  func.func @transform_13(%arg0: i32) -> (i32, i32) {
    %c0_i32 = arith.constant 0 : i32
    %c0_i32_0 = arith.constant 0 : i32
    %c0_i32_1 = arith.constant 0 : i32
    return %c0_i32, %c0_i32_0 : i32, i32
  }
  func.func @transform_14(%arg0: i32) -> (i32, i32) {
    %c0_i32 = arith.constant 0 : i32
    %c0_i32_0 = arith.constant 0 : i32
    %c0_i32_1 = arith.constant 0 : i32
    return %c0_i32, %c0_i32_0 : i32, i32
  }
  func.func @transform_15(%arg0: i32) -> (i32, i32) {
    %c0_i32 = arith.constant 0 : i32
    %c0_i32_0 = arith.constant 0 : i32
    return %arg0, %c0_i32 : i32, i32
  }
  func.func @transform_16(%arg0: i32) -> (i32, i32) {
    %c0_i32 = arith.constant 0 : i32
    %c0_i32_0 = arith.constant 0 : i32
    return %arg0, %c0_i32 : i32, i32
  }
}

</mosaic_0001>

<sc_bundles>
// kernel: kernel.10.cloned.1.call-start
scs
__scs_entry_jumppad:
0x0: {  	(pc) =	sbr.rel $0x88, $3  }
0x1: {  	(tag) =	ssettag $0x0;
	lr =	simm.s32 $0x1  }
0x2: {  	[smem:$0x3F96] =	sst lr;
	_ =	strace $0xD0000000  }
0x3: {  	_ = 	snop  }
0x4: {  	_ = 	snop  }
0x5: {  	_ = 	snop  }
0x6: {  	_ = 	snop  }
0x7: {  	_ = 	snop  }
__scs_overlays_trampoline_lowered:
0x8: {  	[smem:$0x3FA5] =	sst s0  }
0x9: {  	[smem:$0x3FA6] =	sst s1  }
0xa: {  	[smem:$0x3FA7] =	sst s2  }
0xb: {  	[smem:$0x3FA8] =	sst s3  }
0xc: {  	[smem:$0x3FA9] =	sst s4  }
0xd: {  	[smem:$0x3FAA] =	sst s5  }
0xe: {  	[smem:$0x3FAB] =	sst s6  }
0xf: {  	[smem:$0x3FAC] =	sst s7  }
0x10: {  	[smem:$0x3FAD] =	sst s8  }
0x11: {  	[smem:$0x3FAE] =	sst s9;
	s0 =	simm.s32 @!p0 $0x0  }
0x12: {  	s1 =	sld [smem:$0x3F94];
	s0 =	simm.s32 @p0 $0x1  }
0x13: {  	[smem:$0x3FAF] =	sst s0;
	s0 =	simm.s32 @!p1 $0x0  }
0x14: {  	s2 =	sld [smem:$0x3F93];
	s0 =	simm.s32 @p1 $0x1  }
0x15: {  	[smem:$0x3FB0] =	sst s0;
	s0 =	simm.s32 @!p2 $0x0  }
0x16: {  	s3 =	sld [smem:$0x3FDB];
	s0 =	simm.s32 @p2 $0x1  }
0x17: {  	s4 =	simm.s32 $0x1BF5;
	[smem:$0x3FB2] =	sst s0  }
0x18: {  	s0 =	sld [smem:$0x3F95];
	_ =	swait.ge [sflag:s4], $0x0  }
0x19: {  	s7 =	sld [smem:$0x3F96]  }
0x1a: {  	s8 =	sadd.s32 $0xFFFFE003, lr  }
0x1b: {  	s9 =	sadd.s32 $0xFFFFFEF7, lr;
	s5 =	simm.s32 $0xFFFFFFFF;
	p2 =	slt.u32 s8, $0xFFFFF086  }
0x1c: {  	p1 =	slt.u32 s9, $0xF7A;
	s5 =	simm.s32 @!p2 $0x0  }
0x1d: {  	s5 =	simm.s32 @p1 $0x1;
	p0 =	seq.s32 s7, s2  }
0x1e: {  	s7 =	smul.u32 @!p0 $0xF7A, s2;
	p2 =	seq.s32 @!p0 s5, $0x0  }
0x1f: {  	s9 =	smul.u32 $0xF7A, s1;
	s8 =	simm.s32 @!p0 $0x1BF5;
	p2 =	por !p2, p0  }
0x20: {  	[sflag:s8] =	ssyncset.s32 @!p0 $0xFFFFF086;
	s6 =	sadd.s32 @!p0 s3, s7;
	s7 =	simm.s32 @!p0 $0x108  }
0x21: {  	s3 =	sadd.s32 s3, s9;
	s6 =	sadd.s32 @!p0 $0x88, s6;
	s7 =	simm.s32 @p2 $0x1082  }
0x22: {  	[simem:s7], [sflag:s8] =	dma.local @!p0 [hbm:s6], $0xF7A  }
0x23: {  	s9 =	sor.u32 $0xD0000000, s2;
	s6 =	simm.s32 $0x108;
	_ =	swait.ge @!p0 [sflag:s8], $0x0  }
0x24: {  	s3 =	sadd.s32 $0x88, s3;
	s6 =	simm.s32 @!p1 $0x1082;
	[sflag:s4] =	ssyncset.s32 $0xFFFFF086  }
0x25: {  	[simem:s6], [sflag:s4] =	dma.local [hbm:s3], $0xF7A  }
0x26: {  	[smem:$0x3F96] =	sst s1;
	(tag) =	ssettag s2;
	_ =	strace s9  }
0x27: {  	s1 =	sld [smem:$0x3FA6]  }
0x28: {  	s2 =	sld [smem:$0x3FA7]  }
0x29: {  	s4 =	sld [smem:$0x3FA9]  }
0x2a: {  	p0 =	seq.s32 s5, $0x0;
	s5 =	sld [smem:$0x3FAA]  }
0x2b: {  	s6 =	sld [smem:$0x3FAB]  }
0x2c: {  	s7 =	sld [smem:$0x3FAC]  }
0x2d: {  	s3 =	simm.s32 $0x108;
	s8 =	sld [smem:$0x3FAD]  }
0x2e: {  	s3 =	simm.s32 @!p0 $0x1082;
	s9 =	sld [smem:$0x3FAE]  }
0x2f: {  	lr =	sadd.s32 s0, s3;
	s0 =	sld [smem:$0x3FA5]  }
0x30: {  	s3 =	sld [smem:$0x3FA8]  }
0x31: {  	[smem:$0x3FB1] =	sst s10  }
0x32: {  	s10 =	sld [smem:$0x3FAF];
	_ =	sdelay $0x3  }
0x33: {  	p0 =	seq.s32 s10, $0x1;
	s10 =	sld [smem:$0x3FB1];
	_ =	sdelay $0x3  }
0x34: {  	[smem:$0x3FB1] =	sst s10  }
0x35: {  	s10 =	sld [smem:$0x3FB0];
	_ =	sdelay $0x3  }
0x36: {  	p1 =	seq.s32 s10, $0x1;
	s10 =	sld [smem:$0x3FB1];
	_ =	sdelay $0x3  }
0x37: {  	[smem:$0x3FB1] =	sst s10  }
0x38: {  	s10 =	sld [smem:$0x3FB2]  }
0x39: {  	_ = 	snop;
	(pc) =	sbr.ind lr, $3  }
0x3a: {  	_ = 	snop  }
0x3b: {  	_ = 	snop  }
0x3c: {  	p2 =	seq.s32 s10, $0x1;
	s10 =	sld [smem:$0x3FB1]  }
0x3d: {  	_ =	shalt  }
0x3e: {  	_ =	shalt  }
0x3f: {  	_ =	shalt  }
0x40: {  	_ =	shalt  }
0x41: {  	_ =	shalt  }
0x42: {  	_ =	shalt  }
0x43: {  	_ =	shalt  }
0x44: {  	_ =	shalt  }
0x45: {  	_ =	shalt  }
0x46: {  	_ =	shalt  }
0x47: {  	_ =	shalt  }
0x48: {  	_ =	shalt  }
0x49: {  	_ =	shalt  }
0x4a: {  	_ =	shalt  }
0x4b: {  	_ =	shalt  }
0x4c: {  	_ =	shalt  }
0x4d: {  	_ =	shalt  }
0x4e: {  	_ =	shalt  }
0x4f: {  	_ =	shalt  }
0x50: {  	_ =	shalt  }
0x51: {  	_ =	shalt  }
0x52: {  	_ =	shalt  }
0x53: {  	_ =	shalt  }
0x54: {  	_ =	shalt  }
0x55: {  	_ =	shalt  }
0x56: {  	_ =	shalt  }
0x57: {  	_ =	shalt  }
0x58: {  	_ =	shalt  }
0x59: {  	_ =	shalt  }
0x5a: {  	_ =	shalt  }
0x5b: {  	_ =	shalt  }
0x5c: {  	_ =	shalt  }
0x5d: {  	_ =	shalt  }
0x5e: {  	_ =	shalt  }
0x5f: {  	_ =	shalt  }
0x60: {  	_ =	shalt  }
0x61: {  	_ =	shalt  }
0x62: {  	_ =	shalt  }
0x63: {  	_ =	shalt  }
0x64: {  	_ =	shalt  }
0x65: {  	_ =	shalt  }
0x66: {  	_ =	shalt  }
0x67: {  	_ =	shalt  }
0x68: {  	_ =	shalt  }
0x69: {  	_ =	shalt  }
0x6a: {  	_ =	shalt  }
0x6b: {  	_ =	shalt  }
0x6c: {  	_ =	shalt  }
0x6d: {  	_ =	shalt  }
0x6e: {  	_ =	shalt  }
0x6f: {  	_ =	shalt  }
0x70: {  	_ =	shalt  }
0x71: {  	_ =	shalt  }
0x72: {  	_ =	shalt  }
0x73: {  	_ =	shalt  }
0x74: {  	_ =	shalt  }
0x75: {  	_ =	shalt  }
0x76: {  	_ =	shalt  }
0x77: {  	_ =	shalt  }
0x78: {  	_ =	shalt  }
0x79: {  	_ =	shalt  }
0x7a: {  	_ =	shalt  }
0x7b: {  	_ =	shalt  }
0x7c: {  	_ =	shalt  }
0x7d: {  	_ =	shalt  }
0x7e: {  	_ =	shalt  }
0x7f: {  	_ =	shalt  }
0x80: {  	_ =	shalt  }
0x81: {  	_ =	shalt  }
0x82: {  	_ =	shalt  }
0x83: {  	_ =	shalt  }
0x84: {  	_ =	shalt  }
0x85: {  	_ =	shalt  }
0x86: {  	_ =	shalt  }
0x87: {  	_ =	shalt  }
.Lfunc_end0:
.L_simem_size_0:
called_computation.1_lowered:
.L_overlay_start_0:
0x88: {  	s2 =	sld [smem:$0x3FD9]  }
0x89: {  	s3 =	sld [smem:$0x3FFE];
	_ =	sdelay $0x1  }
0x8a: {  	s1 =	srdreg.scid  }
0x8b: {  	s0 =	sand.u32 $0x1, s1  }
0x8c: {  	s17 =	sshll.u32 s0, $0xA;
	s2 =	sadd.s32 s3, s2  }
0x8d: {  	s2 =	sadd.s32 s2, s17  }
0x8e: {  	[smem:$0x3FBD] =	sst s2  }
0x8f: {  	_ = 	snop  }
0x90: {  	s18 =	sld [smem:$0x3FC9];
	(tm) =	ssettm $0x1  }
0x91: {  	s19 =	sld [smem:$0x3FFB];
	_ =	sdelay $0x3  }
0x92: {  	_ =	strace s19  }
0x93: {  	s2 =	sld [smem:$0x3FFC];
	_ =	sdelay $0x3  }
0x94: {  	_ =	strace s2  }
0x95: {  	s2 =	sld [smem:$0x3FFD];
	_ =	sdelay $0x3  }
0x96: {  	_ =	strace s2  }
0x97: {  	_ =	strace $0x8FFFFFFF  }
0x98: {  	s20 =	sld [smem:$0x3FDB];
	_ =	sdelay $0x1  }
0x99: {  	s4 =	simm.s32 $_scs_section_size  }
0x9a: {  	s5 =	simm.s32 $_size__tile_overlayer_lowered;
	s6 =	simm.s32 $_tile_overlayer_lowered  }
0x9b: {  	s7 =	simm.s32 $0x1BFF;
	s21 =	sshll.u32 s6, $0x1;
	s4 =	sadd.s32 s4, s20  }
0x9c: {  	s22 =	simm.s32 $0x0;
	s5 =	sshll.u32 s5, $0x1;
	s6 =	sadd.s32 s21, s4  }
0x9d: {  	[timem:s22], [sflag:s7] =	dma.local [hbm:s6], s5  }
0x9e: {  	_ =	swait.ge [sflag:s7], s5  }
0x9f: {  	s5 =	ssub.s32 $0x0, s5;
	[sflag:s7] =	ssyncset.done $0x0  }
0xa0: {  	[sflag:s7] =	ssyncadd.s32 s5;
	_ =	sdelay $0x1  }
0xa1: {  	s23 =	simm.s32 $0x1B8B  }
0xa2: {  	_ =	swait.ge [sflag:s23], $0x1  }
0xa3: {  	[sflag:s23] =	ssyncset.done $0x0  }
0xa4: {  	[sflag:s23] =	ssyncadd.s32 $0xFFFFFFFF  }
0xa5: {  	s5 =	sld [smem:$0x0]  }
0xa6: {  	s6 =	sand.u32 $0xFFFFFFFE, s1  }
0xa7: {  	p0 =	sne.s32 s1, s6  }
0xa8: {  	s6 =	sshll.u32 @p0 s6, $0xE  }
0xa9: {  	s6 =	sadd.s32 @p0 $0x11B8D, s6;
	s7 =	sshll.u32 @p0 s5, $0x11  }
0xaa: {  	s6 =	sor.u32 @p0 s7, s6  }
0xab: {  	[sflag:s6] =	ssyncadd.remote.s32 @p0 $0x1;
	_ =	sdelay $0x1  }
0xac: {  	s6 =	simm.s32 @p0 $0x1B8D  }
0xad: {  	_ =	swait.eq @p0 [sflag:s6], $0x1  }
0xae: {  	[sflag:s6] =	ssyncadd.s32 @p0 $0xFFFFFFFF  }
0xaf: {  	s7 =	sshll.u32 @!p0 s1, $0xE  }
0xb0: {  	s7 =	sor.u32 @!p0 $0x4000, s7;
	s6 =	simm.s32 @!p0 $0x1B8D  }
0xb1: {  	s5 =	sshll.u32 @!p0 s5, $0x11;
	s7 =	sadd.s32 @!p0 $0x11B8D, s7;
	_ =	swait.eq @!p0 [sflag:s6], $0x1  }
0xb2: {  	s5 =	sor.u32 @!p0 s5, s7;
	[sflag:s6] =	ssyncadd.s32 @!p0 $0xFFFFFFFF  }
0xb3: {  	s25 =	simm.s32 $0x1B8E;
	s24 =	sld [smem:$0x3FFE];
	[sflag:s5] =	ssyncadd.remote.s32 @!p0 $0x1  }
0xb4: {  	s26 =	simm.s32 $execute0_lowered;
	[smem:$0x3FD2] =	sst s25  }
0xb5: {  	s6 =	sshll.u32 s26, $0x1;
	_ =	strace $0x8000004F;
	[dreg:$0x1] =	wrdreg $0xFFFFFFFF  }
0xb6: {  	s28 =	simm.s32 $_size_execute0_lowered;
	s4 =	sadd.s32 s4, s6;
	[dreg:$0x0] =	wrdreg $0x0  }
0xb7: {  	s6 =	sshll.u32 s28, $0x1;
	[dreg:$0x2] =	wrdreg s4  }
0xb8: {  	[dreg:$0x3] =	wrdreg s6  }
0xb9: {  	[dreg:$0x4] =	wrdreg $0xC0  }
0xba: {  	_ =	task [dreg:s22], $0x5FFFF  }
0xbb: {  	[dreg:$0x1] =	wrdreg $0xFFFFFFFF  }
0xbc: {  	[dreg:$0x0] =	wrdreg $0x60  }
0xbd: {  	[dreg:$0x2] =	wrdreg s18  }
0xbe: {  	[dreg:$0x3] =	wrdreg s24  }
0xbf: {  	[dreg:$0x4] =	wrdreg $0x79000  }
0xc0: {  	[dreg:$0x5] =	wrdreg $0xA  }
0xc1: {  	_ =	task.clear_ibuf [dreg:s22], $0x6FFFF;
	_ =	strace $0x9000004F  }
0xc2: {  	s29 =	simm.s32 $0xA;
	_ =	strace $0x80000051  }
0xc3: {  	_ =	swait.ge [sflag:s29], $0x1  }
0xc4: {  	[sflag:s29] =	ssyncadd.s32 $0xFFFFFFFF  }
0xc5: {  	_ =	strace $0x90000051  }
0xc6: {  	_ =	sfence  }
0xc7: {  	s30 =	sld [smem:$0x0];
	_ =	sdelay $0x2  }
0xc8: {  	s31 =	sshll.u32 s1, $0xD;
	s1 =	sshrl.u32 s1, $0x2  }
0xc9: {  	s4 =	sand.u32 $0x4000, s31;
	s1 =	sadd.s32 s1, s30  }
0xca: {  	s0 =	sor.u32 s4, s0;
	s1 =	sshll.u32 s1, $0x11  }
0xcb: {  	s0 =	sor.u32 s1, s0  }
0xcc: {  	s0 =	sadd.s32 $0x8F2B, s0  }
0xcd: {  	[sflag:s0] =	ssyncadd.remote.s32 $0x1  }
0xce: {  	_ =	sfence.sel $0xFFFF  }
0xcf: {  	[dreg:$0x0] =	wrdreg $0xFFFFFFFF;
	(pc) =	sbr.abs _section_cstart, $3  }
0xd0: {  	[dreg:$0x1] =	wrdreg $0xFFFFFFFF  }
0xd1: {  	_ =	task.clear_ibuf [dreg:s22], $0x2FFFF;
	_ =	strace $0x9FFFFFFF  }
0xd2: {  	(tm) =	ssettm $0x7FFFFFFF  }
0xd3: {  	_ =	shalt  }
tec
execute0_lowered:
.L_overlay_start_1:
0x0: {  	(tag) =	ssettag $0x1  }
0x1: {  	s1 =	rddreg [dreg:$0x0]  }
0x2: {  	s0 =	rddreg [dreg:$0x1]  }
0x3: {  	s2 =	rddreg [dreg:$0x2]  }
0x4: {  	s3 =	simm.s32 $0x0;
	s7 =	srdreg.scid;
	s4 =	stileid.u32  }
0x5: {  	s18 =	simm.s32 $0x3900;
	s19 =	simm.s32 $0x1;
	s20 =	simm.s32 $0xC80  }
0x6: {  	s21 =	simm.s32 $0x2900;
	s22 =	simm.s32 $0x1900;
	s23 =	simm.s32 $0x80  }
0x7: {  	s26 =	simm.s32 $0x0;
	[smem:$0x7FF] =	sst s3;
	s5 =	sadd.s32 $0xC00, s0  }
0x8: {  	s6 =	sadd.s32 $0x3FFA00, s0;
	s8 =	sand.u32 $0x1, s7;
	s9 =	smul.u32 $0x60000, s4  }
0x9: {  	s7 =	sadd.s32 $0x405E00, s0;
	s31 =	ssub.s32 $0x2, s8;
	s8 =	smul.u32 $0x3000, s8  }
.Ltmp0:
0xa: {  	_ =	strace $0x80000050;
	s10 =	sshrl.u32 s31, $0x1;
	(pc) =	sbr.rel .LBB2_1-.Ltmp0, $4  }
0xb: {  	s11 =	sshrl.u32 s9, $0x2;
	s9 =	smul.u32 $0x3200, s4;
	s0 =	ssub.s32 s31, s10  }
0xc: {  	s10 =	sadd.s32 s11, s2;
	s11 =	smul.u32 $0x300, s4;
	s0 =	smax.u32 s0, $0x1  }
0xd: {  	v0 =	vimm.f32 $0.0e+00;
	s13 =	sadd.s32 $0x4000, s10;
	s14 =	sadd.s32 $0x8000, s10;
	s15 =	sadd.s32 $0xC000, s10  }
0xe: {  	v1 =	vimm.s32 $0x0;
	v2 =	vlaneseq.u32;
	v3 =	vimm.s32 $0x3000;
	s16 =	sadd.s32 $0x10000, s10;
	s17 =	sadd.s32 $0x14000, s10;
	[dreg:$0x5] =	wrdreg s0  }
.LBB2_17:
0xf: {  	s3 =	rddreg [dreg:$0x4]  }
0x10: {  	s0 =	rddreg [dreg:$0x5];
	s3 =	sadd.s32 $0x1, s3  }
0x11: {  	p0 =	sne.s32 s3, s0  }
.Ltmp1:
0x12: {  	_ = 	snop;
	(pc) =	sbr.rel @!p0 .LBB2_18-.Ltmp1, $1  }
0x13: {  	_ =	sdelay $0x3  }
.LBB2_1:
.Ltmp2:
0x14: {  	(pc) =	sbr.rel .LBB2_2-.Ltmp2, $2  }
0x15: {  	_ =	sdelay $0x2  }
0x16: {  	[dreg:$0x4] =	wrdreg s3;
	s24 =	simm.s32 $0x0  }
.LBB2_16:
0x17: {  	s0 =	sadd.s32 s11, s25  }
0x18: {  	[bflag:$0x0] =	sbarrier.arrive $0xFFFF;
	s3 =	sshll.u32 s4, $0x6;
	s24 =	sadd.s32 $0x1, s24  }
0x19: {  	s12 =	sshrl.u32 s10, $0x3;
	s0 =	sshll.u32 s0, $0x4;
	p0 =	sne.s32 s24, $0x5  }
.Ltmp3:
0x1a: {  	s3 =	sor.u32 $0x1C01, s3;
	s0 =	sadd.s32 s7, s0;
	(pc) =	sbr.rel @!p0 .LBB2_17-.Ltmp3, $4  }
0x1b: {  	[hbm:s0], [sflag:s3] =	dma.local [spmem:s12], $0x3000  }
0x1c: {  	_ =	swait.ge [sflag:s19], $0x3000  }
0x1d: {  	[sflag:s19] =	ssyncset.done $0x0  }
0x1e: {  	[sflag:s19] =	ssyncadd.s32 $0xFFFFD000  }
.LBB2_2:
0x1f: {  	s0 =	simm.s32 $0x0;
	s25 =	simm.s32 $0x200  }
.LBB2_3:
0x20: {  	p0 =	sne.s32 s25, $0xFE00;
	[tilespmem:s0+$0x3970] =	vst v0  }
0x21: {  	[tilespmem:s0+$0x3900] =	vst v0  }
0x22: {  	[tilespmem:s0+$0x3910] =	vst v0  }
.Ltmp4:
0x23: {  	[tilespmem:s0+$0x3920] =	vst v0;
	(pc) =	sbr.rel @p0 .LBB2_3-.Ltmp4, $4  }
0x24: {  	[tilespmem:s0+$0x3930] =	vst v0  }
0x25: {  	[tilespmem:s0+$0x3940] =	vst v0  }
0x26: {  	[tilespmem:s0+$0x3950] =	vst v0  }
0x27: {  	[tilespmem:s0+$0x3960] =	vst v0;
	s0 =	sshra.s32 s25, $0x2;
	s25 =	sadd.s32 $0x200, s25  }
0x28: {  	[tilespmem:s0+$0x3970] =	vst v0  }
0x29: {  	[tilespmem:s0+$0x3900] =	vst v0  }
0x2a: {  	[tilespmem:s0+$0x3910] =	vst v0  }
0x2b: {  	[tilespmem:s0+$0x3920] =	vst v0  }
0x2c: {  	[tilespmem:s0+$0x3930] =	vst v0  }
0x2d: {  	[tilespmem:s0+$0x3940] =	vst v0  }
0x2e: {  	[tilespmem:s0+$0x3950] =	vst v0  }
0x2f: {  	[tilespmem:s0+$0x3960] =	vst v0  }
0x30: {  	[spmem:s10] =	stream.linear.scatter [tilespmem:s18], [sflag:$0x1], $0x4000, $0x38;
	[tilespmem:$0x1FD00] =	vst v63  }
0x31: {  	_ =	swait.ge [sflag:s19], $0x4000  }
0x32: {  	[sflag:s19] =	ssyncset.done $0x0  }
0x33: {  	[sflag:s19] =	ssyncadd.s32 $0xFFFFC000  }
0x34: {  	[spmem:s13] =	stream.linear.scatter [tilespmem:s18], [sflag:$0x1], $0x4000, $0x38;
	[tilespmem:$0x1FD00] =	vst v63  }
0x35: {  	_ =	swait.ge [sflag:s19], $0x4000  }
0x36: {  	[sflag:s19] =	ssyncset.done $0x0  }
0x37: {  	[sflag:s19] =	ssyncadd.s32 $0xFFFFC000  }
0x38: {  	[spmem:s14] =	stream.linear.scatter [tilespmem:s18], [sflag:$0x1], $0x4000, $0x38;
	[tilespmem:$0x1FD00] =	vst v63  }
0x39: {  	_ =	swait.ge [sflag:s19], $0x4000  }
0x3a: {  	[sflag:s19] =	ssyncset.done $0x0  }
0x3b: {  	[sflag:s19] =	ssyncadd.s32 $0xFFFFC000  }
0x3c: {  	[spmem:s15] =	stream.linear.scatter [tilespmem:s18], [sflag:$0x1], $0x4000, $0x38;
	[tilespmem:$0x1FD00] =	vst v63  }
0x3d: {  	_ =	swait.ge [sflag:s19], $0x4000  }
0x3e: {  	[sflag:s19] =	ssyncset.done $0x0  }
0x3f: {  	[sflag:s19] =	ssyncadd.s32 $0xFFFFC000  }
0x40: {  	[spmem:s16] =	stream.linear.scatter [tilespmem:s18], [sflag:$0x1], $0x4000, $0x38;
	[tilespmem:$0x1FD00] =	vst v63  }
0x41: {  	_ =	swait.ge [sflag:s19], $0x4000  }
0x42: {  	[sflag:s19] =	ssyncset.done $0x0  }
0x43: {  	[sflag:s19] =	ssyncadd.s32 $0xFFFFC000  }
0x44: {  	[spmem:s17] =	stream.linear.scatter [tilespmem:s18], [sflag:$0x1], $0x4000, $0x38;
	[tilespmem:$0x1FD00] =	vst v63  }
.Ltmp5:
0x45: {  	_ =	swait.ge [sflag:s19], $0x4000;
	(pc) =	sbr.rel .LBB2_5-.Ltmp5, $4  }
0x46: {  	s31 =	smul.u32 $0x6000, s24;
	[sflag:s19] =	ssyncset.done $0x0  }
0x47: {  	[sflag:s19] =	ssyncadd.s32 $0xFFFFC000  }
0x48: {  	s25 =	sadd.s32 s8, s31;
	[bflag:$0x0] =	sbarrier.arrive $0xFFFF  }
0x49: {  	s28 =	simm.s32 $0x0;
	v4 =	vmov s25  }
.LBB2_14:
0x4a: {  	[sflag:s19] =	ssyncadd.s32 $0xFFFFC000  }
.LBB2_15:
0x4b: {  	s28 =	sadd.s32 $0x1, s28  }
0x4c: {  	p0 =	sne.s32 s28, $0x4  }
.Ltmp6:
0x4d: {  	_ = 	snop;
	(pc) =	sbr.rel @!p0 .LBB2_16-.Ltmp6, $1  }
0x4e: {  	_ =	sdelay $0x3  }
.LBB2_5:
0x4f: {  	s0 =	smul.u32 $0xC80, s28;
	_ =	sdelay $0x1  }
0x50: {  	s0 =	sadd.s32 s9, s0  }
0x51: {  	s0 =	sshrl.u32 s0, $0x3  }
0x52: {  	s29 =	sadd.s32 s5, s0  }
0x53: {  	[tilespmem:s26], [sflag:$0x1] =	stream.linear.gather [hbm4b:s29+s26], $0xC80, $0x38;
	[tilespmem:$0x1FD00] =	vst v63  }
0x54: {  	_ =	swait.ge [sflag:s19], $0xC80  }
0x55: {  	[sflag:s19] =	ssyncset.done $0x0  }
0x56: {  	s0 =	sadd.s32 s6, s0;
	[sflag:s19] =	ssyncadd.s32 $0xFFFFF380  }
0x57: {  	[tilespmem:s20], [sflag:$0x1] =	stream.linear.gather [hbm4b:s0+s26], $0xC80, $0x38;
	[tilespmem:$0x1FD00] =	vst v63  }
0x58: {  	_ =	swait.ge [sflag:s19], $0xC80  }
0x59: {  	[sflag:s19] =	ssyncset.done $0x0  }
0x5a: {  	s12 =	simm.s32 $0x0;
	[sflag:s19] =	ssyncadd.s32 $0xFFFFF380  }
0x5b: {  	v5 =	vld [tilespmem:s12+$0xC80];
	_ =	sdelay $0x4  }
0x5c: {  	v5 =	vsub.s32 v5, v4  }
0x5d: {  	vm0 =	vlt.u32 v5, $0x3000  }
0x5e: {  	v6 =	vsel vm0, $0x1, v1  }
0x5f: {  	(xrf0) =	vadd.scan.msk.s32 $0xffff, v6;
	_ =	sdelay $0x2  }
0x60: {  	v6 =	vmov s26  }
0x61: {  	v6 =	vadd.s32 $0xFFFFFFFF, v6  }
0x62: {  	v6 =	vbroadcast v6, $0x0  }
0x63: {  	v7, _, _ =	vpop (xrf0)  }
0x64: {  	v6 =	vadd.s32 v7, v6;
	(v2sf) =	vpush v7, $0xF;
	_ =	sdelay $0x4  }
0x65: {  	[tilespmem:v6+s21+$0x0] =	vst.idx.msk vm0, v5  }
0x66: {  	v5 =	vld [tilespmem:s12+$0x0];
	_ =	sdelay $0x4  }
0x67: {  	s31 =	simm.s32 $0x80;
	s30 =	simm.s32 $0x0;
	s29 =	simm.s32 $0x10;
	[tilespmem:v6+s22+$0x0] =	vst.idx.msk vm0, v5  }
.LBB2_6:
0x68: {  	p0 =	sne.s32 s31, $0x31C0;
	v5 =	vld [tilespmem:s29+$0xC80];
	_ =	sdelay $0x2  }
0x69: {  	s0 =	spop (v2sf)  }
0x6a: {  	s30 =	sadd.s32 s30, s0  }
0x6b: {  	v5 =	vsub.s32 v5, v4;
	v6 =	vmov s30  }
0x6c: {  	vm0 =	vlt.u32 v5, $0x3000;
	v6 =	vadd.s32 $0xFFFFFFFF, v6  }
0x6d: {  	v7 =	vsel vm0, $0x1, v1;
	v6 =	vbroadcast v6, $0x0  }
0x6e: {  	(xrf0) =	vadd.scan.msk.s32 $0xffff, v7;
	_ =	sdelay $0x5  }
0x6f: {  	v7, _, _ =	vpop (xrf0)  }
0x70: {  	v6 =	vadd.s32 v7, v6;
	(v2sf) =	vpush v7, $0xF;
	_ =	sdelay $0x4  }
0x71: {  	[tilespmem:v6+s21+$0x0] =	vst.idx.msk vm0, v5  }
0x72: {  	v5 =	vld [tilespmem:s29+$0x0]  }
.Ltmp7:
0x73: {  	(pc) =	sbr.rel @p0 .LBB2_6-.Ltmp7, $2  }
0x74: {  	_ =	sdelay $0x2  }
0x75: {  	s29 =	sshra.s32 s31, $0x2;
	s31 =	sadd.s32 $0x40, s31;
	[tilespmem:v6+s22+$0x0] =	vst.idx.msk vm0, v5  }
0x76: {  	v5 =	vld [tilespmem:s29+$0xC80];
	_ =	sdelay $0x4  }
0x77: {  	v5 =	vsub.s32 v5, v4  }
0x78: {  	vm0 =	vlt.u32 v5, $0x3000  }
0x79: {  	v6 =	vsel vm0, $0x1, v1  }
0x7a: {  	(xrf0) =	vadd.scan.msk.s32 $0xffff, v6;
	_ =	sdelay $0x5  }
0x7b: {  	v6, _, _ =	vpop (xrf0)  }
0x7c: {  	(v2sf) =	vpush v6, $0xF;
	_ =	sdelay $0xd  }
0x7d: {  	s0 =	spop (v2sf)  }
0x7e: {  	s31 =	sadd.s32 s30, s0;
	s0 =	spop (v2sf)  }
0x7f: {  	s12 =	sadd.s32 s31, s0  }
0x80: {  	s30 =	sadd.s32 $0x7F, s12  }
0x81: {  	s3 =	sand.u32 $0x7F, s30  }
0x82: {  	p1 =	slt.s32 s30, $0x1;
	p0 =	sne.s32 s3, $0x0;
	s3 =	sshra.s32 s30, $0x1F  }
0x83: {  	s3 =	sshrl.u32 s3, $0x19;
	p0 =	por !p1, !p0  }
0x84: {  	s3 =	sadd.s32 s3, s30;
	p0 =	por !p0, !p0;
	s30 =	simm.s32 $0x1  }
0x85: {  	v7 =	vmov s31;
	s3 =	sshra.s32 s3, $0x7;
	s30 =	simm.s32 @!p0 $0x0  }
0x86: {  	v7 =	vadd.s32 $0xFFFFFFFF, v7;
	s30 =	ssub.s32 s3, s30  }
0x87: {  	v7 =	vbroadcast v7, $0x0;
	s3 =	sshll.u32 s30, $0x7  }
0x88: {  	s3 =	ssub.s32 s3, s12  }
0x89: {  	v6 =	vadd.s32 v6, v7;
	s3 =	sadd.s32 $0xF, s3  }
0x8a: {  	s12 =	sand.u32 $0xF, s3  }
0x8b: {  	p6 =	slt.s32 s3, $0x1;
	p5 =	sne.s32 s12, $0x0;
	s12 =	sshra.s32 s3, $0x1F  }
0x8c: {  	s12 =	sshrl.u32 s12, $0x1C;
	p0 =	por !p6, !p5  }
0x8d: {  	s3 =	sadd.s32 s12, s3;
	p0 =	por !p0, !p0;
	s12 =	simm.s32 $0x1  }
0x8e: {  	[tilespmem:v6+s21+$0x0] =	vst.idx.msk vm0, v5;
	s3 =	sshra.s32 s3, $0x4;
	s12 =	simm.s32 @!p0 $0x0  }
0x8f: {  	v5 =	vld [tilespmem:s29+$0x0];
	s29 =	ssub.s32 s3, s12  }
0x90: {  	p0 =	slt.s32 s29, $0x1  }
.Ltmp8:
0x91: {  	_ = 	snop;
	(pc) =	sbr.rel @p0 .LBB2_11-.Ltmp8, $2  }
0x92: {  	_ =	sdelay $0x2  }
0x93: {  	[tilespmem:v6+s22+$0x0] =	vst.idx.msk vm0, v5  }
0x94: {  	s31 =	sadd.s32 s31, s0  }
0x95: {  	p0 =	seq.s32 s29, $0x1;
	v5 =	vadd.s32 s31, v2  }
.Ltmp9:
0x96: {  	_ = 	snop;
	(pc) =	sbr.rel @p0 .LBB2_10-.Ltmp9, $2  }
0x97: {  	_ =	sdelay $0x2  }
0x98: {  	s0 =	sadd.s32 $0xFFFFFFFF, s29;
	s29 =	sadd.s32 $0x10, s31;
	[tilespmem:v5+s21+$0x0] =	vst.idx.msk $0xffff, v3  }
.LBB2_9:
0x99: {  	[tilespmem:v5+s22+$0x0] =	vst.idx.msk $0xffff, v1;
	v5 =	vadd.s32 s29, v2;
	p0 =	seq.s32 s0, $0x1  }
.Ltmp10:
0x9a: {  	s0 =	sadd.s32 $0xFFFFFFFF, s0;
	(pc) =	sbr.rel @!p0 .LBB2_9-.Ltmp10, $2  }
0x9b: {  	_ =	sdelay $0x2  }
0x9c: {  	s29 =	sadd.s32 $0x10, s29;
	[tilespmem:v5+s21+$0x0] =	vst.idx.msk $0xffff, v3  }
.LBB2_10:
0x9d: {  	_ =	sdelay $0x3  }
0x9e: {  	[tilespmem:v5+s22+$0x0] =	vst.idx.msk $0xffff, v1  }
.LBB2_11:
0x9f: {  	p0 =	sgt.s32 s30, $0x0  }
.Ltmp11:
0xa0: {  	_ = 	snop;
	(pc) =	sbr.rel @!p0 .LBB2_15-.Ltmp11, $1  }
0xa1: {  	_ =	sdelay $0x3  }
0xa2: {  	s0 =	simm.s32 $0x1900  }
0xa3: {  	[tilespmem:s18], [sflag:$0x1] =	stream.indirect.gather [hbm4b:s1+s23], $0x80, s0, s23, $0xb8;
	[tilespmem:$0x1FD00] =	vst v63  }
0xa4: {  	p0 =	sne.s32 s30, $0x1;
	_ =	swait.ge [sflag:s19], $0x4000  }
.Ltmp12:
0xa5: {  	[sflag:s19] =	ssyncset.done $0x0;
	(pc) =	sbr.rel @!p0 .LBB2_14-.Ltmp12, $4  }
0xa6: {  	s29 =	simm.s32 $0x2900;
	[sflag:s19] =	ssyncadd.s32 $0xFFFFC000  }
0xa7: {  	[spmem:s2] =	stream.indirect.scatter.add.f32 [tilespmem:s18], [sflag:$0x1], $0x80, s29, s23, $0xb8;
	[tilespmem:$0x1FD00] =	vst v63  }
0xa8: {  	_ =	swait.ge [sflag:s19], $0x4000  }
0xa9: {  	s30 =	sadd.s32 $0xFFFFFFFF, s30;
	[sflag:s19] =	ssyncset.done $0x0  }
.LBB2_13:
0xaa: {  	[sflag:s19] =	ssyncadd.s32 $0xFFFFC000;
	s0 =	sadd.s32 $0x80, s0;
	s29 =	sadd.s32 $0x80, s29  }
0xab: {  	[tilespmem:s18], [sflag:$0x1] =	stream.indirect.gather [hbm4b:s1+s23], $0x80, s0, s23, $0xb8;
	[tilespmem:$0x1FD00] =	vst v63  }
0xac: {  	p0 =	sne.s32 s30, $0x1;
	s30 =	sadd.s32 $0xFFFFFFFF, s30;
	_ =	swait.ge [sflag:s19], $0x4000  }
.Ltmp13:
0xad: {  	[sflag:s19] =	ssyncset.done $0x0;
	(pc) =	sbr.rel @p0 .LBB2_13-.Ltmp13, $4  }
0xae: {  	[sflag:s19] =	ssyncadd.s32 $0xFFFFC000  }
0xaf: {  	[spmem:s2] =	stream.indirect.scatter.add.f32 [tilespmem:s18], [sflag:$0x1], $0x80, s29, s23, $0xb8;
	[tilespmem:$0x1FD00] =	vst v63  }
0xb0: {  	_ =	swait.ge [sflag:s19], $0x4000  }
0xb1: {  	[sflag:s19] =	ssyncset.done $0x0  }
.Ltmp14:
0xb2: {  	_ = 	snop;
	(pc) =	sbr.rel .LBB2_14-.Ltmp14, $1  }
0xb3: {  	_ =	sdelay $0x3  }
.LBB2_18:
0xb4: {  	_ =	sfence.sel $0x180000  }
0xb5: {  	[bflag:$0x0] =	sbarrier.arrive $0xFFFF  }
0xb6: {  	_ =	strace $0x90000050  }
0xb7: {  	[bflag:$0x2] =	sbarrier.arrive $0xFFFF  }
0xb8: {  	p0 =	sne.s32 s4, $0x0;
	s0 =	rddreg [dreg:$0x3]  }
0xb9: {  	s0 =	sadd.s32 @!p0 $0x100000, s0  }
0xba: {  	[sflag:s0] =	ssyncadd.tile.s32 @!p0 $0x1;
	_ =	shalt  }
.Lfunc_end2:
_tile_overlayer_lowered:
.L_overlay_start_2:
0xbb: {  	(tag) =	ssettag $0x2  }
0xbc: {  	s0 =	rddreg [dreg:$0x0];
	s2 =	stileid.u32  }
0xbd: {  	s1 =	rddreg [dreg:$0x1];
	p0 =	sne.s32 s2, $0x0  }
0xbe: {  	s3 =	rddreg [dreg:$0x2];
	[bflag:$0x3] =	sbarrier.arrive $0xFFFF;
	s2 =	simm.s32 @!p0 $0x1C01  }
0xbf: {  	[timem:s3], [sflag:s2] =	dma.local @!p0 [hbm:s0], s1  }
0xc0: {  	s0 =	simm.s32 @!p0 $0x1  }
0xc1: {  	_ =	swait.ge @!p0 [sflag:s0], s1  }
0xc2: {  	s1 =	ssub.s32 @!p0 $0x0, s1;
	[sflag:s0] =	ssyncset.done @!p0 $0x0  }
0xc3: {  	[sflag:s0] =	ssyncadd.s32 @!p0 s1  }
0xc4: {  	[bflag:$0x3] =	sbarrier.arrive $0xFFFF  }
0xc5: {  	_ =	shalt  }

// kernel: kernel.13.cloned.1.call-start
scs
__scs_entry_jumppad:
0x0: {  	(pc) =	sbr.rel $0x88, $3  }
0x1: {  	(tag) =	ssettag $0x0;
	lr =	simm.s32 $0x1  }
0x2: {  	[smem:$0x3F96] =	sst lr;
	_ =	strace $0xD0000000  }
0x3: {  	_ = 	snop  }
0x4: {  	_ = 	snop  }
0x5: {  	_ = 	snop  }
0x6: {  	_ = 	snop  }
0x7: {  	_ = 	snop  }
__scs_overlays_trampoline_lowered:
0x8: {  	[smem:$0x3FA5] =	sst s0  }
0x9: {  	[smem:$0x3FA6] =	sst s1  }
0xa: {  	[smem:$0x3FA7] =	sst s2  }
0xb: {  	[smem:$0x3FA8] =	sst s3  }
0xc: {  	[smem:$0x3FA9] =	sst s4  }
0xd: {  	[smem:$0x3FAA] =	sst s5  }
0xe: {  	[smem:$0x3FAB] =	sst s6  }
0xf: {  	[smem:$0x3FAC] =	sst s7  }
0x10: {  	[smem:$0x3FAD] =	sst s8  }
0x11: {  	[smem:$0x3FAE] =	sst s9;
	s0 =	simm.s32 @!p0 $0x0  }
0x12: {  	s1 =	sld [smem:$0x3F94];
	s0 =	simm.s32 @p0 $0x1  }
0x13: {  	[smem:$0x3FAF] =	sst s0;
	s0 =	simm.s32 @!p1 $0x0  }
0x14: {  	s2 =	sld [smem:$0x3F93];
	s0 =	simm.s32 @p1 $0x1  }
0x15: {  	[smem:$0x3FB0] =	sst s0;
	s0 =	simm.s32 @!p2 $0x0  }
0x16: {  	s3 =	sld [smem:$0x3FDB];
	s0 =	simm.s32 @p2 $0x1  }
0x17: {  	s4 =	simm.s32 $0x1BF5;
	[smem:$0x3FB2] =	sst s0  }
0x18: {  	s0 =	sld [smem:$0x3F95];
	_ =	swait.ge [sflag:s4], $0x0  }
0x19: {  	s7 =	sld [smem:$0x3F96]  }
0x1a: {  	s8 =	sadd.s32 $0xFFFFE003, lr  }
0x1b: {  	s9 =	sadd.s32 $0xFFFFFEF7, lr;
	s5 =	simm.s32 $0xFFFFFFFF;
	p2 =	slt.u32 s8, $0xFFFFF086  }
0x1c: {  	p1 =	slt.u32 s9, $0xF7A;
	s5 =	simm.s32 @!p2 $0x0  }
0x1d: {  	s5 =	simm.s32 @p1 $0x1;
	p0 =	seq.s32 s7, s2  }
0x1e: {  	s7 =	smul.u32 @!p0 $0xF7A, s2;
	p2 =	seq.s32 @!p0 s5, $0x0  }
0x1f: {  	s9 =	smul.u32 $0xF7A, s1;
	s8 =	simm.s32 @!p0 $0x1BF5;
	p2 =	por !p2, p0  }
0x20: {  	[sflag:s8] =	ssyncset.s32 @!p0 $0xFFFFF086;
	s6 =	sadd.s32 @!p0 s3, s7;
	s7 =	simm.s32 @!p0 $0x108  }
0x21: {  	s3 =	sadd.s32 s3, s9;
	s6 =	sadd.s32 @!p0 $0x88, s6;
	s7 =	simm.s32 @p2 $0x1082  }
0x22: {  	[simem:s7], [sflag:s8] =	dma.local @!p0 [hbm:s6], $0xF7A  }
0x23: {  	s9 =	sor.u32 $0xD0000000, s2;
	s6 =	simm.s32 $0x108;
	_ =	swait.ge @!p0 [sflag:s8], $0x0  }
0x24: {  	s3 =	sadd.s32 $0x88, s3;
	s6 =	simm.s32 @!p1 $0x1082;
	[sflag:s4] =	ssyncset.s32 $0xFFFFF086  }
0x25: {  	[simem:s6], [sflag:s4] =	dma.local [hbm:s3], $0xF7A  }
0x26: {  	[smem:$0x3F96] =	sst s1;
	(tag) =	ssettag s2;
	_ =	strace s9  }
0x27: {  	s1 =	sld [smem:$0x3FA6]  }
0x28: {  	s2 =	sld [smem:$0x3FA7]  }
0x29: {  	s4 =	sld [smem:$0x3FA9]  }
0x2a: {  	p0 =	seq.s32 s5, $0x0;
	s5 =	sld [smem:$0x3FAA]  }
0x2b: {  	s6 =	sld [smem:$0x3FAB]  }
0x2c: {  	s7 =	sld [smem:$0x3FAC]  }
0x2d: {  	s3 =	simm.s32 $0x108;
	s8 =	sld [smem:$0x3FAD]  }
0x2e: {  	s3 =	simm.s32 @!p0 $0x1082;
	s9 =	sld [smem:$0x3FAE]  }
0x2f: {  	lr =	sadd.s32 s0, s3;
	s0 =	sld [smem:$0x3FA5]  }
0x30: {  	s3 =	sld [smem:$0x3FA8]  }
0x31: {  	[smem:$0x3FB1] =	sst s10  }
0x32: {  	s10 =	sld [smem:$0x3FAF];
	_ =	sdelay $0x3  }
0x33: {  	p0 =	seq.s32 s10, $0x1;
	s10 =	sld [smem:$0x3FB1];
	_ =	sdelay $0x3  }
0x34: {  	[smem:$0x3FB1] =	sst s10  }
0x35: {  	s10 =	sld [smem:$0x3FB0];
	_ =	sdelay $0x3  }
0x36: {  	p1 =	seq.s32 s10, $0x1;
	s10 =	sld [smem:$0x3FB1];
	_ =	sdelay $0x3  }
0x37: {  	[smem:$0x3FB1] =	sst s10  }
0x38: {  	s10 =	sld [smem:$0x3FB2]  }
0x39: {  	_ = 	snop;
	(pc) =	sbr.ind lr, $3  }
0x3a: {  	_ = 	snop  }
0x3b: {  	_ = 	snop  }
0x3c: {  	p2 =	seq.s32 s10, $0x1;
	s10 =	sld [smem:$0x3FB1]  }
0x3d: {  	_ =	shalt  }
0x3e: {  	_ =	shalt  }
0x3f: {  	_ =	shalt  }
0x40: {  	_ =	shalt  }
0x41: {  	_ =	shalt  }
0x42: {  	_ =	shalt  }
0x43: {  	_ =	shalt  }
0x44: {  	_ =	shalt  }
0x45: {  	_ =	shalt  }
0x46: {  	_ =	shalt  }
0x47: {  	_ =	shalt  }
0x48: {  	_ =	shalt  }
0x49: {  	_ =	shalt  }
0x4a: {  	_ =	shalt  }
0x4b: {  	_ =	shalt  }
0x4c: {  	_ =	shalt  }
0x4d: {  	_ =	shalt  }
0x4e: {  	_ =	shalt  }
0x4f: {  	_ =	shalt  }
0x50: {  	_ =	shalt  }
0x51: {  	_ =	shalt  }
0x52: {  	_ =	shalt  }
0x53: {  	_ =	shalt  }
0x54: {  	_ =	shalt  }
0x55: {  	_ =	shalt  }
0x56: {  	_ =	shalt  }
0x57: {  	_ =	shalt  }
0x58: {  	_ =	shalt  }
0x59: {  	_ =	shalt  }
0x5a: {  	_ =	shalt  }
0x5b: {  	_ =	shalt  }
0x5c: {  	_ =	shalt  }
0x5d: {  	_ =	shalt  }
0x5e: {  	_ =	shalt  }
0x5f: {  	_ =	shalt  }
0x60: {  	_ =	shalt  }
0x61: {  	_ =	shalt  }
0x62: {  	_ =	shalt  }
0x63: {  	_ =	shalt  }
0x64: {  	_ =	shalt  }
0x65: {  	_ =	shalt  }
0x66: {  	_ =	shalt  }
0x67: {  	_ =	shalt  }
0x68: {  	_ =	shalt  }
0x69: {  	_ =	shalt  }
0x6a: {  	_ =	shalt  }
0x6b: {  	_ =	shalt  }
0x6c: {  	_ =	shalt  }
0x6d: {  	_ =	shalt  }
0x6e: {  	_ =	shalt  }
0x6f: {  	_ =	shalt  }
0x70: {  	_ =	shalt  }
0x71: {  	_ =	shalt  }
0x72: {  	_ =	shalt  }
0x73: {  	_ =	shalt  }
0x74: {  	_ =	shalt  }
0x75: {  	_ =	shalt  }
0x76: {  	_ =	shalt  }
0x77: {  	_ =	shalt  }
0x78: {  	_ =	shalt  }
0x79: {  	_ =	shalt  }
0x7a: {  	_ =	shalt  }
0x7b: {  	_ =	shalt  }
0x7c: {  	_ =	shalt  }
0x7d: {  	_ =	shalt  }
0x7e: {  	_ =	shalt  }
0x7f: {  	_ =	shalt  }
0x80: {  	_ =	shalt  }
0x81: {  	_ =	shalt  }
0x82: {  	_ =	shalt  }
0x83: {  	_ =	shalt  }
0x84: {  	_ =	shalt  }
0x85: {  	_ =	shalt  }
0x86: {  	_ =	shalt  }
0x87: {  	_ =	shalt  }
.Lfunc_end0:
.L_simem_size_0:
called_computation.2_lowered:
.L_overlay_start_0:
0x88: {  	s2 =	sld [smem:$0x3FD9]  }
0x89: {  	s3 =	sld [smem:$0x3FFE];
	_ =	sdelay $0x1  }
0x8a: {  	s1 =	srdreg.scid  }
0x8b: {  	s0 =	sand.u32 $0x1, s1  }
0x8c: {  	s17 =	sshll.u32 s0, $0xA;
	s2 =	sadd.s32 s3, s2  }
0x8d: {  	s2 =	sadd.s32 s2, s17  }
0x8e: {  	[smem:$0x3FBD] =	sst s2  }
0x8f: {  	_ = 	snop  }
0x90: {  	s18 =	sld [smem:$0x3FC8];
	(tm) =	ssettm $0x1  }
0x91: {  	s19 =	sld [smem:$0x3FFB];
	_ =	sdelay $0x3  }
0x92: {  	_ =	strace s19  }
0x93: {  	s2 =	sld [smem:$0x3FFC];
	_ =	sdelay $0x3  }
0x94: {  	_ =	strace s2  }
0x95: {  	s2 =	sld [smem:$0x3FFD];
	_ =	sdelay $0x3  }
0x96: {  	_ =	strace s2  }
0x97: {  	_ =	strace $0x8FFFFFFF  }
0x98: {  	s20 =	sld [smem:$0x3FDB];
	_ =	sdelay $0x1  }
0x99: {  	s4 =	simm.s32 $_scs_section_size  }
0x9a: {  	s5 =	simm.s32 $_size__tile_overlayer_lowered;
	s6 =	simm.s32 $_tile_overlayer_lowered  }
0x9b: {  	s7 =	simm.s32 $0x1BFF;
	s21 =	sshll.u32 s6, $0x1;
	s4 =	sadd.s32 s4, s20  }
0x9c: {  	s22 =	simm.s32 $0x0;
	s5 =	sshll.u32 s5, $0x1;
	s6 =	sadd.s32 s21, s4  }
0x9d: {  	[timem:s22], [sflag:s7] =	dma.local [hbm:s6], s5  }
0x9e: {  	_ =	swait.ge [sflag:s7], s5  }
0x9f: {  	s5 =	ssub.s32 $0x0, s5;
	[sflag:s7] =	ssyncset.done $0x0  }
0xa0: {  	[sflag:s7] =	ssyncadd.s32 s5;
	_ =	sdelay $0x1  }
0xa1: {  	s23 =	simm.s32 $0x1B8B  }
0xa2: {  	_ =	swait.ge [sflag:s23], $0x1  }
0xa3: {  	[sflag:s23] =	ssyncset.done $0x0  }
0xa4: {  	[sflag:s23] =	ssyncadd.s32 $0xFFFFFFFF  }
0xa5: {  	s5 =	sld [smem:$0x0]  }
0xa6: {  	s6 =	sand.u32 $0xFFFFFFFE, s1  }
0xa7: {  	p0 =	sne.s32 s1, s6  }
0xa8: {  	s6 =	sshll.u32 @p0 s6, $0xE  }
0xa9: {  	s6 =	sadd.s32 @p0 $0x11B8D, s6;
	s7 =	sshll.u32 @p0 s5, $0x11  }
0xaa: {  	s6 =	sor.u32 @p0 s7, s6  }
0xab: {  	[sflag:s6] =	ssyncadd.remote.s32 @p0 $0x1;
	_ =	sdelay $0x1  }
0xac: {  	s6 =	simm.s32 @p0 $0x1B8D  }
0xad: {  	_ =	swait.eq @p0 [sflag:s6], $0x1  }
0xae: {  	[sflag:s6] =	ssyncadd.s32 @p0 $0xFFFFFFFF  }
0xaf: {  	s7 =	sshll.u32 @!p0 s1, $0xE  }
0xb0: {  	s7 =	sor.u32 @!p0 $0x4000, s7;
	s6 =	simm.s32 @!p0 $0x1B8D  }
0xb1: {  	s5 =	sshll.u32 @!p0 s5, $0x11;
	s7 =	sadd.s32 @!p0 $0x11B8D, s7;
	_ =	swait.eq @!p0 [sflag:s6], $0x1  }
0xb2: {  	s5 =	sor.u32 @!p0 s5, s7;
	[sflag:s6] =	ssyncadd.s32 @!p0 $0xFFFFFFFF  }
0xb3: {  	s25 =	simm.s32 $0x1B8E;
	s24 =	sld [smem:$0x3FFE];
	[sflag:s5] =	ssyncadd.remote.s32 @!p0 $0x1  }
0xb4: {  	s26 =	simm.s32 $execute0_lowered;
	[smem:$0x3FD2] =	sst s25  }
0xb5: {  	s6 =	sshll.u32 s26, $0x1;
	_ =	strace $0x80000049;
	[dreg:$0x1] =	wrdreg $0xFFFFFFFF  }
0xb6: {  	s28 =	simm.s32 $_size_execute0_lowered;
	s4 =	sadd.s32 s4, s6;
	[dreg:$0x0] =	wrdreg $0x0  }
0xb7: {  	s6 =	sshll.u32 s28, $0x1;
	[dreg:$0x2] =	wrdreg s4  }
0xb8: {  	[dreg:$0x3] =	wrdreg s6  }
0xb9: {  	[dreg:$0x4] =	wrdreg $0xC0  }
0xba: {  	_ =	task [dreg:s22], $0x5FFFF  }
0xbb: {  	[dreg:$0x1] =	wrdreg $0xFFFFFFFF  }
0xbc: {  	[dreg:$0x0] =	wrdreg $0x60  }
0xbd: {  	[dreg:$0x2] =	wrdreg s18  }
0xbe: {  	[dreg:$0x3] =	wrdreg s24  }
0xbf: {  	[dreg:$0x4] =	wrdreg $0x79000  }
0xc0: {  	[dreg:$0x5] =	wrdreg $0xB  }
0xc1: {  	_ =	task.clear_ibuf [dreg:s22], $0x6FFFF;
	_ =	strace $0x90000049  }
0xc2: {  	s29 =	simm.s32 $0xB;
	_ =	strace $0x8000004B  }
0xc3: {  	_ =	swait.ge [sflag:s29], $0x1  }
0xc4: {  	[sflag:s29] =	ssyncadd.s32 $0xFFFFFFFF  }
0xc5: {  	_ =	strace $0x9000004B  }
0xc6: {  	_ =	sfence  }
0xc7: {  	s30 =	sld [smem:$0x0];
	_ =	sdelay $0x2  }
0xc8: {  	s31 =	sshll.u32 s1, $0xD;
	s1 =	sshrl.u32 s1, $0x2  }
0xc9: {  	s4 =	sand.u32 $0x4000, s31;
	s1 =	sadd.s32 s1, s30  }
0xca: {  	s0 =	sor.u32 s4, s0;
	s1 =	sshll.u32 s1, $0x11  }
0xcb: {  	s0 =	sor.u32 s1, s0  }
0xcc: {  	s0 =	sadd.s32 $0x8F2B, s0  }
0xcd: {  	[sflag:s0] =	ssyncadd.remote.s32 $0x1  }
0xce: {  	_ =	sfence.sel $0xFFFF  }
0xcf: {  	[dreg:$0x0] =	wrdreg $0xFFFFFFFF;
	(pc) =	sbr.abs _section_cstart, $3  }
0xd0: {  	[dreg:$0x1] =	wrdreg $0xFFFFFFFF  }
0xd1: {  	_ =	task.clear_ibuf [dreg:s22], $0x2FFFF;
	_ =	strace $0x9FFFFFFF  }
0xd2: {  	(tm) =	ssettm $0x7FFFFFFF  }
0xd3: {  	_ =	shalt  }
tec
execute0_lowered:
.L_overlay_start_1:
0x0: {  	(tag) =	ssettag $0x1  }
0x1: {  	s1 =	rddreg [dreg:$0x0]  }
0x2: {  	s0 =	rddreg [dreg:$0x1]  }
0x3: {  	s2 =	rddreg [dreg:$0x2]  }
0x4: {  	s3 =	simm.s32 $0x0;
	s7 =	srdreg.scid;
	s4 =	stileid.u32  }
0x5: {  	s18 =	simm.s32 $0x3900;
	s19 =	simm.s32 $0x1;
	s20 =	simm.s32 $0xC80  }
0x6: {  	s21 =	simm.s32 $0x2900;
	s22 =	simm.s32 $0x1900;
	s23 =	simm.s32 $0x80  }
0x7: {  	s26 =	simm.s32 $0x0;
	[smem:$0x7FF] =	sst s3;
	s5 =	sadd.s32 $0x2CE00, s0  }
0x8: {  	s6 =	sadd.s32 $0x26A00, s0;
	s8 =	sand.u32 $0x1, s7;
	s9 =	smul.u32 $0x60000, s4  }
0x9: {  	s7 =	sadd.s32 $0x33200, s0;
	s31 =	ssub.s32 $0x2, s8;
	s8 =	smul.u32 $0x3000, s8  }
.Ltmp0:
0xa: {  	_ =	strace $0x8000004A;
	s10 =	sshrl.u32 s31, $0x1;
	(pc) =	sbr.rel .LBB2_1-.Ltmp0, $4  }
0xb: {  	s11 =	sshrl.u32 s9, $0x2;
	s9 =	smul.u32 $0x3200, s4;
	s0 =	ssub.s32 s31, s10  }
0xc: {  	s10 =	sadd.s32 s11, s2;
	s11 =	smul.u32 $0x300, s4;
	s0 =	smax.u32 s0, $0x1  }
0xd: {  	v0 =	vimm.f32 $0.0e+00;
	s13 =	sadd.s32 $0x4000, s10;
	s14 =	sadd.s32 $0x8000, s10;
	s15 =	sadd.s32 $0xC000, s10  }
0xe: {  	v1 =	vimm.s32 $0x0;
	v2 =	vlaneseq.u32;
	v3 =	vimm.s32 $0x3000;
	s16 =	sadd.s32 $0x10000, s10;
	s17 =	sadd.s32 $0x14000, s10;
	[dreg:$0x5] =	wrdreg s0  }
.LBB2_17:
0xf: {  	s3 =	rddreg [dreg:$0x4]  }
0x10: {  	s0 =	rddreg [dreg:$0x5];
	s3 =	sadd.s32 $0x1, s3  }
0x11: {  	p0 =	sne.s32 s3, s0  }
.Ltmp1:
0x12: {  	_ = 	snop;
	(pc) =	sbr.rel @!p0 .LBB2_18-.Ltmp1, $1  }
0x13: {  	_ =	sdelay $0x3  }
.LBB2_1:
.Ltmp2:
0x14: {  	(pc) =	sbr.rel .LBB2_2-.Ltmp2, $2  }
0x15: {  	_ =	sdelay $0x2  }
0x16: {  	[dreg:$0x4] =	wrdreg s3;
	s24 =	simm.s32 $0x0  }
.LBB2_16:
0x17: {  	s0 =	sadd.s32 s11, s25  }
0x18: {  	[bflag:$0x0] =	sbarrier.arrive $0xFFFF;
	s3 =	sshll.u32 s4, $0x6;
	s24 =	sadd.s32 $0x1, s24  }
0x19: {  	s12 =	sshrl.u32 s10, $0x3;
	s0 =	sshll.u32 s0, $0x4;
	p0 =	sne.s32 s24, $0x5  }
.Ltmp3:
0x1a: {  	s3 =	sor.u32 $0x1C01, s3;
	s0 =	sadd.s32 s7, s0;
	(pc) =	sbr.rel @!p0 .LBB2_17-.Ltmp3, $4  }
0x1b: {  	[hbm:s0], [sflag:s3] =	dma.local [spmem:s12], $0x3000  }
0x1c: {  	_ =	swait.ge [sflag:s19], $0x3000  }
0x1d: {  	[sflag:s19] =	ssyncset.done $0x0  }
0x1e: {  	[sflag:s19] =	ssyncadd.s32 $0xFFFFD000  }
.LBB2_2:
0x1f: {  	s0 =	simm.s32 $0x0;
	s25 =	simm.s32 $0x200  }
.LBB2_3:
0x20: {  	p0 =	sne.s32 s25, $0xFE00;
	[tilespmem:s0+$0x3970] =	vst v0  }
0x21: {  	[tilespmem:s0+$0x3900] =	vst v0  }
0x22: {  	[tilespmem:s0+$0x3910] =	vst v0  }
.Ltmp4:
0x23: {  	[tilespmem:s0+$0x3920] =	vst v0;
	(pc) =	sbr.rel @p0 .LBB2_3-.Ltmp4, $4  }
0x24: {  	[tilespmem:s0+$0x3930] =	vst v0  }
0x25: {  	[tilespmem:s0+$0x3940] =	vst v0  }
0x26: {  	[tilespmem:s0+$0x3950] =	vst v0  }
0x27: {  	[tilespmem:s0+$0x3960] =	vst v0;
	s0 =	sshra.s32 s25, $0x2;
	s25 =	sadd.s32 $0x200, s25  }
0x28: {  	[tilespmem:s0+$0x3970] =	vst v0  }
0x29: {  	[tilespmem:s0+$0x3900] =	vst v0  }
0x2a: {  	[tilespmem:s0+$0x3910] =	vst v0  }
0x2b: {  	[tilespmem:s0+$0x3920] =	vst v0  }
0x2c: {  	[tilespmem:s0+$0x3930] =	vst v0  }
0x2d: {  	[tilespmem:s0+$0x3940] =	vst v0  }
0x2e: {  	[tilespmem:s0+$0x3950] =	vst v0  }
0x2f: {  	[tilespmem:s0+$0x3960] =	vst v0  }
0x30: {  	[spmem:s10] =	stream.linear.scatter [tilespmem:s18], [sflag:$0x1], $0x4000, $0x38;
	[tilespmem:$0x1FD00] =	vst v63  }
0x31: {  	_ =	swait.ge [sflag:s19], $0x4000  }
0x32: {  	[sflag:s19] =	ssyncset.done $0x0  }
0x33: {  	[sflag:s19] =	ssyncadd.s32 $0xFFFFC000  }
0x34: {  	[spmem:s13] =	stream.linear.scatter [tilespmem:s18], [sflag:$0x1], $0x4000, $0x38;
	[tilespmem:$0x1FD00] =	vst v63  }
0x35: {  	_ =	swait.ge [sflag:s19], $0x4000  }
0x36: {  	[sflag:s19] =	ssyncset.done $0x0  }
0x37: {  	[sflag:s19] =	ssyncadd.s32 $0xFFFFC000  }
0x38: {  	[spmem:s14] =	stream.linear.scatter [tilespmem:s18], [sflag:$0x1], $0x4000, $0x38;
	[tilespmem:$0x1FD00] =	vst v63  }
0x39: {  	_ =	swait.ge [sflag:s19], $0x4000  }
0x3a: {  	[sflag:s19] =	ssyncset.done $0x0  }
0x3b: {  	[sflag:s19] =	ssyncadd.s32 $0xFFFFC000  }
0x3c: {  	[spmem:s15] =	stream.linear.scatter [tilespmem:s18], [sflag:$0x1], $0x4000, $0x38;
	[tilespmem:$0x1FD00] =	vst v63  }
0x3d: {  	_ =	swait.ge [sflag:s19], $0x4000  }
0x3e: {  	[sflag:s19] =	ssyncset.done $0x0  }
0x3f: {  	[sflag:s19] =	ssyncadd.s32 $0xFFFFC000  }
0x40: {  	[spmem:s16] =	stream.linear.scatter [tilespmem:s18], [sflag:$0x1], $0x4000, $0x38;
	[tilespmem:$0x1FD00] =	vst v63  }
0x41: {  	_ =	swait.ge [sflag:s19], $0x4000  }
0x42: {  	[sflag:s19] =	ssyncset.done $0x0  }
0x43: {  	[sflag:s19] =	ssyncadd.s32 $0xFFFFC000  }
0x44: {  	[spmem:s17] =	stream.linear.scatter [tilespmem:s18], [sflag:$0x1], $0x4000, $0x38;
	[tilespmem:$0x1FD00] =	vst v63  }
.Ltmp5:
0x45: {  	_ =	swait.ge [sflag:s19], $0x4000;
	(pc) =	sbr.rel .LBB2_5-.Ltmp5, $4  }
0x46: {  	s31 =	smul.u32 $0x6000, s24;
	[sflag:s19] =	ssyncset.done $0x0  }
0x47: {  	[sflag:s19] =	ssyncadd.s32 $0xFFFFC000  }
0x48: {  	s25 =	sadd.s32 s8, s31;
	[bflag:$0x0] =	sbarrier.arrive $0xFFFF  }
0x49: {  	s28 =	simm.s32 $0x0;
	v4 =	vmov s25  }
.LBB2_14:
0x4a: {  	[sflag:s19] =	ssyncadd.s32 $0xFFFFC000  }
.LBB2_15:
0x4b: {  	s28 =	sadd.s32 $0x1, s28  }
0x4c: {  	p0 =	sne.s32 s28, $0x4  }
.Ltmp6:
0x4d: {  	_ = 	snop;
	(pc) =	sbr.rel @!p0 .LBB2_16-.Ltmp6, $1  }
0x4e: {  	_ =	sdelay $0x3  }
.LBB2_5:
0x4f: {  	s0 =	smul.u32 $0xC80, s28;
	_ =	sdelay $0x1  }
0x50: {  	s0 =	sadd.s32 s9, s0  }
0x51: {  	s0 =	sshrl.u32 s0, $0x3  }
0x52: {  	s29 =	sadd.s32 s5, s0  }
0x53: {  	[tilespmem:s26], [sflag:$0x1] =	stream.linear.gather [hbm4b:s29+s26], $0xC80, $0x38;
	[tilespmem:$0x1FD00] =	vst v63  }
0x54: {  	_ =	swait.ge [sflag:s19], $0xC80  }
0x55: {  	[sflag:s19] =	ssyncset.done $0x0  }
0x56: {  	s0 =	sadd.s32 s6, s0;
	[sflag:s19] =	ssyncadd.s32 $0xFFFFF380  }
0x57: {  	[tilespmem:s20], [sflag:$0x1] =	stream.linear.gather [hbm4b:s0+s26], $0xC80, $0x38;
	[tilespmem:$0x1FD00] =	vst v63  }
0x58: {  	_ =	swait.ge [sflag:s19], $0xC80  }
0x59: {  	[sflag:s19] =	ssyncset.done $0x0  }
0x5a: {  	s12 =	simm.s32 $0x0;
	[sflag:s19] =	ssyncadd.s32 $0xFFFFF380  }
0x5b: {  	v5 =	vld [tilespmem:s12+$0xC80];
	_ =	sdelay $0x4  }
0x5c: {  	v5 =	vsub.s32 v5, v4  }
0x5d: {  	vm0 =	vlt.u32 v5, $0x3000  }
0x5e: {  	v6 =	vsel vm0, $0x1, v1  }
0x5f: {  	(xrf0) =	vadd.scan.msk.s32 $0xffff, v6;
	_ =	sdelay $0x2  }
0x60: {  	v6 =	vmov s26  }
0x61: {  	v6 =	vadd.s32 $0xFFFFFFFF, v6  }
0x62: {  	v6 =	vbroadcast v6, $0x0  }
0x63: {  	v7, _, _ =	vpop (xrf0)  }
0x64: {  	v6 =	vadd.s32 v7, v6;
	(v2sf) =	vpush v7, $0xF;
	_ =	sdelay $0x4  }
0x65: {  	[tilespmem:v6+s21+$0x0] =	vst.idx.msk vm0, v5  }
0x66: {  	v5 =	vld [tilespmem:s12+$0x0];
	_ =	sdelay $0x4  }
0x67: {  	s31 =	simm.s32 $0x80;
	s30 =	simm.s32 $0x0;
	s29 =	simm.s32 $0x10;
	[tilespmem:v6+s22+$0x0] =	vst.idx.msk vm0, v5  }
.LBB2_6:
0x68: {  	p0 =	sne.s32 s31, $0x31C0;
	v5 =	vld [tilespmem:s29+$0xC80];
	_ =	sdelay $0x2  }
0x69: {  	s0 =	spop (v2sf)  }
0x6a: {  	s30 =	sadd.s32 s30, s0  }
0x6b: {  	v5 =	vsub.s32 v5, v4;
	v6 =	vmov s30  }
0x6c: {  	vm0 =	vlt.u32 v5, $0x3000;
	v6 =	vadd.s32 $0xFFFFFFFF, v6  }
0x6d: {  	v7 =	vsel vm0, $0x1, v1;
	v6 =	vbroadcast v6, $0x0  }
0x6e: {  	(xrf0) =	vadd.scan.msk.s32 $0xffff, v7;
	_ =	sdelay $0x5  }
0x6f: {  	v7, _, _ =	vpop (xrf0)  }
0x70: {  	v6 =	vadd.s32 v7, v6;
	(v2sf) =	vpush v7, $0xF;
	_ =	sdelay $0x4  }
0x71: {  	[tilespmem:v6+s21+$0x0] =	vst.idx.msk vm0, v5  }
0x72: {  	v5 =	vld [tilespmem:s29+$0x0]  }
.Ltmp7:
0x73: {  	(pc) =	sbr.rel @p0 .LBB2_6-.Ltmp7, $2  }
0x74: {  	_ =	sdelay $0x2  }
0x75: {  	s29 =	sshra.s32 s31, $0x2;
	s31 =	sadd.s32 $0x40, s31;
	[tilespmem:v6+s22+$0x0] =	vst.idx.msk vm0, v5  }
0x76: {  	v5 =	vld [tilespmem:s29+$0xC80];
	_ =	sdelay $0x4  }
0x77: {  	v5 =	vsub.s32 v5, v4  }
0x78: {  	vm0 =	vlt.u32 v5, $0x3000  }
0x79: {  	v6 =	vsel vm0, $0x1, v1  }
0x7a: {  	(xrf0) =	vadd.scan.msk.s32 $0xffff, v6;
	_ =	sdelay $0x5  }
0x7b: {  	v6, _, _ =	vpop (xrf0)  }
0x7c: {  	(v2sf) =	vpush v6, $0xF;
	_ =	sdelay $0xd  }
0x7d: {  	s0 =	spop (v2sf)  }
0x7e: {  	s31 =	sadd.s32 s30, s0;
	s0 =	spop (v2sf)  }
0x7f: {  	s12 =	sadd.s32 s31, s0  }
0x80: {  	s30 =	sadd.s32 $0x7F, s12  }
0x81: {  	s3 =	sand.u32 $0x7F, s30  }
0x82: {  	p1 =	slt.s32 s30, $0x1;
	p0 =	sne.s32 s3, $0x0;
	s3 =	sshra.s32 s30, $0x1F  }
0x83: {  	s3 =	sshrl.u32 s3, $0x19;
	p0 =	por !p1, !p0  }
0x84: {  	s3 =	sadd.s32 s3, s30;
	p0 =	por !p0, !p0;
	s30 =	simm.s32 $0x1  }
0x85: {  	v7 =	vmov s31;
	s3 =	sshra.s32 s3, $0x7;
	s30 =	simm.s32 @!p0 $0x0  }
0x86: {  	v7 =	vadd.s32 $0xFFFFFFFF, v7;
	s30 =	ssub.s32 s3, s30  }
0x87: {  	v7 =	vbroadcast v7, $0x0;
	s3 =	sshll.u32 s30, $0x7  }
0x88: {  	s3 =	ssub.s32 s3, s12  }
0x89: {  	v6 =	vadd.s32 v6, v7;
	s3 =	sadd.s32 $0xF, s3  }
0x8a: {  	s12 =	sand.u32 $0xF, s3  }
0x8b: {  	p6 =	slt.s32 s3, $0x1;
	p5 =	sne.s32 s12, $0x0;
	s12 =	sshra.s32 s3, $0x1F  }
0x8c: {  	s12 =	sshrl.u32 s12, $0x1C;
	p0 =	por !p6, !p5  }
0x8d: {  	s3 =	sadd.s32 s12, s3;
	p0 =	por !p0, !p0;
	s12 =	simm.s32 $0x1  }
0x8e: {  	[tilespmem:v6+s21+$0x0] =	vst.idx.msk vm0, v5;
	s3 =	sshra.s32 s3, $0x4;
	s12 =	simm.s32 @!p0 $0x0  }
0x8f: {  	v5 =	vld [tilespmem:s29+$0x0];
	s29 =	ssub.s32 s3, s12  }
0x90: {  	p0 =	slt.s32 s29, $0x1  }
.Ltmp8:
0x91: {  	_ = 	snop;
	(pc) =	sbr.rel @p0 .LBB2_11-.Ltmp8, $2  }
0x92: {  	_ =	sdelay $0x2  }
0x93: {  	[tilespmem:v6+s22+$0x0] =	vst.idx.msk vm0, v5  }
0x94: {  	s31 =	sadd.s32 s31, s0  }
0x95: {  	p0 =	seq.s32 s29, $0x1;
	v5 =	vadd.s32 s31, v2  }
.Ltmp9:
0x96: {  	_ = 	snop;
	(pc) =	sbr.rel @p0 .LBB2_10-.Ltmp9, $2  }
0x97: {  	_ =	sdelay $0x2  }
0x98: {  	s0 =	sadd.s32 $0xFFFFFFFF, s29;
	s29 =	sadd.s32 $0x10, s31;
	[tilespmem:v5+s21+$0x0] =	vst.idx.msk $0xffff, v3  }
.LBB2_9:
0x99: {  	[tilespmem:v5+s22+$0x0] =	vst.idx.msk $0xffff, v1;
	v5 =	vadd.s32 s29, v2;
	p0 =	seq.s32 s0, $0x1  }
.Ltmp10:
0x9a: {  	s0 =	sadd.s32 $0xFFFFFFFF, s0;
	(pc) =	sbr.rel @!p0 .LBB2_9-.Ltmp10, $2  }
0x9b: {  	_ =	sdelay $0x2  }
0x9c: {  	s29 =	sadd.s32 $0x10, s29;
	[tilespmem:v5+s21+$0x0] =	vst.idx.msk $0xffff, v3  }
.LBB2_10:
0x9d: {  	_ =	sdelay $0x3  }
0x9e: {  	[tilespmem:v5+s22+$0x0] =	vst.idx.msk $0xffff, v1  }
.LBB2_11:
0x9f: {  	p0 =	sgt.s32 s30, $0x0  }
.Ltmp11:
0xa0: {  	_ = 	snop;
	(pc) =	sbr.rel @!p0 .LBB2_15-.Ltmp11, $1  }
0xa1: {  	_ =	sdelay $0x3  }
0xa2: {  	s0 =	simm.s32 $0x1900  }
0xa3: {  	[tilespmem:s18], [sflag:$0x1] =	stream.indirect.gather [hbm4b:s1+s23], $0x80, s0, s23, $0xb8;
	[tilespmem:$0x1FD00] =	vst v63  }
0xa4: {  	p0 =	sne.s32 s30, $0x1;
	_ =	swait.ge [sflag:s19], $0x4000  }
.Ltmp12:
0xa5: {  	[sflag:s19] =	ssyncset.done $0x0;
	(pc) =	sbr.rel @!p0 .LBB2_14-.Ltmp12, $4  }
0xa6: {  	s29 =	simm.s32 $0x2900;
	[sflag:s19] =	ssyncadd.s32 $0xFFFFC000  }
0xa7: {  	[spmem:s2] =	stream.indirect.scatter.add.f32 [tilespmem:s18], [sflag:$0x1], $0x80, s29, s23, $0xb8;
	[tilespmem:$0x1FD00] =	vst v63  }
0xa8: {  	_ =	swait.ge [sflag:s19], $0x4000  }
0xa9: {  	s30 =	sadd.s32 $0xFFFFFFFF, s30;
	[sflag:s19] =	ssyncset.done $0x0  }
.LBB2_13:
0xaa: {  	[sflag:s19] =	ssyncadd.s32 $0xFFFFC000;
	s0 =	sadd.s32 $0x80, s0;
	s29 =	sadd.s32 $0x80, s29  }
0xab: {  	[tilespmem:s18], [sflag:$0x1] =	stream.indirect.gather [hbm4b:s1+s23], $0x80, s0, s23, $0xb8;
	[tilespmem:$0x1FD00] =	vst v63  }
0xac: {  	p0 =	sne.s32 s30, $0x1;
	s30 =	sadd.s32 $0xFFFFFFFF, s30;
	_ =	swait.ge [sflag:s19], $0x4000  }
.Ltmp13:
0xad: {  	[sflag:s19] =	ssyncset.done $0x0;
	(pc) =	sbr.rel @p0 .LBB2_13-.Ltmp13, $4  }
0xae: {  	[sflag:s19] =	ssyncadd.s32 $0xFFFFC000  }
0xaf: {  	[spmem:s2] =	stream.indirect.scatter.add.f32 [tilespmem:s18], [sflag:$0x1], $0x80, s29, s23, $0xb8;
	[tilespmem:$0x1FD00] =	vst v63  }
0xb0: {  	_ =	swait.ge [sflag:s19], $0x4000  }
0xb1: {  	[sflag:s19] =	ssyncset.done $0x0  }
.Ltmp14:
0xb2: {  	_ = 	snop;
	(pc) =	sbr.rel .LBB2_14-.Ltmp14, $1  }
0xb3: {  	_ =	sdelay $0x3  }
.LBB2_18:
0xb4: {  	_ =	sfence.sel $0x180000  }
0xb5: {  	[bflag:$0x0] =	sbarrier.arrive $0xFFFF  }
0xb6: {  	_ =	strace $0x9000004A  }
0xb7: {  	[bflag:$0x2] =	sbarrier.arrive $0xFFFF  }
0xb8: {  	p0 =	sne.s32 s4, $0x0;
	s0 =	rddreg [dreg:$0x3]  }
0xb9: {  	s0 =	sadd.s32 @!p0 $0x100000, s0  }
0xba: {  	[sflag:s0] =	ssyncadd.tile.s32 @!p0 $0x1;
	_ =	shalt  }
.Lfunc_end2:
_tile_overlayer_lowered:
.L_overlay_start_2:
0xbb: {  	(tag) =	ssettag $0x2  }
0xbc: {  	s0 =	rddreg [dreg:$0x0];
	s2 =	stileid.u32  }
0xbd: {  	s1 =	rddreg [dreg:$0x1];
	p0 =	sne.s32 s2, $0x0  }
0xbe: {  	s3 =	rddreg [dreg:$0x2];
	[bflag:$0x3] =	sbarrier.arrive $0xFFFF;
	s2 =	simm.s32 @!p0 $0x1C01  }
0xbf: {  	[timem:s3], [sflag:s2] =	dma.local @!p0 [hbm:s0], s1  }
0xc0: {  	s0 =	simm.s32 @!p0 $0x1  }
0xc1: {  	_ =	swait.ge @!p0 [sflag:s0], s1  }
0xc2: {  	s1 =	ssub.s32 @!p0 $0x0, s1;
	[sflag:s0] =	ssyncset.done @!p0 $0x0  }
0xc3: {  	[sflag:s0] =	ssyncadd.s32 @!p0 s1  }
0xc4: {  	[bflag:$0x3] =	sbarrier.arrive $0xFFFF  }
0xc5: {  	_ =	shalt  }

// kernel: kernel.16.cloned.1.call-start
scs
__scs_entry_jumppad:
0x0: {  	(pc) =	sbr.rel $0x88, $3  }
0x1: {  	(tag) =	ssettag $0x0;
	lr =	simm.s32 $0x1  }
0x2: {  	[smem:$0x3F96] =	sst lr;
	_ =	strace $0xD0000000  }
0x3: {  	_ = 	snop  }
0x4: {  	_ = 	snop  }
0x5: {  	_ = 	snop  }
0x6: {  	_ = 	snop  }
0x7: {  	_ = 	snop  }
__scs_overlays_trampoline_lowered:
0x8: {  	[smem:$0x3FA5] =	sst s0  }
0x9: {  	[smem:$0x3FA6] =	sst s1  }
0xa: {  	[smem:$0x3FA7] =	sst s2  }
0xb: {  	[smem:$0x3FA8] =	sst s3  }
0xc: {  	[smem:$0x3FA9] =	sst s4  }
0xd: {  	[smem:$0x3FAA] =	sst s5  }
0xe: {  	[smem:$0x3FAB] =	sst s6  }
0xf: {  	[smem:$0x3FAC] =	sst s7  }
0x10: {  	[smem:$0x3FAD] =	sst s8  }
0x11: {  	[smem:$0x3FAE] =	sst s9;
	s0 =	simm.s32 @!p0 $0x0  }
0x12: {  	s1 =	sld [smem:$0x3F94];
	s0 =	simm.s32 @p0 $0x1  }
0x13: {  	[smem:$0x3FAF] =	sst s0;
	s0 =	simm.s32 @!p1 $0x0  }
0x14: {  	s2 =	sld [smem:$0x3F93];
	s0 =	simm.s32 @p1 $0x1  }
0x15: {  	[smem:$0x3FB0] =	sst s0;
	s0 =	simm.s32 @!p2 $0x0  }
0x16: {  	s3 =	sld [smem:$0x3FDB];
	s0 =	simm.s32 @p2 $0x1  }
0x17: {  	s4 =	simm.s32 $0x1BF5;
	[smem:$0x3FB2] =	sst s0  }
0x18: {  	s0 =	sld [smem:$0x3F95];
	_ =	swait.ge [sflag:s4], $0x0  }
0x19: {  	s7 =	sld [smem:$0x3F96]  }
0x1a: {  	s8 =	sadd.s32 $0xFFFFE003, lr  }
0x1b: {  	s9 =	sadd.s32 $0xFFFFFEF7, lr;
	s5 =	simm.s32 $0xFFFFFFFF;
	p2 =	slt.u32 s8, $0xFFFFF086  }
0x1c: {  	p1 =	slt.u32 s9, $0xF7A;
	s5 =	simm.s32 @!p2 $0x0  }
0x1d: {  	s5 =	simm.s32 @p1 $0x1;
	p0 =	seq.s32 s7, s2  }
0x1e: {  	s7 =	smul.u32 @!p0 $0xF7A, s2;
	p2 =	seq.s32 @!p0 s5, $0x0  }
0x1f: {  	s9 =	smul.u32 $0xF7A, s1;
	s8 =	simm.s32 @!p0 $0x1BF5;
	p2 =	por !p2, p0  }
0x20: {  	[sflag:s8] =	ssyncset.s32 @!p0 $0xFFFFF086;
	s6 =	sadd.s32 @!p0 s3, s7;
	s7 =	simm.s32 @!p0 $0x108  }
0x21: {  	s3 =	sadd.s32 s3, s9;
	s6 =	sadd.s32 @!p0 $0x88, s6;
	s7 =	simm.s32 @p2 $0x1082  }
0x22: {  	[simem:s7], [sflag:s8] =	dma.local @!p0 [hbm:s6], $0xF7A  }
0x23: {  	s9 =	sor.u32 $0xD0000000, s2;
	s6 =	simm.s32 $0x108;
	_ =	swait.ge @!p0 [sflag:s8], $0x0  }
0x24: {  	s3 =	sadd.s32 $0x88, s3;
	s6 =	simm.s32 @!p1 $0x1082;
	[sflag:s4] =	ssyncset.s32 $0xFFFFF086  }
0x25: {  	[simem:s6], [sflag:s4] =	dma.local [hbm:s3], $0xF7A  }
0x26: {  	[smem:$0x3F96] =	sst s1;
	(tag) =	ssettag s2;
	_ =	strace s9  }
0x27: {  	s1 =	sld [smem:$0x3FA6]  }
0x28: {  	s2 =	sld [smem:$0x3FA7]  }
0x29: {  	s4 =	sld [smem:$0x3FA9]  }
0x2a: {  	p0 =	seq.s32 s5, $0x0;
	s5 =	sld [smem:$0x3FAA]  }
0x2b: {  	s6 =	sld [smem:$0x3FAB]  }
0x2c: {  	s7 =	sld [smem:$0x3FAC]  }
0x2d: {  	s3 =	simm.s32 $0x108;
	s8 =	sld [smem:$0x3FAD]  }
0x2e: {  	s3 =	simm.s32 @!p0 $0x1082;
	s9 =	sld [smem:$0x3FAE]  }
0x2f: {  	lr =	sadd.s32 s0, s3;
	s0 =	sld [smem:$0x3FA5]  }
0x30: {  	s3 =	sld [smem:$0x3FA8]  }
0x31: {  	[smem:$0x3FB1] =	sst s10  }
0x32: {  	s10 =	sld [smem:$0x3FAF];
	_ =	sdelay $0x3  }
0x33: {  	p0 =	seq.s32 s10, $0x1;
	s10 =	sld [smem:$0x3FB1];
	_ =	sdelay $0x3  }
0x34: {  	[smem:$0x3FB1] =	sst s10  }
0x35: {  	s10 =	sld [smem:$0x3FB0];
	_ =	sdelay $0x3  }
0x36: {  	p1 =	seq.s32 s10, $0x1;
	s10 =	sld [smem:$0x3FB1];
	_ =	sdelay $0x3  }
0x37: {  	[smem:$0x3FB1] =	sst s10  }
0x38: {  	s10 =	sld [smem:$0x3FB2]  }
0x39: {  	_ = 	snop;
	(pc) =	sbr.ind lr, $3  }
0x3a: {  	_ = 	snop  }
0x3b: {  	_ = 	snop  }
0x3c: {  	p2 =	seq.s32 s10, $0x1;
	s10 =	sld [smem:$0x3FB1]  }
0x3d: {  	_ =	shalt  }
0x3e: {  	_ =	shalt  }
0x3f: {  	_ =	shalt  }
0x40: {  	_ =	shalt  }
0x41: {  	_ =	shalt  }
0x42: {  	_ =	shalt  }
0x43: {  	_ =	shalt  }
0x44: {  	_ =	shalt  }
0x45: {  	_ =	shalt  }
0x46: {  	_ =	shalt  }
0x47: {  	_ =	shalt  }
0x48: {  	_ =	shalt  }
0x49: {  	_ =	shalt  }
0x4a: {  	_ =	shalt  }
0x4b: {  	_ =	shalt  }
0x4c: {  	_ =	shalt  }
0x4d: {  	_ =	shalt  }
0x4e: {  	_ =	shalt  }
0x4f: {  	_ =	shalt  }
0x50: {  	_ =	shalt  }
0x51: {  	_ =	shalt  }
0x52: {  	_ =	shalt  }
0x53: {  	_ =	shalt  }
0x54: {  	_ =	shalt  }
0x55: {  	_ =	shalt  }
0x56: {  	_ =	shalt  }
0x57: {  	_ =	shalt  }
0x58: {  	_ =	shalt  }
0x59: {  	_ =	shalt  }
0x5a: {  	_ =	shalt  }
0x5b: {  	_ =	shalt  }
0x5c: {  	_ =	shalt  }
0x5d: {  	_ =	shalt  }
0x5e: {  	_ =	shalt  }
0x5f: {  	_ =	shalt  }
0x60: {  	_ =	shalt  }
0x61: {  	_ =	shalt  }
0x62: {  	_ =	shalt  }
0x63: {  	_ =	shalt  }
0x64: {  	_ =	shalt  }
0x65: {  	_ =	shalt  }
0x66: {  	_ =	shalt  }
0x67: {  	_ =	shalt  }
0x68: {  	_ =	shalt  }
0x69: {  	_ =	shalt  }
0x6a: {  	_ =	shalt  }
0x6b: {  	_ =	shalt  }
0x6c: {  	_ =	shalt  }
0x6d: {  	_ =	shalt  }
0x6e: {  	_ =	shalt  }
0x6f: {  	_ =	shalt  }
0x70: {  	_ =	shalt  }
0x71: {  	_ =	shalt  }
0x72: {  	_ =	shalt  }
0x73: {  	_ =	shalt  }
0x74: {  	_ =	shalt  }
0x75: {  	_ =	shalt  }
0x76: {  	_ =	shalt  }
0x77: {  	_ =	shalt  }
0x78: {  	_ =	shalt  }
0x79: {  	_ =	shalt  }
0x7a: {  	_ =	shalt  }
0x7b: {  	_ =	shalt  }
0x7c: {  	_ =	shalt  }
0x7d: {  	_ =	shalt  }
0x7e: {  	_ =	shalt  }
0x7f: {  	_ =	shalt  }
0x80: {  	_ =	shalt  }
0x81: {  	_ =	shalt  }
0x82: {  	_ =	shalt  }
0x83: {  	_ =	shalt  }
0x84: {  	_ =	shalt  }
0x85: {  	_ =	shalt  }
0x86: {  	_ =	shalt  }
0x87: {  	_ =	shalt  }
.Lfunc_end0:
.L_simem_size_0:
called_computation.3_lowered:
.L_overlay_start_0:
0x88: {  	s2 =	sld [smem:$0x3FD9]  }
0x89: {  	s3 =	sld [smem:$0x3FFE];
	_ =	sdelay $0x1  }
0x8a: {  	s1 =	srdreg.scid  }
0x8b: {  	s0 =	sand.u32 $0x1, s1  }
0x8c: {  	s17 =	sshll.u32 s0, $0xA;
	s2 =	sadd.s32 s3, s2  }
0x8d: {  	s2 =	sadd.s32 s2, s17  }
0x8e: {  	[smem:$0x3FBD] =	sst s2  }
0x8f: {  	_ = 	snop  }
0x90: {  	s18 =	sld [smem:$0x3FC9];
	(tm) =	ssettm $0x1  }
0x91: {  	s19 =	sld [smem:$0x3FFB];
	_ =	sdelay $0x3  }
0x92: {  	_ =	strace s19  }
0x93: {  	s2 =	sld [smem:$0x3FFC];
	_ =	sdelay $0x3  }
0x94: {  	_ =	strace s2  }
0x95: {  	s2 =	sld [smem:$0x3FFD];
	_ =	sdelay $0x3  }
0x96: {  	_ =	strace s2  }
0x97: {  	_ =	strace $0x8FFFFFFF  }
0x98: {  	s20 =	sld [smem:$0x3FDB];
	_ =	sdelay $0x1  }
0x99: {  	s4 =	simm.s32 $_scs_section_size  }
0x9a: {  	s5 =	simm.s32 $_size__tile_overlayer_lowered;
	s6 =	simm.s32 $_tile_overlayer_lowered  }
0x9b: {  	s7 =	simm.s32 $0x1BFF;
	s21 =	sshll.u32 s6, $0x1;
	s4 =	sadd.s32 s4, s20  }
0x9c: {  	s22 =	simm.s32 $0x0;
	s5 =	sshll.u32 s5, $0x1;
	s6 =	sadd.s32 s21, s4  }
0x9d: {  	[timem:s22], [sflag:s7] =	dma.local [hbm:s6], s5  }
0x9e: {  	_ =	swait.ge [sflag:s7], s5  }
0x9f: {  	s5 =	ssub.s32 $0x0, s5;
	[sflag:s7] =	ssyncset.done $0x0  }
0xa0: {  	[sflag:s7] =	ssyncadd.s32 s5;
	_ =	sdelay $0x1  }
0xa1: {  	s23 =	simm.s32 $0x1B8B  }
0xa2: {  	_ =	swait.ge [sflag:s23], $0x1  }
0xa3: {  	[sflag:s23] =	ssyncset.done $0x0  }
0xa4: {  	[sflag:s23] =	ssyncadd.s32 $0xFFFFFFFF  }
0xa5: {  	s5 =	sld [smem:$0x0]  }
0xa6: {  	s6 =	sand.u32 $0xFFFFFFFE, s1  }
0xa7: {  	p0 =	sne.s32 s1, s6  }
0xa8: {  	s6 =	sshll.u32 @p0 s6, $0xE  }
0xa9: {  	s6 =	sadd.s32 @p0 $0x11B8D, s6;
	s7 =	sshll.u32 @p0 s5, $0x11  }
0xaa: {  	s6 =	sor.u32 @p0 s7, s6  }
0xab: {  	[sflag:s6] =	ssyncadd.remote.s32 @p0 $0x1;
	_ =	sdelay $0x1  }
0xac: {  	s6 =	simm.s32 @p0 $0x1B8D  }
0xad: {  	_ =	swait.eq @p0 [sflag:s6], $0x1  }
0xae: {  	[sflag:s6] =	ssyncadd.s32 @p0 $0xFFFFFFFF  }
0xaf: {  	s7 =	sshll.u32 @!p0 s1, $0xE  }
0xb0: {  	s7 =	sor.u32 @!p0 $0x4000, s7;
	s6 =	simm.s32 @!p0 $0x1B8D  }
0xb1: {  	s5 =	sshll.u32 @!p0 s5, $0x11;
	s7 =	sadd.s32 @!p0 $0x11B8D, s7;
	_ =	swait.eq @!p0 [sflag:s6], $0x1  }
0xb2: {  	s5 =	sor.u32 @!p0 s5, s7;
	[sflag:s6] =	ssyncadd.s32 @!p0 $0xFFFFFFFF  }
0xb3: {  	s25 =	simm.s32 $0x1B8E;
	s24 =	sld [smem:$0x3FFE];
	[sflag:s5] =	ssyncadd.remote.s32 @!p0 $0x1  }
0xb4: {  	s26 =	simm.s32 $execute0_lowered;
	[smem:$0x3FD2] =	sst s25  }
0xb5: {  	s6 =	sshll.u32 s26, $0x1;
	_ =	strace $0x8000004C;
	[dreg:$0x1] =	wrdreg $0xFFFFFFFF  }
0xb6: {  	s28 =	simm.s32 $_size_execute0_lowered;
	s4 =	sadd.s32 s4, s6;
	[dreg:$0x0] =	wrdreg $0x0  }
0xb7: {  	s6 =	sshll.u32 s28, $0x1;
	[dreg:$0x2] =	wrdreg s4  }
0xb8: {  	[dreg:$0x3] =	wrdreg s6  }
0xb9: {  	[dreg:$0x4] =	wrdreg $0xC0  }
0xba: {  	_ =	task [dreg:s22], $0x5FFFF  }
0xbb: {  	[dreg:$0x1] =	wrdreg $0xFFFFFFFF  }
0xbc: {  	[dreg:$0x0] =	wrdreg $0x60  }
0xbd: {  	[dreg:$0x2] =	wrdreg s18  }
0xbe: {  	[dreg:$0x3] =	wrdreg s24  }
0xbf: {  	[dreg:$0x4] =	wrdreg $0x79000  }
0xc0: {  	[dreg:$0x5] =	wrdreg $0xC  }
0xc1: {  	_ =	task.clear_ibuf [dreg:s22], $0x6FFFF;
	_ =	strace $0x9000004C  }
0xc2: {  	s29 =	simm.s32 $0xC;
	_ =	strace $0x8000004E  }
0xc3: {  	_ =	swait.ge [sflag:s29], $0x1  }
0xc4: {  	[sflag:s29] =	ssyncadd.s32 $0xFFFFFFFF  }
0xc5: {  	_ =	strace $0x9000004E  }
0xc6: {  	_ =	sfence  }
0xc7: {  	s30 =	sld [smem:$0x0];
	_ =	sdelay $0x2  }
0xc8: {  	s31 =	sshll.u32 s1, $0xD;
	s1 =	sshrl.u32 s1, $0x2  }
0xc9: {  	s4 =	sand.u32 $0x4000, s31;
	s1 =	sadd.s32 s1, s30  }
0xca: {  	s0 =	sor.u32 s4, s0;
	s1 =	sshll.u32 s1, $0x11  }
0xcb: {  	s0 =	sor.u32 s1, s0  }
0xcc: {  	s0 =	sadd.s32 $0x8F2B, s0  }
0xcd: {  	[sflag:s0] =	ssyncadd.remote.s32 $0x1  }
0xce: {  	_ =	sfence.sel $0xFFFF  }
0xcf: {  	[dreg:$0x0] =	wrdreg $0xFFFFFFFF;
	(pc) =	sbr.abs _section_cstart, $3  }
0xd0: {  	[dreg:$0x1] =	wrdreg $0xFFFFFFFF  }
0xd1: {  	_ =	task.clear_ibuf [dreg:s22], $0x2FFFF;
	_ =	strace $0x9FFFFFFF  }
0xd2: {  	(tm) =	ssettm $0x7FFFFFFF  }
0xd3: {  	_ =	shalt  }
tec
execute0_lowered:
.L_overlay_start_1:
0x0: {  	(tag) =	ssettag $0x1  }
0x1: {  	s1 =	rddreg [dreg:$0x0]  }
0x2: {  	s0 =	rddreg [dreg:$0x1]  }
0x3: {  	s2 =	rddreg [dreg:$0x2]  }
0x4: {  	s3 =	simm.s32 $0x0;
	s7 =	srdreg.scid;
	s4 =	stileid.u32  }
0x5: {  	s18 =	simm.s32 $0x3900;
	s19 =	simm.s32 $0x1;
	s20 =	simm.s32 $0xC80  }
0x6: {  	s21 =	simm.s32 $0x2900;
	s22 =	simm.s32 $0x1900;
	s23 =	simm.s32 $0x80  }
0x7: {  	s26 =	simm.s32 $0x0;
	[smem:$0x7FF] =	sst s3;
	s5 =	sadd.s32 $0x219600, s0  }
0x8: {  	s6 =	sadd.s32 $0x213200, s0;
	s8 =	sand.u32 $0x1, s7;
	s9 =	smul.u32 $0x60000, s4  }
0x9: {  	s7 =	sadd.s32 $0x21FA00, s0;
	s31 =	ssub.s32 $0x2, s8;
	s8 =	smul.u32 $0x3000, s8  }
.Ltmp0:
0xa: {  	_ =	strace $0x8000004D;
	s10 =	sshrl.u32 s31, $0x1;
	(pc) =	sbr.rel .LBB2_1-.Ltmp0, $4  }
0xb: {  	s11 =	sshrl.u32 s9, $0x2;
	s9 =	smul.u32 $0x3200, s4;
	s0 =	ssub.s32 s31, s10  }
0xc: {  	s10 =	sadd.s32 s11, s2;
	s11 =	smul.u32 $0x300, s4;
	s0 =	smax.u32 s0, $0x1  }
0xd: {  	v0 =	vimm.f32 $0.0e+00;
	s13 =	sadd.s32 $0x4000, s10;
	s14 =	sadd.s32 $0x8000, s10;
	s15 =	sadd.s32 $0xC000, s10  }
0xe: {  	v1 =	vimm.s32 $0x0;
	v2 =	vlaneseq.u32;
	v3 =	vimm.s32 $0x3000;
	s16 =	sadd.s32 $0x10000, s10;
	s17 =	sadd.s32 $0x14000, s10;
	[dreg:$0x5] =	wrdreg s0  }
.LBB2_17:
0xf: {  	s3 =	rddreg [dreg:$0x4]  }
0x10: {  	s0 =	rddreg [dreg:$0x5];
	s3 =	sadd.s32 $0x1, s3  }
0x11: {  	p0 =	sne.s32 s3, s0  }
.Ltmp1:
0x12: {  	_ = 	snop;
	(pc) =	sbr.rel @!p0 .LBB2_18-.Ltmp1, $1  }
0x13: {  	_ =	sdelay $0x3  }
.LBB2_1:
.Ltmp2:
0x14: {  	(pc) =	sbr.rel .LBB2_2-.Ltmp2, $2  }
0x15: {  	_ =	sdelay $0x2  }
0x16: {  	[dreg:$0x4] =	wrdreg s3;
	s24 =	simm.s32 $0x0  }
.LBB2_16:
0x17: {  	s0 =	sadd.s32 s11, s25  }
0x18: {  	[bflag:$0x0] =	sbarrier.arrive $0xFFFF;
	s3 =	sshll.u32 s4, $0x6;
	s24 =	sadd.s32 $0x1, s24  }
0x19: {  	s12 =	sshrl.u32 s10, $0x3;
	s0 =	sshll.u32 s0, $0x4;
	p0 =	sne.s32 s24, $0x5  }
.Ltmp3:
0x1a: {  	s3 =	sor.u32 $0x1C01, s3;
	s0 =	sadd.s32 s7, s0;
	(pc) =	sbr.rel @!p0 .LBB2_17-.Ltmp3, $4  }
0x1b: {  	[hbm:s0], [sflag:s3] =	dma.local [spmem:s12], $0x3000  }
0x1c: {  	_ =	swait.ge [sflag:s19], $0x3000  }
0x1d: {  	[sflag:s19] =	ssyncset.done $0x0  }
0x1e: {  	[sflag:s19] =	ssyncadd.s32 $0xFFFFD000  }
.LBB2_2:
0x1f: {  	s0 =	simm.s32 $0x0;
	s25 =	simm.s32 $0x200  }
.LBB2_3:
0x20: {  	p0 =	sne.s32 s25, $0xFE00;
	[tilespmem:s0+$0x3970] =	vst v0  }
0x21: {  	[tilespmem:s0+$0x3900] =	vst v0  }
0x22: {  	[tilespmem:s0+$0x3910] =	vst v0  }
.Ltmp4:
0x23: {  	[tilespmem:s0+$0x3920] =	vst v0;
	(pc) =	sbr.rel @p0 .LBB2_3-.Ltmp4, $4  }
0x24: {  	[tilespmem:s0+$0x3930] =	vst v0  }
0x25: {  	[tilespmem:s0+$0x3940] =	vst v0  }
0x26: {  	[tilespmem:s0+$0x3950] =	vst v0  }
0x27: {  	[tilespmem:s0+$0x3960] =	vst v0;
	s0 =	sshra.s32 s25, $0x2;
	s25 =	sadd.s32 $0x200, s25  }
0x28: {  	[tilespmem:s0+$0x3970] =	vst v0  }
0x29: {  	[tilespmem:s0+$0x3900] =	vst v0  }
0x2a: {  	[tilespmem:s0+$0x3910] =	vst v0  }
0x2b: {  	[tilespmem:s0+$0x3920] =	vst v0  }
0x2c: {  	[tilespmem:s0+$0x3930] =	vst v0  }
0x2d: {  	[tilespmem:s0+$0x3940] =	vst v0  }
0x2e: {  	[tilespmem:s0+$0x3950] =	vst v0  }
0x2f: {  	[tilespmem:s0+$0x3960] =	vst v0  }
0x30: {  	[spmem:s10] =	stream.linear.scatter [tilespmem:s18], [sflag:$0x1], $0x4000, $0x38;
	[tilespmem:$0x1FD00] =	vst v63  }
0x31: {  	_ =	swait.ge [sflag:s19], $0x4000  }
0x32: {  	[sflag:s19] =	ssyncset.done $0x0  }
0x33: {  	[sflag:s19] =	ssyncadd.s32 $0xFFFFC000  }
0x34: {  	[spmem:s13] =	stream.linear.scatter [tilespmem:s18], [sflag:$0x1], $0x4000, $0x38;
	[tilespmem:$0x1FD00] =	vst v63  }
0x35: {  	_ =	swait.ge [sflag:s19], $0x4000  }
0x36: {  	[sflag:s19] =	ssyncset.done $0x0  }
0x37: {  	[sflag:s19] =	ssyncadd.s32 $0xFFFFC000  }
0x38: {  	[spmem:s14] =	stream.linear.scatter [tilespmem:s18], [sflag:$0x1], $0x4000, $0x38;
	[tilespmem:$0x1FD00] =	vst v63  }
0x39: {  	_ =	swait.ge [sflag:s19], $0x4000  }
0x3a: {  	[sflag:s19] =	ssyncset.done $0x0  }
0x3b: {  	[sflag:s19] =	ssyncadd.s32 $0xFFFFC000  }
0x3c: {  	[spmem:s15] =	stream.linear.scatter [tilespmem:s18], [sflag:$0x1], $0x4000, $0x38;
	[tilespmem:$0x1FD00] =	vst v63  }
0x3d: {  	_ =	swait.ge [sflag:s19], $0x4000  }
0x3e: {  	[sflag:s19] =	ssyncset.done $0x0  }
0x3f: {  	[sflag:s19] =	ssyncadd.s32 $0xFFFFC000  }
0x40: {  	[spmem:s16] =	stream.linear.scatter [tilespmem:s18], [sflag:$0x1], $0x4000, $0x38;
	[tilespmem:$0x1FD00] =	vst v63  }
0x41: {  	_ =	swait.ge [sflag:s19], $0x4000  }
0x42: {  	[sflag:s19] =	ssyncset.done $0x0  }
0x43: {  	[sflag:s19] =	ssyncadd.s32 $0xFFFFC000  }
0x44: {  	[spmem:s17] =	stream.linear.scatter [tilespmem:s18], [sflag:$0x1], $0x4000, $0x38;
	[tilespmem:$0x1FD00] =	vst v63  }
.Ltmp5:
0x45: {  	_ =	swait.ge [sflag:s19], $0x4000;
	(pc) =	sbr.rel .LBB2_5-.Ltmp5, $4  }
0x46: {  	s31 =	smul.u32 $0x6000, s24;
	[sflag:s19] =	ssyncset.done $0x0  }
0x47: {  	[sflag:s19] =	ssyncadd.s32 $0xFFFFC000  }
0x48: {  	s25 =	sadd.s32 s8, s31;
	[bflag:$0x0] =	sbarrier.arrive $0xFFFF  }
0x49: {  	s28 =	simm.s32 $0x0;
	v4 =	vmov s25  }
.LBB2_14:
0x4a: {  	[sflag:s19] =	ssyncadd.s32 $0xFFFFC000  }
.LBB2_15:
0x4b: {  	s28 =	sadd.s32 $0x1, s28  }
0x4c: {  	p0 =	sne.s32 s28, $0x4  }
.Ltmp6:
0x4d: {  	_ = 	snop;
	(pc) =	sbr.rel @!p0 .LBB2_16-.Ltmp6, $1  }
0x4e: {  	_ =	sdelay $0x3  }
.LBB2_5:
0x4f: {  	s0 =	smul.u32 $0xC80, s28;
	_ =	sdelay $0x1  }
0x50: {  	s0 =	sadd.s32 s9, s0  }
0x51: {  	s0 =	sshrl.u32 s0, $0x3  }
0x52: {  	s29 =	sadd.s32 s5, s0  }
0x53: {  	[tilespmem:s26], [sflag:$0x1] =	stream.linear.gather [hbm4b:s29+s26], $0xC80, $0x38;
	[tilespmem:$0x1FD00] =	vst v63  }
0x54: {  	_ =	swait.ge [sflag:s19], $0xC80  }
0x55: {  	[sflag:s19] =	ssyncset.done $0x0  }
0x56: {  	s0 =	sadd.s32 s6, s0;
	[sflag:s19] =	ssyncadd.s32 $0xFFFFF380  }
0x57: {  	[tilespmem:s20], [sflag:$0x1] =	stream.linear.gather [hbm4b:s0+s26], $0xC80, $0x38;
	[tilespmem:$0x1FD00] =	vst v63  }
0x58: {  	_ =	swait.ge [sflag:s19], $0xC80  }
0x59: {  	[sflag:s19] =	ssyncset.done $0x0  }
0x5a: {  	s12 =	simm.s32 $0x0;
	[sflag:s19] =	ssyncadd.s32 $0xFFFFF380  }
0x5b: {  	v5 =	vld [tilespmem:s12+$0xC80];
	_ =	sdelay $0x4  }
0x5c: {  	v5 =	vsub.s32 v5, v4  }
0x5d: {  	vm0 =	vlt.u32 v5, $0x3000  }
0x5e: {  	v6 =	vsel vm0, $0x1, v1  }
0x5f: {  	(xrf0) =	vadd.scan.msk.s32 $0xffff, v6;
	_ =	sdelay $0x2  }
0x60: {  	v6 =	vmov s26  }
0x61: {  	v6 =	vadd.s32 $0xFFFFFFFF, v6  }
0x62: {  	v6 =	vbroadcast v6, $0x0  }
0x63: {  	v7, _, _ =	vpop (xrf0)  }
0x64: {  	v6 =	vadd.s32 v7, v6;
	(v2sf) =	vpush v7, $0xF;
	_ =	sdelay $0x4  }
0x65: {  	[tilespmem:v6+s21+$0x0] =	vst.idx.msk vm0, v5  }
0x66: {  	v5 =	vld [tilespmem:s12+$0x0];
	_ =	sdelay $0x4  }
0x67: {  	s31 =	simm.s32 $0x80;
	s30 =	simm.s32 $0x0;
	s29 =	simm.s32 $0x10;
	[tilespmem:v6+s22+$0x0] =	vst.idx.msk vm0, v5  }
.LBB2_6:
0x68: {  	p0 =	sne.s32 s31, $0x31C0;
	v5 =	vld [tilespmem:s29+$0xC80];
	_ =	sdelay $0x2  }
0x69: {  	s0 =	spop (v2sf)  }
0x6a: {  	s30 =	sadd.s32 s30, s0  }
0x6b: {  	v5 =	vsub.s32 v5, v4;
	v6 =	vmov s30  }
0x6c: {  	vm0 =	vlt.u32 v5, $0x3000;
	v6 =	vadd.s32 $0xFFFFFFFF, v6  }
0x6d: {  	v7 =	vsel vm0, $0x1, v1;
	v6 =	vbroadcast v6, $0x0  }
0x6e: {  	(xrf0) =	vadd.scan.msk.s32 $0xffff, v7;
	_ =	sdelay $0x5  }
0x6f: {  	v7, _, _ =	vpop (xrf0)  }
0x70: {  	v6 =	vadd.s32 v7, v6;
	(v2sf) =	vpush v7, $0xF;
	_ =	sdelay $0x4  }
0x71: {  	[tilespmem:v6+s21+$0x0] =	vst.idx.msk vm0, v5  }
0x72: {  	v5 =	vld [tilespmem:s29+$0x0]  }
.Ltmp7:
0x73: {  	(pc) =	sbr.rel @p0 .LBB2_6-.Ltmp7, $2  }
0x74: {  	_ =	sdelay $0x2  }
0x75: {  	s29 =	sshra.s32 s31, $0x2;
	s31 =	sadd.s32 $0x40, s31;
	[tilespmem:v6+s22+$0x0] =	vst.idx.msk vm0, v5  }
0x76: {  	v5 =	vld [tilespmem:s29+$0xC80];
	_ =	sdelay $0x4  }
0x77: {  	v5 =	vsub.s32 v5, v4  }
0x78: {  	vm0 =	vlt.u32 v5, $0x3000  }
0x79: {  	v6 =	vsel vm0, $0x1, v1  }
0x7a: {  	(xrf0) =	vadd.scan.msk.s32 $0xffff, v6;
	_ =	sdelay $0x5  }
0x7b: {  	v6, _, _ =	vpop (xrf0)  }
0x7c: {  	(v2sf) =	vpush v6, $0xF;
	_ =	sdelay $0xd  }
0x7d: {  	s0 =	spop (v2sf)  }
0x7e: {  	s31 =	sadd.s32 s30, s0;
	s0 =	spop (v2sf)  }
0x7f: {  	s12 =	sadd.s32 s31, s0  }
0x80: {  	s30 =	sadd.s32 $0x7F, s12  }
0x81: {  	s3 =	sand.u32 $0x7F, s30  }
0x82: {  	p1 =	slt.s32 s30, $0x1;
	p0 =	sne.s32 s3, $0x0;
	s3 =	sshra.s32 s30, $0x1F  }
0x83: {  	s3 =	sshrl.u32 s3, $0x19;
	p0 =	por !p1, !p0  }
0x84: {  	s3 =	sadd.s32 s3, s30;
	p0 =	por !p0, !p0;
	s30 =	simm.s32 $0x1  }
0x85: {  	v7 =	vmov s31;
	s3 =	sshra.s32 s3, $0x7;
	s30 =	simm.s32 @!p0 $0x0  }
0x86: {  	v7 =	vadd.s32 $0xFFFFFFFF, v7;
	s30 =	ssub.s32 s3, s30  }
0x87: {  	v7 =	vbroadcast v7, $0x0;
	s3 =	sshll.u32 s30, $0x7  }
0x88: {  	s3 =	ssub.s32 s3, s12  }
0x89: {  	v6 =	vadd.s32 v6, v7;
	s3 =	sadd.s32 $0xF, s3  }
0x8a: {  	s12 =	sand.u32 $0xF, s3  }
0x8b: {  	p6 =	slt.s32 s3, $0x1;
	p5 =	sne.s32 s12, $0x0;
	s12 =	sshra.s32 s3, $0x1F  }
0x8c: {  	s12 =	sshrl.u32 s12, $0x1C;
	p0 =	por !p6, !p5  }
0x8d: {  	s3 =	sadd.s32 s12, s3;
	p0 =	por !p0, !p0;
	s12 =	simm.s32 $0x1  }
0x8e: {  	[tilespmem:v6+s21+$0x0] =	vst.idx.msk vm0, v5;
	s3 =	sshra.s32 s3, $0x4;
	s12 =	simm.s32 @!p0 $0x0  }
0x8f: {  	v5 =	vld [tilespmem:s29+$0x0];
	s29 =	ssub.s32 s3, s12  }
0x90: {  	p0 =	slt.s32 s29, $0x1  }
.Ltmp8:
0x91: {  	_ = 	snop;
	(pc) =	sbr.rel @p0 .LBB2_11-.Ltmp8, $2  }
0x92: {  	_ =	sdelay $0x2  }
0x93: {  	[tilespmem:v6+s22+$0x0] =	vst.idx.msk vm0, v5  }
0x94: {  	s31 =	sadd.s32 s31, s0  }
0x95: {  	p0 =	seq.s32 s29, $0x1;
	v5 =	vadd.s32 s31, v2  }
.Ltmp9:
0x96: {  	_ = 	snop;
	(pc) =	sbr.rel @p0 .LBB2_10-.Ltmp9, $2  }
0x97: {  	_ =	sdelay $0x2  }
0x98: {  	s0 =	sadd.s32 $0xFFFFFFFF, s29;
	s29 =	sadd.s32 $0x10, s31;
	[tilespmem:v5+s21+$0x0] =	vst.idx.msk $0xffff, v3  }
.LBB2_9:
0x99: {  	[tilespmem:v5+s22+$0x0] =	vst.idx.msk $0xffff, v1;
	v5 =	vadd.s32 s29, v2;
	p0 =	seq.s32 s0, $0x1  }
.Ltmp10:
0x9a: {  	s0 =	sadd.s32 $0xFFFFFFFF, s0;
	(pc) =	sbr.rel @!p0 .LBB2_9-.Ltmp10, $2  }
0x9b: {  	_ =	sdelay $0x2  }
0x9c: {  	s29 =	sadd.s32 $0x10, s29;
	[tilespmem:v5+s21+$0x0] =	vst.idx.msk $0xffff, v3  }
.LBB2_10:
0x9d: {  	_ =	sdelay $0x3  }
0x9e: {  	[tilespmem:v5+s22+$0x0] =	vst.idx.msk $0xffff, v1  }
.LBB2_11:
0x9f: {  	p0 =	sgt.s32 s30, $0x0  }
.Ltmp11:
0xa0: {  	_ = 	snop;
	(pc) =	sbr.rel @!p0 .LBB2_15-.Ltmp11, $1  }
0xa1: {  	_ =	sdelay $0x3  }
0xa2: {  	s0 =	simm.s32 $0x1900  }
0xa3: {  	[tilespmem:s18], [sflag:$0x1] =	stream.indirect.gather [hbm4b:s1+s23], $0x80, s0, s23, $0xb8;
	[tilespmem:$0x1FD00] =	vst v63  }
0xa4: {  	p0 =	sne.s32 s30, $0x1;
	_ =	swait.ge [sflag:s19], $0x4000  }
.Ltmp12:
0xa5: {  	[sflag:s19] =	ssyncset.done $0x0;
	(pc) =	sbr.rel @!p0 .LBB2_14-.Ltmp12, $4  }
0xa6: {  	s29 =	simm.s32 $0x2900;
	[sflag:s19] =	ssyncadd.s32 $0xFFFFC000  }
0xa7: {  	[spmem:s2] =	stream.indirect.scatter.add.f32 [tilespmem:s18], [sflag:$0x1], $0x80, s29, s23, $0xb8;
	[tilespmem:$0x1FD00] =	vst v63  }
0xa8: {  	_ =	swait.ge [sflag:s19], $0x4000  }
0xa9: {  	s30 =	sadd.s32 $0xFFFFFFFF, s30;
	[sflag:s19] =	ssyncset.done $0x0  }
.LBB2_13:
0xaa: {  	[sflag:s19] =	ssyncadd.s32 $0xFFFFC000;
	s0 =	sadd.s32 $0x80, s0;
	s29 =	sadd.s32 $0x80, s29  }
0xab: {  	[tilespmem:s18], [sflag:$0x1] =	stream.indirect.gather [hbm4b:s1+s23], $0x80, s0, s23, $0xb8;
	[tilespmem:$0x1FD00] =	vst v63  }
0xac: {  	p0 =	sne.s32 s30, $0x1;
	s30 =	sadd.s32 $0xFFFFFFFF, s30;
	_ =	swait.ge [sflag:s19], $0x4000  }
.Ltmp13:
0xad: {  	[sflag:s19] =	ssyncset.done $0x0;
	(pc) =	sbr.rel @p0 .LBB2_13-.Ltmp13, $4  }
0xae: {  	[sflag:s19] =	ssyncadd.s32 $0xFFFFC000  }
0xaf: {  	[spmem:s2] =	stream.indirect.scatter.add.f32 [tilespmem:s18], [sflag:$0x1], $0x80, s29, s23, $0xb8;
	[tilespmem:$0x1FD00] =	vst v63  }
0xb0: {  	_ =	swait.ge [sflag:s19], $0x4000  }
0xb1: {  	[sflag:s19] =	ssyncset.done $0x0  }
.Ltmp14:
0xb2: {  	_ = 	snop;
	(pc) =	sbr.rel .LBB2_14-.Ltmp14, $1  }
0xb3: {  	_ =	sdelay $0x3  }
.LBB2_18:
0xb4: {  	_ =	sfence.sel $0x180000  }
0xb5: {  	[bflag:$0x0] =	sbarrier.arrive $0xFFFF  }
0xb6: {  	_ =	strace $0x9000004D  }
0xb7: {  	[bflag:$0x2] =	sbarrier.arrive $0xFFFF  }
0xb8: {  	p0 =	sne.s32 s4, $0x0;
	s0 =	rddreg [dreg:$0x3]  }
0xb9: {  	s0 =	sadd.s32 @!p0 $0x100000, s0  }
0xba: {  	[sflag:s0] =	ssyncadd.tile.s32 @!p0 $0x1;
	_ =	shalt  }
.Lfunc_end2:
_tile_overlayer_lowered:
.L_overlay_start_2:
0xbb: {  	(tag) =	ssettag $0x2  }
0xbc: {  	s0 =	rddreg [dreg:$0x0];
	s2 =	stileid.u32  }
0xbd: {  	s1 =	rddreg [dreg:$0x1];
	p0 =	sne.s32 s2, $0x0  }
0xbe: {  	s3 =	rddreg [dreg:$0x2];
	[bflag:$0x3] =	sbarrier.arrive $0xFFFF;
	s2 =	simm.s32 @!p0 $0x1C01  }
0xbf: {  	[timem:s3], [sflag:s2] =	dma.local @!p0 [hbm:s0], s1  }
0xc0: {  	s0 =	simm.s32 @!p0 $0x1  }
0xc1: {  	_ =	swait.ge @!p0 [sflag:s0], s1  }
0xc2: {  	s1 =	ssub.s32 @!p0 $0x0, s1;
	[sflag:s0] =	ssyncset.done @!p0 $0x0  }
0xc3: {  	[sflag:s0] =	ssyncadd.s32 @!p0 s1  }
0xc4: {  	[bflag:$0x3] =	sbarrier.arrive $0xFFFF  }
0xc5: {  	_ =	shalt  }

// kernel: kernel.7.cloned.1.call-start
scs
__scs_entry_jumppad:
0x0: {  	(pc) =	sbr.rel $0x88, $3  }
0x1: {  	(tag) =	ssettag $0x0;
	lr =	simm.s32 $0x1  }
0x2: {  	[smem:$0x3F96] =	sst lr;
	_ =	strace $0xD0000000  }
0x3: {  	_ = 	snop  }
0x4: {  	_ = 	snop  }
0x5: {  	_ = 	snop  }
0x6: {  	_ = 	snop  }
0x7: {  	_ = 	snop  }
__scs_overlays_trampoline_lowered:
0x8: {  	[smem:$0x3FA5] =	sst s0  }
0x9: {  	[smem:$0x3FA6] =	sst s1  }
0xa: {  	[smem:$0x3FA7] =	sst s2  }
0xb: {  	[smem:$0x3FA8] =	sst s3  }
0xc: {  	[smem:$0x3FA9] =	sst s4  }
0xd: {  	[smem:$0x3FAA] =	sst s5  }
0xe: {  	[smem:$0x3FAB] =	sst s6  }
0xf: {  	[smem:$0x3FAC] =	sst s7  }
0x10: {  	[smem:$0x3FAD] =	sst s8  }
0x11: {  	[smem:$0x3FAE] =	sst s9;
	s0 =	simm.s32 @!p0 $0x0  }
0x12: {  	s1 =	sld [smem:$0x3F94];
	s0 =	simm.s32 @p0 $0x1  }
0x13: {  	[smem:$0x3FAF] =	sst s0;
	s0 =	simm.s32 @!p1 $0x0  }
0x14: {  	s2 =	sld [smem:$0x3F93];
	s0 =	simm.s32 @p1 $0x1  }
0x15: {  	[smem:$0x3FB0] =	sst s0;
	s0 =	simm.s32 @!p2 $0x0  }
0x16: {  	s3 =	sld [smem:$0x3FDB];
	s0 =	simm.s32 @p2 $0x1  }
0x17: {  	s4 =	simm.s32 $0x1BF5;
	[smem:$0x3FB2] =	sst s0  }
0x18: {  	s0 =	sld [smem:$0x3F95];
	_ =	swait.ge [sflag:s4], $0x0  }
0x19: {  	s7 =	sld [smem:$0x3F96]  }
0x1a: {  	s8 =	sadd.s32 $0xFFFFE003, lr  }
0x1b: {  	s9 =	sadd.s32 $0xFFFFFEF7, lr;
	s5 =	simm.s32 $0xFFFFFFFF;
	p2 =	slt.u32 s8, $0xFFFFF086  }
0x1c: {  	p1 =	slt.u32 s9, $0xF7A;
	s5 =	simm.s32 @!p2 $0x0  }
0x1d: {  	s5 =	simm.s32 @p1 $0x1;
	p0 =	seq.s32 s7, s2  }
0x1e: {  	s7 =	smul.u32 @!p0 $0xF7A, s2;
	p2 =	seq.s32 @!p0 s5, $0x0  }
0x1f: {  	s9 =	smul.u32 $0xF7A, s1;
	s8 =	simm.s32 @!p0 $0x1BF5;
	p2 =	por !p2, p0  }
0x20: {  	[sflag:s8] =	ssyncset.s32 @!p0 $0xFFFFF086;
	s6 =	sadd.s32 @!p0 s3, s7;
	s7 =	simm.s32 @!p0 $0x108  }
0x21: {  	s3 =	sadd.s32 s3, s9;
	s6 =	sadd.s32 @!p0 $0x88, s6;
	s7 =	simm.s32 @p2 $0x1082  }
0x22: {  	[simem:s7], [sflag:s8] =	dma.local @!p0 [hbm:s6], $0xF7A  }
0x23: {  	s9 =	sor.u32 $0xD0000000, s2;
	s6 =	simm.s32 $0x108;
	_ =	swait.ge @!p0 [sflag:s8], $0x0  }
0x24: {  	s3 =	sadd.s32 $0x88, s3;
	s6 =	simm.s32 @!p1 $0x1082;
	[sflag:s4] =	ssyncset.s32 $0xFFFFF086  }
0x25: {  	[simem:s6], [sflag:s4] =	dma.local [hbm:s3], $0xF7A  }
0x26: {  	[smem:$0x3F96] =	sst s1;
	(tag) =	ssettag s2;
	_ =	strace s9  }
0x27: {  	s1 =	sld [smem:$0x3FA6]  }
0x28: {  	s2 =	sld [smem:$0x3FA7]  }
0x29: {  	s4 =	sld [smem:$0x3FA9]  }
0x2a: {  	p0 =	seq.s32 s5, $0x0;
	s5 =	sld [smem:$0x3FAA]  }
0x2b: {  	s6 =	sld [smem:$0x3FAB]  }
0x2c: {  	s7 =	sld [smem:$0x3FAC]  }
0x2d: {  	s3 =	simm.s32 $0x108;
	s8 =	sld [smem:$0x3FAD]  }
0x2e: {  	s3 =	simm.s32 @!p0 $0x1082;
	s9 =	sld [smem:$0x3FAE]  }
0x2f: {  	lr =	sadd.s32 s0, s3;
	s0 =	sld [smem:$0x3FA5]  }
0x30: {  	s3 =	sld [smem:$0x3FA8]  }
0x31: {  	[smem:$0x3FB1] =	sst s10  }
0x32: {  	s10 =	sld [smem:$0x3FAF];
	_ =	sdelay $0x3  }
0x33: {  	p0 =	seq.s32 s10, $0x1;
	s10 =	sld [smem:$0x3FB1];
	_ =	sdelay $0x3  }
0x34: {  	[smem:$0x3FB1] =	sst s10  }
0x35: {  	s10 =	sld [smem:$0x3FB0];
	_ =	sdelay $0x3  }
0x36: {  	p1 =	seq.s32 s10, $0x1;
	s10 =	sld [smem:$0x3FB1];
	_ =	sdelay $0x3  }
0x37: {  	[smem:$0x3FB1] =	sst s10  }
0x38: {  	s10 =	sld [smem:$0x3FB2]  }
0x39: {  	_ = 	snop;
	(pc) =	sbr.ind lr, $3  }
0x3a: {  	_ = 	snop  }
0x3b: {  	_ = 	snop  }
0x3c: {  	p2 =	seq.s32 s10, $0x1;
	s10 =	sld [smem:$0x3FB1]  }
0x3d: {  	_ =	shalt  }
0x3e: {  	_ =	shalt  }
0x3f: {  	_ =	shalt  }
0x40: {  	_ =	shalt  }
0x41: {  	_ =	shalt  }
0x42: {  	_ =	shalt  }
0x43: {  	_ =	shalt  }
0x44: {  	_ =	shalt  }
0x45: {  	_ =	shalt  }
0x46: {  	_ =	shalt  }
0x47: {  	_ =	shalt  }
0x48: {  	_ =	shalt  }
0x49: {  	_ =	shalt  }
0x4a: {  	_ =	shalt  }
0x4b: {  	_ =	shalt  }
0x4c: {  	_ =	shalt  }
0x4d: {  	_ =	shalt  }
0x4e: {  	_ =	shalt  }
0x4f: {  	_ =	shalt  }
0x50: {  	_ =	shalt  }
0x51: {  	_ =	shalt  }
0x52: {  	_ =	shalt  }
0x53: {  	_ =	shalt  }
0x54: {  	_ =	shalt  }
0x55: {  	_ =	shalt  }
0x56: {  	_ =	shalt  }
0x57: {  	_ =	shalt  }
0x58: {  	_ =	shalt  }
0x59: {  	_ =	shalt  }
0x5a: {  	_ =	shalt  }
0x5b: {  	_ =	shalt  }
0x5c: {  	_ =	shalt  }
0x5d: {  	_ =	shalt  }
0x5e: {  	_ =	shalt  }
0x5f: {  	_ =	shalt  }
0x60: {  	_ =	shalt  }
0x61: {  	_ =	shalt  }
0x62: {  	_ =	shalt  }
0x63: {  	_ =	shalt  }
0x64: {  	_ =	shalt  }
0x65: {  	_ =	shalt  }
0x66: {  	_ =	shalt  }
0x67: {  	_ =	shalt  }
0x68: {  	_ =	shalt  }
0x69: {  	_ =	shalt  }
0x6a: {  	_ =	shalt  }
0x6b: {  	_ =	shalt  }
0x6c: {  	_ =	shalt  }
0x6d: {  	_ =	shalt  }
0x6e: {  	_ =	shalt  }
0x6f: {  	_ =	shalt  }
0x70: {  	_ =	shalt  }
0x71: {  	_ =	shalt  }
0x72: {  	_ =	shalt  }
0x73: {  	_ =	shalt  }
0x74: {  	_ =	shalt  }
0x75: {  	_ =	shalt  }
0x76: {  	_ =	shalt  }
0x77: {  	_ =	shalt  }
0x78: {  	_ =	shalt  }
0x79: {  	_ =	shalt  }
0x7a: {  	_ =	shalt  }
0x7b: {  	_ =	shalt  }
0x7c: {  	_ =	shalt  }
0x7d: {  	_ =	shalt  }
0x7e: {  	_ =	shalt  }
0x7f: {  	_ =	shalt  }
0x80: {  	_ =	shalt  }
0x81: {  	_ =	shalt  }
0x82: {  	_ =	shalt  }
0x83: {  	_ =	shalt  }
0x84: {  	_ =	shalt  }
0x85: {  	_ =	shalt  }
0x86: {  	_ =	shalt  }
0x87: {  	_ =	shalt  }
.Lfunc_end0:
.L_simem_size_0:
called_computation_lowered:
.L_overlay_start_0:
0x88: {  	s2 =	sld [smem:$0x3FD9]  }
0x89: {  	s3 =	sld [smem:$0x3FFE];
	_ =	sdelay $0x1  }
0x8a: {  	s1 =	srdreg.scid  }
0x8b: {  	s0 =	sand.u32 $0x1, s1  }
0x8c: {  	s14 =	sshll.u32 s0, $0xA;
	s2 =	sadd.s32 s3, s2  }
0x8d: {  	s2 =	sadd.s32 s2, s14  }
0x8e: {  	[smem:$0x3FBD] =	sst s2  }
0x8f: {  	_ = 	snop  }
0x90: {  	s2 =	sld [smem:$0x3FD0];
	_ =	sdelay $0x2  }
0x91: {  	s15 =	simm.s32 $0xD;
	s4 =	simm.s32 $0x10  }
0x92: {  	[smem:s4], [sflag:s15] =	dma.local [hbm:s2], $0x1  }
0x93: {  	_ =	swait.eq [sflag:s15], $0x1  }
0x94: {  	[sflag:s15] =	ssyncset.done $0x0  }
0x95: {  	s16 =	sld [smem:$0x10];
	[sflag:s15] =	ssyncadd.s32 $0xFFFFFFFF  }
0x96: {  	s17 =	sld [smem:$0x11];
	(tm) =	ssettm $0x1  }
0x97: {  	s18 =	sld [smem:$0x3FFB];
	_ =	sdelay $0x3  }
0x98: {  	_ =	strace s18  }
0x99: {  	s4 =	sld [smem:$0x3FFC];
	_ =	sdelay $0x3  }
0x9a: {  	_ =	strace s4  }
0x9b: {  	s4 =	sld [smem:$0x3FFD];
	_ =	sdelay $0x3  }
0x9c: {  	_ =	strace s4  }
0x9d: {  	_ =	strace $0x8FFFFFFF  }
0x9e: {  	s19 =	sld [smem:$0x3FDB];
	_ =	sdelay $0x1  }
0x9f: {  	s5 =	simm.s32 $_scs_section_size  }
0xa0: {  	s6 =	simm.s32 $_size__tile_overlayer_lowered;
	s7 =	simm.s32 $_tile_overlayer_lowered  }
0xa1: {  	s22 =	simm.s32 $0x1BFF;
	s21 =	sshll.u32 s7, $0x1;
	s4 =	sadd.s32 s5, s19  }
0xa2: {  	s8 =	simm.s32 $0x0;
	s20 =	sshll.u32 s6, $0x1;
	s6 =	sadd.s32 s21, s4  }
0xa3: {  	[timem:s8], [sflag:s22] =	dma.local [hbm:s6], s20  }
0xa4: {  	_ =	swait.ge [sflag:s22], s20  }
0xa5: {  	s5 =	ssub.s32 $0x0, s20;
	[sflag:s22] =	ssyncset.done $0x0  }
0xa6: {  	[sflag:s22] =	ssyncadd.s32 s5;
	_ =	sdelay $0x1  }
0xa7: {  	s23 =	simm.s32 $0x1B8B  }
0xa8: {  	_ =	swait.ge [sflag:s23], $0x1  }
0xa9: {  	[sflag:s23] =	ssyncset.done $0x0  }
0xaa: {  	s25 =	simm.s32 $0x1B8E;
	s24 =	sld [smem:$0x3FFE];
	[sflag:s23] =	ssyncadd.s32 $0xFFFFFFFF  }
0xab: {  	s26 =	simm.s32 $execute0_lowered;
	[smem:$0x3FD2] =	sst s25  }
0xac: {  	s6 =	sshll.u32 s26, $0x1;
	_ =	strace $0x80000046;
	[dreg:$0x1] =	wrdreg $0xFFFFFFFF  }
0xad: {  	s28 =	simm.s32 $_size_execute0_lowered;
	s4 =	sadd.s32 s4, s6;
	[dreg:$0x0] =	wrdreg $0x0  }
0xae: {  	s6 =	sshll.u32 s28, $0x1;
	[dreg:$0x2] =	wrdreg s4  }
0xaf: {  	[dreg:$0x3] =	wrdreg s6  }
0xb0: {  	[dreg:$0x4] =	wrdreg $0xC0  }
0xb1: {  	_ =	task [dreg:s8], $0x5FFFF  }
0xb2: {  	[dreg:$0x1] =	wrdreg $0xFFFFFFFF  }
0xb3: {  	[dreg:$0x0] =	wrdreg $0x60  }
0xb4: {  	[dreg:$0x2] =	wrdreg s17  }
0xb5: {  	[dreg:$0x3] =	wrdreg s24  }
0xb6: {  	[dreg:$0x4] =	wrdreg s16  }
0xb7: {  	[dreg:$0x5] =	wrdreg $0x1C800  }
0xb8: {  	[dreg:$0x6] =	wrdreg $0x9  }
0xb9: {  	_ =	task.clear_ibuf [dreg:s8], $0x7FFFF;
	_ =	strace $0x90000046  }
0xba: {  	s29 =	simm.s32 $0x9;
	_ =	strace $0x80000048  }
0xbb: {  	_ =	swait.ge [sflag:s29], $0x1  }
0xbc: {  	[sflag:s29] =	ssyncadd.s32 $0xFFFFFFFF  }
0xbd: {  	_ =	strace $0x90000048  }
0xbe: {  	_ =	sfence  }
0xbf: {  	s30 =	sld [smem:$0x0];
	_ =	sdelay $0x2  }
0xc0: {  	s31 =	sshll.u32 s1, $0xD;
	s1 =	sshrl.u32 s1, $0x2  }
0xc1: {  	s3 =	sand.u32 $0x4000, s31;
	s1 =	sadd.s32 s1, s30  }
0xc2: {  	s0 =	sor.u32 s3, s0;
	s1 =	sshll.u32 s1, $0x11  }
0xc3: {  	s0 =	sor.u32 s1, s0  }
0xc4: {  	s0 =	sadd.s32 $0x8F2B, s0  }
0xc5: {  	[sflag:s0] =	ssyncadd.remote.s32 $0x1  }
0xc6: {  	_ =	sfence.sel $0xFFFF  }
0xc7: {  	[dreg:$0x0] =	wrdreg $0xFFFFFFFF;
	(pc) =	sbr.abs _section_cstart, $3  }
0xc8: {  	[dreg:$0x1] =	wrdreg $0xFFFFFFFF  }
0xc9: {  	_ =	task.clear_ibuf [dreg:s8], $0x2FFFF;
	_ =	strace $0x9FFFFFFF  }
0xca: {  	(tm) =	ssettm $0x7FFFFFFF  }
0xcb: {  	_ =	shalt  }
tec
execute0_lowered:
.L_overlay_start_1:
0x0: {  	(tag) =	ssettag $0x1  }
0x1: {  	s6 =	rddreg [dreg:$0x0]  }
0x2: {  	s7 =	rddreg [dreg:$0x1]  }
0x3: {  	s10 =	rddreg [dreg:$0x2]  }
0x4: {  	s0 =	srdreg.scid;
	s2 =	rddreg [dreg:$0x3];
	s3 =	simm.s32 $0x0  }
0x5: {  	s16 =	simm.s32 $0x1C00;
	s5 =	sand.u32 $0x1, s0;
	s0 =	stileid.u32  }
0x6: {  	s17 =	simm.s32 $0x0;
	[smem:$0x7FF] =	sst s3;
	s8 =	smul.u32 $0x1880, s0  }
0x7: {  	s1 =	sshll.u32 s5, $0x4;
	s4 =	smul.u32 $0x18800, s5;
	s5 =	ssub.s32 $0x2, s5  }
0x8: {  	s13 =	sshll.u32 s0, $0x6;
	s1 =	sor.u32 s0, s1;
	s31 =	sshrl.u32 s5, $0x1  }
0x9: {  	s11 =	smul.u32 $0x380, s1;
	s1 =	rddreg [dreg:$0x4];
	_ =	strace $0x80000047  }
0xa: {  	s12 =	sadd.s32 s8, s4;
	s4 =	sadd.s32 $0x14000, s7;
	s14 =	ssub.s32 s5, s31  }
0xb: {  	s15 =	sadd.s32 s8, s2;
	s5 =	sor.u32 $0x1C01, s13;
	s12 =	sshrl.u32 s12, $0x3  }
0xc: {  	s13 =	sshrl.u32 s15, $0x3;
	s15 =	simm.s32 $0x80;
	s9 =	sadd.s32 s11, s7  }
0xd: {  	s12 =	sadd.s32 s12, s7;
	s6 =	sadd.s32 s6, s11;
	s10 =	sadd.s32 s10, s11  }
0xe: {  	s7 =	sadd.s32 $0x14400, s12;
	s8 =	sadd.s32 $0xD000, s9;
	s9 =	sadd.s32 $0x20800, s12  }
0xf: {  	v0 =	vimm.f32 $1.000000000e+00;
	s11 =	sadd.s32 $0x1A600, s12;
	s12 =	smax.u32 s14, $0x1;
	s14 =	simm.s32 $0x1  }
.LBB2_1:
0x10: {  	[tilespmem:$0x1C00] =	vst v0  }
0x11: {  	[tilespmem:$0x1C10] =	vst v0  }
0x12: {  	[tilespmem:$0x1C20] =	vst v0  }
0x13: {  	[tilespmem:$0x1C30] =	vst v0  }
0x14: {  	[tilespmem:$0x1C40] =	vst v0  }
0x15: {  	[tilespmem:$0x1C50] =	vst v0  }
0x16: {  	[tilespmem:$0x1C60] =	vst v0  }
0x17: {  	[tilespmem:$0x1C70] =	vst v0  }
0x18: {  	[spmem:s13], [sflag:s5] =	dma.local [hbm:s4], $0x310  }
0x19: {  	_ =	swait.ge [sflag:s14], $0x310  }
0x1a: {  	[sflag:s14] =	ssyncset.done $0x0  }
0x1b: {  	[sflag:s14] =	ssyncadd.s32 $0xFFFFFCF0  }
0x1c: {  	[bflag:$0x0] =	sbarrier.arrive $0xFFFF  }
0x1d: {  	[tilespmem:s3], [sflag:$0x1] =	stream.linear.gather [hbm4b:s6+s3], $0x1C00, $0x38;
	[tilespmem:$0x3500] =	vst v63  }
0x1e: {  	_ =	swait.ge [sflag:s14], $0x1C00  }
0x1f: {  	[sflag:s14] =	ssyncset.done $0x0  }
0x20: {  	s18 =	simm.s32 $0x0;
	[sflag:s14] =	ssyncadd.s32 $0xFFFFE400  }
0x21: {  	[spmem:s2] =	stream.indirect.scatter.add.f32 [tilespmem:s16], [sflag:$0x1], $0x1, s18, s15, $0xb8;
	[tilespmem:$0x3500] =	vst v63  }
0x22: {  	_ =	swait.ge [sflag:s14], $0x80  }
0x23: {  	s18 =	simm.s32 $0x200;
	[sflag:s14] =	ssyncset.done $0x0  }
.LBB2_2:
0x24: {  	s19 =	sshra.s32 s18, $0x2;
	[sflag:s14] =	ssyncadd.s32 $0xFFFFFF80;
	p0 =	sne.s32 s18, $0x6E00  }
0x25: {  	[spmem:s2] =	stream.indirect.scatter.add.f32 [tilespmem:s16], [sflag:$0x1], $0x1, s19, s15, $0xb8;
	[tilespmem:$0x3500] =	vst v63  }
.Ltmp0:
0x26: {  	_ = 	snop;
	(pc) =	sbr.rel @p0 .LBB2_2-.Ltmp0, $4  }
0x27: {  	_ = 	snop  }
0x28: {  	s18 =	sadd.s32 $0x200, s18  }
0x29: {  	_ =	swait.ge [sflag:s14], $0x80  }
0x2a: {  	[sflag:s14] =	ssyncset.done $0x0  }
0x2b: {  	[sflag:s14] =	ssyncadd.s32 $0xFFFFFF80  }
0x2c: {  	[bflag:$0x0] =	sbarrier.arrive $0xFFFF  }
0x2d: {  	[hbm:s7], [sflag:s5] =	dma.local [spmem:s13], $0x310  }
0x2e: {  	_ =	swait.ge [sflag:s14], $0x310  }
0x2f: {  	[sflag:s14] =	ssyncset.done $0x0  }
0x30: {  	[sflag:s14] =	ssyncadd.s32 $0xFFFFFCF0  }
0x31: {  	[spmem:s13], [sflag:s5] =	dma.local [hbm:s4], $0x310  }
0x32: {  	_ =	swait.ge [sflag:s14], $0x310  }
0x33: {  	[sflag:s14] =	ssyncset.done $0x0  }
0x34: {  	[sflag:s14] =	ssyncadd.s32 $0xFFFFFCF0  }
0x35: {  	s18 =	simm.s32 $0x0;
	[bflag:$0x0] =	sbarrier.arrive $0xFFFF  }
0x36: {  	[tilespmem:s18], [sflag:$0x1] =	stream.linear.gather [hbm4b:s8+s18], $0x1C00, $0x38;
	[tilespmem:$0x3500] =	vst v63  }
0x37: {  	_ =	swait.ge [sflag:s14], $0x1C00  }
0x38: {  	[sflag:s14] =	ssyncset.done $0x0  }
0x39: {  	s31 =	simm.s32 $0x0;
	[sflag:s14] =	ssyncadd.s32 $0xFFFFE400  }
0x3a: {  	[spmem:s2] =	stream.indirect.scatter.add.f32 [tilespmem:s16], [sflag:$0x1], $0x1, s31, s15, $0xb8;
	[tilespmem:$0x3500] =	vst v63  }
0x3b: {  	_ =	swait.ge [sflag:s14], $0x80  }
0x3c: {  	s18 =	simm.s32 $0x200;
	[sflag:s14] =	ssyncset.done $0x0  }
.LBB2_4:
0x3d: {  	s19 =	sshra.s32 s18, $0x2;
	[sflag:s14] =	ssyncadd.s32 $0xFFFFFF80;
	p0 =	sne.s32 s18, $0x6E00  }
0x3e: {  	[spmem:s2] =	stream.indirect.scatter.add.f32 [tilespmem:s16], [sflag:$0x1], $0x1, s19, s15, $0xb8;
	[tilespmem:$0x3500] =	vst v63  }
.Ltmp1:
0x3f: {  	_ = 	snop;
	(pc) =	sbr.rel @p0 .LBB2_4-.Ltmp1, $4  }
0x40: {  	_ = 	snop  }
0x41: {  	s18 =	sadd.s32 $0x200, s18  }
0x42: {  	_ =	swait.ge [sflag:s14], $0x80  }
0x43: {  	[sflag:s14] =	ssyncset.done $0x0  }
0x44: {  	[sflag:s14] =	ssyncadd.s32 $0xFFFFFF80  }
0x45: {  	[bflag:$0x0] =	sbarrier.arrive $0xFFFF  }
0x46: {  	[hbm:s9], [sflag:s5] =	dma.local [spmem:s13], $0x310  }
0x47: {  	_ =	swait.ge [sflag:s14], $0x310  }
0x48: {  	[sflag:s14] =	ssyncset.done $0x0  }
0x49: {  	[sflag:s14] =	ssyncadd.s32 $0xFFFFFCF0  }
0x4a: {  	[spmem:s13], [sflag:s5] =	dma.local [hbm:s4], $0x310  }
0x4b: {  	_ =	swait.ge [sflag:s14], $0x310  }
0x4c: {  	[sflag:s14] =	ssyncset.done $0x0  }
0x4d: {  	[sflag:s14] =	ssyncadd.s32 $0xFFFFFCF0  }
0x4e: {  	s18 =	simm.s32 $0x0;
	[bflag:$0x0] =	sbarrier.arrive $0xFFFF  }
0x4f: {  	[tilespmem:s18], [sflag:$0x1] =	stream.linear.gather [hbm4b:s10+s18], $0x1C00, $0x38;
	[tilespmem:$0x3500] =	vst v63  }
0x50: {  	_ =	swait.ge [sflag:s14], $0x1C00  }
0x51: {  	[sflag:s14] =	ssyncset.done $0x0  }
0x52: {  	s31 =	simm.s32 $0x0;
	[sflag:s14] =	ssyncadd.s32 $0xFFFFE400  }
0x53: {  	[spmem:s2] =	stream.indirect.scatter.add.f32 [tilespmem:s16], [sflag:$0x1], $0x1, s31, s15, $0xb8;
	[tilespmem:$0x3500] =	vst v63  }
0x54: {  	_ =	swait.ge [sflag:s14], $0x80  }
0x55: {  	s18 =	simm.s32 $0x200;
	[sflag:s14] =	ssyncset.done $0x0  }
.LBB2_6:
0x56: {  	s19 =	sshra.s32 s18, $0x2;
	[sflag:s14] =	ssyncadd.s32 $0xFFFFFF80;
	p0 =	sne.s32 s18, $0x6E00  }
0x57: {  	[spmem:s2] =	stream.indirect.scatter.add.f32 [tilespmem:s16], [sflag:$0x1], $0x1, s19, s15, $0xb8;
	[tilespmem:$0x3500] =	vst v63  }
.Ltmp2:
0x58: {  	_ = 	snop;
	(pc) =	sbr.rel @p0 .LBB2_6-.Ltmp2, $4  }
0x59: {  	_ = 	snop  }
0x5a: {  	s18 =	sadd.s32 $0x200, s18  }
0x5b: {  	_ =	swait.ge [sflag:s14], $0x80  }
0x5c: {  	[sflag:s14] =	ssyncset.done $0x0  }
0x5d: {  	s17 =	sadd.s32 $0x1, s17  }
0x5e: {  	[sflag:s14] =	ssyncadd.s32 $0xFFFFFF80;
	p0 =	sne.s32 s17, s12  }
.Ltmp3:
0x5f: {  	[bflag:$0x0] =	sbarrier.arrive $0xFFFF;
	(pc) =	sbr.rel @p0 .LBB2_1-.Ltmp3, $4  }
0x60: {  	[hbm:s11], [sflag:s5] =	dma.local [spmem:s13], $0x310  }
0x61: {  	_ =	swait.ge [sflag:s14], $0x310  }
0x62: {  	[sflag:s14] =	ssyncset.done $0x0  }
0x63: {  	[sflag:s14] =	ssyncadd.s32 $0xFFFFFCF0  }
0x64: {  	_ =	sfence.sel $0x180000  }
0x65: {  	[bflag:$0x0] =	sbarrier.arrive $0xFFFF  }
0x66: {  	p0 =	sne.s32 s0, $0x0;
	_ =	strace $0x90000047  }
0x67: {  	s0 =	sadd.s32 @!p0 $0x100000, s1;
	[bflag:$0x2] =	sbarrier.arrive $0xFFFF  }
0x68: {  	[sflag:s0] =	ssyncadd.tile.s32 @!p0 $0x1;
	_ =	shalt  }
.Lfunc_end2:
_tile_overlayer_lowered:
.L_overlay_start_2:
0x69: {  	(tag) =	ssettag $0x2  }
0x6a: {  	s0 =	rddreg [dreg:$0x0];
	s2 =	stileid.u32  }
0x6b: {  	s1 =	rddreg [dreg:$0x1];
	p0 =	sne.s32 s2, $0x0  }
0x6c: {  	s3 =	rddreg [dreg:$0x2];
	[bflag:$0x3] =	sbarrier.arrive $0xFFFF;
	s2 =	simm.s32 @!p0 $0x1C01  }
0x6d: {  	[timem:s3], [sflag:s2] =	dma.local @!p0 [hbm:s0], s1  }
0x6e: {  	s0 =	simm.s32 @!p0 $0x1  }
0x6f: {  	_ =	swait.ge @!p0 [sflag:s0], s1  }
0x70: {  	s1 =	ssub.s32 @!p0 $0x0, s1;
	[sflag:s0] =	ssyncset.done @!p0 $0x0  }
0x71: {  	[sflag:s0] =	ssyncadd.s32 @!p0 s1  }
0x72: {  	[bflag:$0x3] =	sbarrier.arrive $0xFFFF  }
0x73: {  	_ =	shalt  }

</sc_bundles>
